<compile_context>
chip_gen: v7x
topology: tpu7x:2x2x1
jax: 0.10.2.dev20260603
libtpu: 0.0.44.dev20260713+nightly
codegen_flags: <defaults>
</compile_context>

<pallas_src>
import functools

import jax
import jax.numpy as jnp
from jax import lax
from jax.experimental import pallas as pl
from jax.experimental.pallas import tpu as pltpu
from jax.experimental.pallas import tpu_sc as plsc

N = 10000
E = 320000
D = 128
G = 64

NC = 2
NS = 16
L = 16
NW = NC * NS

EP = 327680
CHUNK = 128
ROWS = EP // CHUNK
CPT = ROWS // NW
DCH = 128
DROWS = EP // DCH
DCPT = DROWS // NW
NPAD = 10112
RPT = NPAD // NS

BN = 1000
NGRID = N // BN



_mesh = plsc.VectorSubcoreMesh(core_axis_name="c", subcore_axis_name="s")


@functools.partial(
    pl.kernel,
    out_type=jax.ShapeDtypeStruct((NC, NPAD, D), jnp.float32),
    mesh=_mesh,
    scratch_types=[
        pltpu.VMEM_SHARED((NPAD, D), jnp.float32),
        pltpu.VMEM((DCPT, DCH), jnp.int32),
        pltpu.VMEM((DCH, D), jnp.float32),
    ],
)
def _deg_kernel(dst_hbm, zeros_hbm, ones_hbm, out_hbm, acc, didx, onesv):
    c = lax.axis_index("c")
    s = lax.axis_index("s")
    w = c * NS + s
    pltpu.sync_copy(zeros_hbm.at[pl.ds(s * RPT, RPT)], acc.at[pl.ds(s * RPT, RPT)])
    pltpu.sync_copy(dst_hbm.at[pl.ds(w * DCPT, DCPT)], didx)
    pltpu.sync_copy(ones_hbm, onesv)
    plsc.subcore_barrier()

    def body(j, carry):
        pltpu.sync_copy(onesv, acc.at[didx.at[j]], add=True)
        return carry

    lax.fori_loop(0, DCPT, body, 0)
    plsc.subcore_barrier()
    pltpu.sync_copy(acc.at[pl.ds(s * RPT, RPT)], out_hbm.at[c, pl.ds(s * RPT, RPT)])


NBUF = 2
IB = 4
CPP = 2 * CPT
K0 = 128
K1 = CPP - K0


@functools.partial(
    pl.kernel,
    out_type=jax.ShapeDtypeStruct((NC, NPAD, D), jnp.float32),
    mesh=_mesh,
    scratch_types=[
        pltpu.VMEM_SHARED((NPAD, D), jnp.float32),
        pltpu.VMEM((2, CHUNK), jnp.int32),
        pltpu.VMEM((2, CHUNK), jnp.int32),
        pltpu.VMEM((2, CHUNK), jnp.int32),
        pltpu.VMEM((2, CHUNK), jnp.int32),
        pltpu.VMEM((CHUNK, D), jnp.float32),
        pltpu.VMEM((CHUNK, D), jnp.float32),
        pltpu.SemaphoreType.DMA,
        pltpu.SemaphoreType.DMA,
        pltpu.SemaphoreType.DMA,
        pltpu.SemaphoreType.DMA,
        pltpu.SemaphoreType.DMA,
        pltpu.SemaphoreType.DMA,
    ],
)
def _agg_kernel(y_hbm, epk_hbm, zeros_hbm, out_hbm, acc, i0, i1, i2, i3,
                r0, r1, gs0, gs1, is0, is1, is2, is3):
    idxb = (i0, i1, i2, i3)
    rows = (r0, r1)
    gsems = (gs0, gs1)
    isems = (is0, is1, is2, is3)
    c = lax.axis_index("c")
    s = lax.axis_index("s")
    base = s * CPP + c * K0
    kc = jnp.where(c == 0, K0, K1)
    pltpu.sync_copy(zeros_hbm.at[pl.ds(s * RPT, RPT)], acc.at[pl.ds(s * RPT, RPT)])

    def fetch_idx(j, slot):
        pltpu.async_copy(epk_hbm.at[base + j], idxb[slot], isems[slot])

    def wait_idx(j, slot):
        pltpu.make_async_copy(epk_hbm.at[base + j], idxb[slot],
                              isems[slot]).wait()

    def fire_gather(slot, b):
        pltpu.async_copy(y_hbm.at[idxb[slot].at[0]], rows[b], gsems[b])

    def wait_gather(slot, b):
        pltpu.make_async_copy(y_hbm.at[idxb[slot].at[0]], rows[b],
                              gsems[b]).wait()

    for k in range(IB):
        fetch_idx(k, k)
    for k in range(NBUF):
        wait_idx(k, k)
        fire_gather(k, k)

    def outer(g, carry):
        for b4 in range(IB):
            j = g * IB + b4
            b = b4 % NBUF
            wait_gather(b4, b)
            pltpu.sync_copy(rows[b], acc.at[idxb[b4].at[1]], add=True)

            @pl.when(j + IB < kc)
            def _():
                fetch_idx(j + IB, b4)

            nslot = (b4 + NBUF) % IB

            @pl.when(j + NBUF < kc)
            def _():
                wait_idx(j + NBUF, nslot)
                fire_gather(nslot, b)
        return carry

    lax.fori_loop(0, kc // IB, outer, 0)
    plsc.subcore_barrier()
    pltpu.sync_copy(acc.at[pl.ds(s * RPT, RPT)], out_hbm.at[c, pl.ds(s * RPT, RPT)])



def _y1_body(d0, d1, x, w_ref, o_ref):
    deg = d0[:, :1] + d1[:, :1] + 1.0
    dis = lax.rsqrt(deg)
    o_ref[...] = jnp.dot(x[...], w_ref[...],
                         preferred_element_type=jnp.float32) * dis


def _y2_body(d0, d1, a0, a1, y1, w_ref, b_ref, o_ref):
    deg = d0[:, :1] + d1[:, :1] + 1.0
    dis = lax.rsqrt(deg)
    h = jnp.maximum(dis * (a0[...] + a1[...] + y1[...]) + b_ref[...], 0.0)
    o_ref[...] = jnp.dot(h, w_ref[...], preferred_element_type=jnp.float32) * dis


def _head_body(d0, d1, a0, a1, y2, b_ref, batch_ref, fcw_ref, fcb_ref, o_ref,
               sums, cnts):
    j = pl.program_id(0)

    @pl.when(j == 0)
    def _():
        sums[...] = jnp.zeros_like(sums)
        cnts[...] = jnp.zeros_like(cnts)

    deg = d0[:, :1] + d1[:, :1] + 1.0
    dis = lax.rsqrt(deg)
    h = jnp.maximum(dis * (a0[...] + a1[...] + y2[...]) + b_ref[...], 0.0)
    b = batch_ref[0, 0]
    grp = lax.broadcasted_iota(jnp.int32, (G, BN), 0)
    oh = jnp.where(b[None, :] == grp, 1.0, 0.0)
    sums[...] += jnp.dot(oh, h, preferred_element_type=jnp.float32)
    cnts[...] += jnp.broadcast_to(jnp.sum(oh, axis=1, keepdims=True), (G, D))

    @pl.when(j == NGRID - 1)
    def _():
        pooled = sums[...] / jnp.maximum(cnts[...], 1.0)
        o_ref[...] = jnp.dot(pooled, fcw_ref[...],
                             preferred_element_type=jnp.float32) + fcb_ref[...]


def _row_spec(shape):
    return pl.BlockSpec(shape, lambda j: (j, 0))


def _full_spec(shape):
    return pl.BlockSpec(shape, lambda j: (0, 0))


def _y1_call(d0, d1, x, W1):
    return pl.pallas_call(
        _y1_body,
        grid=(NGRID,),
        in_specs=[_row_spec((BN, D)), _row_spec((BN, D)),
                  _row_spec((BN, D)), _full_spec((D, D))],
        out_specs=_row_spec((BN, D)),
        out_shape=jax.ShapeDtypeStruct((N, D), jnp.float32),
    )(d0, d1, x, W1)


def _y2_call(d0, d1, a0, a1, y1, W2, b1):
    return pl.pallas_call(
        _y2_body,
        grid=(NGRID,),
        in_specs=[_row_spec((BN, D)), _row_spec((BN, D)),
                  _row_spec((BN, D)), _row_spec((BN, D)), _row_spec((BN, D)),
                  _full_spec((D, D)), _full_spec((1, D))],
        out_specs=_row_spec((BN, D)),
        out_shape=jax.ShapeDtypeStruct((N, D), jnp.float32),
    )(d0, d1, a0, a1, y1, W2, b1)


def _head_call(d0, d1, a0, a1, y2, b2, batch3, fc_W, fc_b):
    return pl.pallas_call(
        _head_body,
        grid=(NGRID,),
        in_specs=[_row_spec((BN, D)), _row_spec((BN, D)),
                  _row_spec((BN, D)), _row_spec((BN, D)), _row_spec((BN, D)),
                  _full_spec((1, D)),
                  pl.BlockSpec((1, 1, BN), lambda j: (j, 0, 0)),
                  _full_spec((D, D)), _full_spec((1, D))],
        out_specs=_full_spec((G, D)),
        out_shape=jax.ShapeDtypeStruct((G, D), jnp.float32),
        scratch_shapes=[pltpu.VMEM((G, D), jnp.float32),
                        pltpu.VMEM((G, D), jnp.float32)],
    )(d0, d1, a0, a1, y2, b2, batch3, fc_W, fc_b)



def kernel(x, edge_index, batch, W1, b1, W2, b2, fc_W, fc_b):
    pad = EP - E
    srcp = jnp.concatenate(
        [edge_index[0], jnp.zeros((pad,), jnp.int32)]).reshape(ROWS, CHUNK)
    dstd = jnp.concatenate(
        [edge_index[1], jnp.full((pad,), N, jnp.int32)])
    dstp = dstd.reshape(ROWS, CHUNK)
    dst_deg = dstd.reshape(DROWS, DCH)
    epk = jnp.stack([srcp, dstp], axis=1)
    zeros128 = jnp.zeros((NPAD, D), jnp.float32)
    ones128 = jnp.ones((DCH, D), jnp.float32)
    batch3 = batch.reshape(NGRID, 1, BN)
    b1r = b1.reshape(1, D)
    b2r = b2.reshape(1, D)
    fcbr = fc_b.reshape(1, D)

    degp = _deg_kernel(dst_deg, zeros128, ones128)
    d0, d1 = degp[0], degp[1]

    y1 = _y1_call(d0, d1, x, W1)
    agg1 = _agg_kernel(y1, epk, zeros128)
    y2 = _y2_call(d0, d1, agg1[0], agg1[1], y1, W2, b1r)
    agg2 = _agg_kernel(y2, epk, zeros128)
    return _head_call(d0, d1, agg2[0], agg2[1], y2, b2r, batch3, fc_W, fcbr)

# --- scband reference (transcript-rebuilt; emitter-appended) ---
"""Pipeline reference for scband-traces-encoder-11287174054679 (READ-ONLY COPY).

The authoritative reference and input builder live on the scoring server;
editing this copy changes nothing except your own understanding.
"""

import jax, jax.numpy as jnp
import numpy as np

N = 10000
E = 320000
D_IN = 128
D_HID = 128
D_OUT = 128
G = 64

def _glorot(key, shape):
    lim = float(np.sqrt(6.0 / (shape[0] + shape[1])))
    return jax.random.uniform(key, shape, dtype=jnp.float32, minval=-lim, maxval=lim)

def setup_inputs(seed: int = 0):
    key = jax.random.key(seed)
    ks = jax.random.split(key, 9)
    x = jax.random.normal(ks[0], (N, D_IN), dtype=jnp.float32)
    edge_index = jax.random.randint(ks[1], (2, E), 0, N, dtype=jnp.int32)
    batch = jnp.sort(jax.random.randint(ks[2], (N,), 0, G, dtype=jnp.int32))
    W1 = _glorot(ks[3], (D_IN, D_HID))
    b1 = jnp.zeros((D_HID,), dtype=jnp.float32)
    W2 = _glorot(ks[4], (D_HID, D_HID))
    b2 = jnp.zeros((D_HID,), dtype=jnp.float32)
    fc_W = _glorot(ks[5], (D_HID, D_OUT))
    fc_b = jnp.zeros((D_OUT,), dtype=jnp.float32)
    return {"x": x, "edge_index": edge_index, "batch": batch,
            "W1": W1, "b1": b1, "W2": W2, "b2": b2,
            "fc_W": fc_W, "fc_b": fc_b}

def _gcn_conv(x, src, dst, W, b, num_nodes):
    # PyG GCNConv: x' = D^{-1/2} (A + I) D^{-1/2} X W + b (self-loops already in src/dst)
    xw = x @ W
    deg = jax.ops.segment_sum(jnp.ones(src.shape[0], dtype=xw.dtype), dst, num_segments=num_nodes)
    deg_inv_sqrt = jnp.where(deg > 0, 1.0 / jnp.sqrt(jnp.maximum(deg, 1e-12)), 0.0)
    norm = deg_inv_sqrt[src] * deg_inv_sqrt[dst]
    msg = xw[src] * norm[:, None]
    out = jax.ops.segment_sum(msg, dst, num_segments=num_nodes)
    return out + b

def reference(x, edge_index, batch, W1, b1, W2, b2, fc_W, fc_b):
    loop = jnp.arange(N, dtype=edge_index.dtype)
    src = jnp.concatenate([edge_index[0], loop])
    dst = jnp.concatenate([edge_index[1], loop])
    # layer 1 (dropout is identity in eval mode)
    h = jax.nn.relu(_gcn_conv(x, src, dst, W1, b1, N))
    # layer 2
    h = jax.nn.relu(_gcn_conv(h, src, dst, W2, b2, N))
    # global mean pool over batch assignment
    sums = jax.ops.segment_sum(h, batch, num_segments=G)
    counts = jax.ops.segment_sum(jnp.ones((N,), dtype=h.dtype), batch, num_segments=G)
    pooled = sums / jnp.maximum(counts, 1.0)[:, None]
    return pooled @ fc_W + fc_b

if __name__ == "__main__":
    import jax
    _d = setup_inputs()
    print(jax.jit(kernel)(*tuple(_d.values())))

</pallas_src>

<mosaic_0001>
#map = affine_map<(d0, d1) -> (0, 0)>
#map1 = affine_map<(d0, d1) -> (0, 0, 0)>
module attributes {stable_mosaic.version = 14 : i64} {
  func.func @_agg_kernel(%arg0: i32, %arg1: i32, %arg2: memref<10000x128xf32, #tpu.memory_space<hbm>>, %arg3: memref<2560x2x128xi32, #tpu.memory_space<hbm>>, %arg4: memref<10112x128xf32, #tpu.memory_space<hbm>>, %arg5: memref<2x10112x128xf32, #tpu.memory_space<hbm>>, %arg6: memref<10112x128xf32, #tpu.memory_space<vmem_shared>>, %arg7: memref<2x128xi32, #tpu.memory_space<vmem>>, %arg8: memref<2x128xi32, #tpu.memory_space<vmem>>, %arg9: memref<2x128xi32, #tpu.memory_space<vmem>>, %arg10: memref<2x128xi32, #tpu.memory_space<vmem>>, %arg11: memref<128x128xf32, #tpu.memory_space<vmem>>, %arg12: memref<128x128xf32, #tpu.memory_space<vmem>>, %arg13: memref<!tpu.dma_semaphore, #tpu.memory_space<semaphore_mem>>, %arg14: memref<!tpu.dma_semaphore, #tpu.memory_space<semaphore_mem>>, %arg15: memref<!tpu.dma_semaphore, #tpu.memory_space<semaphore_mem>>, %arg16: memref<!tpu.dma_semaphore, #tpu.memory_space<semaphore_mem>>, %arg17: memref<!tpu.dma_semaphore, #tpu.memory_space<semaphore_mem>>, %arg18: memref<!tpu.dma_semaphore, #tpu.memory_space<semaphore_mem>>) attributes {dimension_semantics = [#tpu.dimension_semantics<core_parallel>, #tpu.dimension_semantics<subcore_parallel>], iteration_bounds = array<i64: 2, 16>, scalar_prefetch = 0 : i64, scratch_operands = 13 : i64, tpu.core_type = #tpu.core_type<sc_vector_subcore>, window_params = [{transform_indices = #map}, {transform_indices = #map1}, {transform_indices = #map}, {transform_indices = #map1}]} {
    %mul3A = arith.constant 160 : i32
    %mul3A_0 = arith.muli %arg1, %mul3A : i32
    %mul3A_1 = arith.constant 128 : i32
    %mul3A_2 = arith.muli %arg0, %mul3A_1 : i32
    %add3A = arith.addi %mul3A_0, %mul3A_2 : i32
    %eq3A = arith.constant 0 : i32
    %eq3A_3 = arith.cmpi eq, %arg0, %eq3A : i32
    %jit3A = arith.constant 128 : i32
    %jit3A_4 = arith.constant 32 : i32
    %select_n3A = arith.select %eq3A_3, %jit3A, %jit3A_4 : i32
    %mul3A_5 = arith.constant 632 : i32
    %mul3A_6 = arith.muli %arg1, %mul3A_5 : i32
    %mul3A_7 = arith.constant 632 : i32
    %mul3A_8 = arith.muli %arg1, %mul3A_7 : i32
    "tpu.region"() ({
      %run_scoped3A = tpu.sem_alloc : memref<!tpu.dma_semaphore, #tpu.memory_space<semaphore_mem>>
      %dma_start3A_112 = arith.constant 0 : i32
      %dma_start3A_113 = tpu.memref_slice %arg6[%mul3A_8, %dma_start3A_112] : memref<10112x128xf32, #tpu.memory_space<vmem_shared>> -> memref<632x128xf32, #tpu.memory_space<vmem_shared>>
      %dma_start3A_114 = arith.constant 0 : i32
      %dma_start3A_115 = tpu.memref_slice %arg4[%mul3A_6, %dma_start3A_114] : memref<10112x128xf32, #tpu.memory_space<hbm>> -> memref<632x128xf32, #tpu.memory_space<hbm>>
      tpu.enqueue_dma source(%dma_start3A_115 : memref<632x128xf32, #tpu.memory_space<hbm>>) target(%dma_start3A_113 : memref<632x128xf32, #tpu.memory_space<vmem_shared>>) target_semaphore(%run_scoped3A : memref<!tpu.dma_semaphore, #tpu.memory_space<semaphore_mem>>)
      %dma_wait3A_116 = arith.constant 0 : i32
      %dma_wait3A_117 = tpu.memref_slice %arg6[%mul3A_8, %dma_wait3A_116] : memref<10112x128xf32, #tpu.memory_space<vmem_shared>> -> memref<632x128xf32, #tpu.memory_space<vmem_shared>>
      %dma_wait3A_118 = arith.constant 0 : i32
      %dma_wait3A_119 = tpu.memref_slice %arg4[%mul3A_6, %dma_wait3A_118] : memref<10112x128xf32, #tpu.memory_space<hbm>> -> memref<632x128xf32, #tpu.memory_space<hbm>>
      tpu.wait_dma2 semaphore(%run_scoped3A : memref<!tpu.dma_semaphore, #tpu.memory_space<semaphore_mem>>) src(%dma_wait3A_119 : memref<632x128xf32, #tpu.memory_space<hbm>>) dst(%dma_wait3A_117 : memref<632x128xf32, #tpu.memory_space<vmem_shared>>)
      tpu.yield
    }) : () -> ()
    %add3A_9 = arith.constant 0 : i32
    %add3A_10 = arith.addi %add3A, %add3A_9 : i32
    %dma_start3A = arith.constant 0 : i32
    %dma_start3A_11 = arith.constant 0 : i32
    %dma_start3A_12 = tpu.memref_slice %arg3[%add3A_10, %dma_start3A, %dma_start3A_11] : memref<2560x2x128xi32, #tpu.memory_space<hbm>> -> memref<1x2x128xi32, #tpu.memory_space<hbm>>
    %dma_start3A_13 = tpu.memref_squeeze %dma_start3A_12 : memref<1x2x128xi32, #tpu.memory_space<hbm>> -> memref<2x128xi32, #tpu.memory_space<hbm>>
    %dma_start3A_14 = arith.constant 0 : i32
    %dma_start3A_15 = arith.constant 0 : i32
    %dma_start3A_16 = tpu.memref_slice %arg3[%add3A_10, %dma_start3A_14, %dma_start3A_15] : memref<2560x2x128xi32, #tpu.memory_space<hbm>> -> memref<1x2x128xi32, #tpu.memory_space<hbm>>
    %dma_start3A_17 = tpu.memref_squeeze %dma_start3A_16 : memref<1x2x128xi32, #tpu.memory_space<hbm>> -> memref<2x128xi32, #tpu.memory_space<hbm>>
    tpu.enqueue_dma source(%dma_start3A_17 : memref<2x128xi32, #tpu.memory_space<hbm>>) target(%arg7 : memref<2x128xi32, #tpu.memory_space<vmem>>) target_semaphore(%arg15 : memref<!tpu.dma_semaphore, #tpu.memory_space<semaphore_mem>>)
    %add3A_18 = arith.constant 1 : i32
    %add3A_19 = arith.addi %add3A, %add3A_18 : i32
    %dma_start3A_20 = arith.constant 0 : i32
    %dma_start3A_21 = arith.constant 0 : i32
    %dma_start3A_22 = tpu.memref_slice %arg3[%add3A_19, %dma_start3A_20, %dma_start3A_21] : memref<2560x2x128xi32, #tpu.memory_space<hbm>> -> memref<1x2x128xi32, #tpu.memory_space<hbm>>
    %dma_start3A_23 = tpu.memref_squeeze %dma_start3A_22 : memref<1x2x128xi32, #tpu.memory_space<hbm>> -> memref<2x128xi32, #tpu.memory_space<hbm>>
    %dma_start3A_24 = arith.constant 0 : i32
    %dma_start3A_25 = arith.constant 0 : i32
    %dma_start3A_26 = tpu.memref_slice %arg3[%add3A_19, %dma_start3A_24, %dma_start3A_25] : memref<2560x2x128xi32, #tpu.memory_space<hbm>> -> memref<1x2x128xi32, #tpu.memory_space<hbm>>
    %dma_start3A_27 = tpu.memref_squeeze %dma_start3A_26 : memref<1x2x128xi32, #tpu.memory_space<hbm>> -> memref<2x128xi32, #tpu.memory_space<hbm>>
    tpu.enqueue_dma source(%dma_start3A_27 : memref<2x128xi32, #tpu.memory_space<hbm>>) target(%arg8 : memref<2x128xi32, #tpu.memory_space<vmem>>) target_semaphore(%arg16 : memref<!tpu.dma_semaphore, #tpu.memory_space<semaphore_mem>>)
    %add3A_28 = arith.constant 2 : i32
    %add3A_29 = arith.addi %add3A, %add3A_28 : i32
    %dma_start3A_30 = arith.constant 0 : i32
    %dma_start3A_31 = arith.constant 0 : i32
    %dma_start3A_32 = tpu.memref_slice %arg3[%add3A_29, %dma_start3A_30, %dma_start3A_31] : memref<2560x2x128xi32, #tpu.memory_space<hbm>> -> memref<1x2x128xi32, #tpu.memory_space<hbm>>
    %dma_start3A_33 = tpu.memref_squeeze %dma_start3A_32 : memref<1x2x128xi32, #tpu.memory_space<hbm>> -> memref<2x128xi32, #tpu.memory_space<hbm>>
    %dma_start3A_34 = arith.constant 0 : i32
    %dma_start3A_35 = arith.constant 0 : i32
    %dma_start3A_36 = tpu.memref_slice %arg3[%add3A_29, %dma_start3A_34, %dma_start3A_35] : memref<2560x2x128xi32, #tpu.memory_space<hbm>> -> memref<1x2x128xi32, #tpu.memory_space<hbm>>
    %dma_start3A_37 = tpu.memref_squeeze %dma_start3A_36 : memref<1x2x128xi32, #tpu.memory_space<hbm>> -> memref<2x128xi32, #tpu.memory_space<hbm>>
    tpu.enqueue_dma source(%dma_start3A_37 : memref<2x128xi32, #tpu.memory_space<hbm>>) target(%arg9 : memref<2x128xi32, #tpu.memory_space<vmem>>) target_semaphore(%arg17 : memref<!tpu.dma_semaphore, #tpu.memory_space<semaphore_mem>>)
    %add3A_38 = arith.constant 3 : i32
    %add3A_39 = arith.addi %add3A, %add3A_38 : i32
    %dma_start3A_40 = arith.constant 0 : i32
    %dma_start3A_41 = arith.constant 0 : i32
    %dma_start3A_42 = tpu.memref_slice %arg3[%add3A_39, %dma_start3A_40, %dma_start3A_41] : memref<2560x2x128xi32, #tpu.memory_space<hbm>> -> memref<1x2x128xi32, #tpu.memory_space<hbm>>
    %dma_start3A_43 = tpu.memref_squeeze %dma_start3A_42 : memref<1x2x128xi32, #tpu.memory_space<hbm>> -> memref<2x128xi32, #tpu.memory_space<hbm>>
    %dma_start3A_44 = arith.constant 0 : i32
    %dma_start3A_45 = arith.constant 0 : i32
    %dma_start3A_46 = tpu.memref_slice %arg3[%add3A_39, %dma_start3A_44, %dma_start3A_45] : memref<2560x2x128xi32, #tpu.memory_space<hbm>> -> memref<1x2x128xi32, #tpu.memory_space<hbm>>
    %dma_start3A_47 = tpu.memref_squeeze %dma_start3A_46 : memref<1x2x128xi32, #tpu.memory_space<hbm>> -> memref<2x128xi32, #tpu.memory_space<hbm>>
    tpu.enqueue_dma source(%dma_start3A_47 : memref<2x128xi32, #tpu.memory_space<hbm>>) target(%arg10 : memref<2x128xi32, #tpu.memory_space<vmem>>) target_semaphore(%arg18 : memref<!tpu.dma_semaphore, #tpu.memory_space<semaphore_mem>>)
    %add3A_48 = arith.constant 0 : i32
    %add3A_49 = arith.addi %add3A, %add3A_48 : i32
    %dma_wait3A = arith.constant 0 : i32
    %dma_wait3A_50 = arith.constant 0 : i32
    %dma_wait3A_51 = tpu.memref_slice %arg3[%add3A_49, %dma_wait3A, %dma_wait3A_50] : memref<2560x2x128xi32, #tpu.memory_space<hbm>> -> memref<1x2x128xi32, #tpu.memory_space<hbm>>
    %dma_wait3A_52 = tpu.memref_squeeze %dma_wait3A_51 : memref<1x2x128xi32, #tpu.memory_space<hbm>> -> memref<2x128xi32, #tpu.memory_space<hbm>>
    %dma_wait3A_53 = arith.constant 0 : i32
    %dma_wait3A_54 = arith.constant 0 : i32
    %dma_wait3A_55 = tpu.memref_slice %arg3[%add3A_49, %dma_wait3A_53, %dma_wait3A_54] : memref<2560x2x128xi32, #tpu.memory_space<hbm>> -> memref<1x2x128xi32, #tpu.memory_space<hbm>>
    %dma_wait3A_56 = tpu.memref_squeeze %dma_wait3A_55 : memref<1x2x128xi32, #tpu.memory_space<hbm>> -> memref<2x128xi32, #tpu.memory_space<hbm>>
    tpu.wait_dma2 semaphore(%arg15 : memref<!tpu.dma_semaphore, #tpu.memory_space<semaphore_mem>>) src(%dma_wait3A_56 : memref<2x128xi32, #tpu.memory_space<hbm>>) dst(%arg7 : memref<2x128xi32, #tpu.memory_space<vmem>>)
    %dma_start3A_57 = arith.constant 0 : i32
    %dma_start3A_58 = arith.constant 0 : i32
    %dma_start3A_59 = tpu.memref_slice %arg7[%dma_start3A_57, %dma_start3A_58] : memref<2x128xi32, #tpu.memory_space<vmem>> -> memref<1x128xi32, #tpu.memory_space<vmem>>
    %dma_start3A_60 = tpu.memref_squeeze %dma_start3A_59 : memref<1x128xi32, #tpu.memory_space<vmem>> -> memref<128xi32, #tpu.memory_space<vmem>>
    %dma_start3A_61 = arith.constant 0 : i32
    %dma_start3A_62 = arith.constant 0 : i32
    %dma_start3A_63 = tpu.memref_slice %arg2[%dma_start3A_61, %dma_start3A_62] : memref<10000x128xf32, #tpu.memory_space<hbm>> -> memref<10000x128xf32, #tpu.memory_space<hbm>>
    tpu.enqueue_indirect_dma source(%dma_start3A_63 : memref<10000x128xf32, #tpu.memory_space<hbm>>) target(%arg11 : memref<128x128xf32, #tpu.memory_space<vmem>>) offsets(%dma_start3A_60 : memref<128xi32, #tpu.memory_space<vmem>>) semaphore(%arg13 : memref<!tpu.dma_semaphore, #tpu.memory_space<semaphore_mem>>)
    %add3A_64 = arith.constant 1 : i32
    %add3A_65 = arith.addi %add3A, %add3A_64 : i32
    %dma_wait3A_66 = arith.constant 0 : i32
    %dma_wait3A_67 = arith.constant 0 : i32
    %dma_wait3A_68 = tpu.memref_slice %arg3[%add3A_65, %dma_wait3A_66, %dma_wait3A_67] : memref<2560x2x128xi32, #tpu.memory_space<hbm>> -> memref<1x2x128xi32, #tpu.memory_space<hbm>>
    %dma_wait3A_69 = tpu.memref_squeeze %dma_wait3A_68 : memref<1x2x128xi32, #tpu.memory_space<hbm>> -> memref<2x128xi32, #tpu.memory_space<hbm>>
    %dma_wait3A_70 = arith.constant 0 : i32
    %dma_wait3A_71 = arith.constant 0 : i32
    %dma_wait3A_72 = tpu.memref_slice %arg3[%add3A_65, %dma_wait3A_70, %dma_wait3A_71] : memref<2560x2x128xi32, #tpu.memory_space<hbm>> -> memref<1x2x128xi32, #tpu.memory_space<hbm>>
    %dma_wait3A_73 = tpu.memref_squeeze %dma_wait3A_72 : memref<1x2x128xi32, #tpu.memory_space<hbm>> -> memref<2x128xi32, #tpu.memory_space<hbm>>
    tpu.wait_dma2 semaphore(%arg16 : memref<!tpu.dma_semaphore, #tpu.memory_space<semaphore_mem>>) src(%dma_wait3A_73 : memref<2x128xi32, #tpu.memory_space<hbm>>) dst(%arg8 : memref<2x128xi32, #tpu.memory_space<vmem>>)
    %dma_start3A_74 = arith.constant 0 : i32
    %dma_start3A_75 = arith.constant 0 : i32
    %dma_start3A_76 = tpu.memref_slice %arg8[%dma_start3A_74, %dma_start3A_75] : memref<2x128xi32, #tpu.memory_space<vmem>> -> memref<1x128xi32, #tpu.memory_space<vmem>>
    %dma_start3A_77 = tpu.memref_squeeze %dma_start3A_76 : memref<1x128xi32, #tpu.memory_space<vmem>> -> memref<128xi32, #tpu.memory_space<vmem>>
    %dma_start3A_78 = arith.constant 0 : i32
    %dma_start3A_79 = arith.constant 0 : i32
    %dma_start3A_80 = tpu.memref_slice %arg2[%dma_start3A_78, %dma_start3A_79] : memref<10000x128xf32, #tpu.memory_space<hbm>> -> memref<10000x128xf32, #tpu.memory_space<hbm>>
    tpu.enqueue_indirect_dma source(%dma_start3A_80 : memref<10000x128xf32, #tpu.memory_space<hbm>>) target(%arg12 : memref<128x128xf32, #tpu.memory_space<vmem>>) offsets(%dma_start3A_77 : memref<128xi32, #tpu.memory_space<vmem>>) semaphore(%arg14 : memref<!tpu.dma_semaphore, #tpu.memory_space<semaphore_mem>>)
    %jit3A_81 = arith.constant 4 : i32
    %div3A = arith.divsi %select_n3A, %jit3A_81 : i32
    %sign3A = arith.constant 0 : i32
    %sign3A_82 = arith.cmpi sgt, %select_n3A, %sign3A : i32
    %sign3A_83 = arith.extui %sign3A_82 : i1 to i32
    %sign3A_84 = arith.constant 0 : i32
    %sign3A_85 = arith.cmpi slt, %select_n3A, %sign3A_84 : i32
    %sign3A_86 = arith.extui %sign3A_85 : i1 to i32
    %sign3A_87 = arith.subi %sign3A_83, %sign3A_86 : i32
    %sign3A_88 = arith.constant 0 : i32
    %sign3A_89 = arith.cmpi sgt, %jit3A_81, %sign3A_88 : i32
    %sign3A_90 = arith.extui %sign3A_89 : i1 to i32
    %sign3A_91 = arith.constant 0 : i32
    %sign3A_92 = arith.cmpi slt, %jit3A_81, %sign3A_91 : i32
    %sign3A_93 = arith.extui %sign3A_92 : i1 to i32
    %sign3A_94 = arith.subi %sign3A_90, %sign3A_93 : i32
    %ne3A = arith.cmpi ne, %sign3A_87, %sign3A_94 : i32
    %rem3A = arith.remsi %select_n3A, %jit3A_81 : i32
    %ne3A_95 = arith.constant 0 : i32
    %ne3A_96 = arith.cmpi ne, %rem3A, %ne3A_95 : i32
    %and3A = arith.andi %ne3A, %ne3A_96 : i1
    %sub3A = arith.constant 1 : i32
    %sub3A_97 = arith.subi %div3A, %sub3A : i32
    %select_n3A_98 = arith.select %and3A, %sub3A_97, %div3A : i32
    %while3A = arith.constant 0 : i32
    %while3A_99 = arith.constant 0 : i32
    %while3A_100 = arith.subi %select_n3A_98, %while3A_99 : i32
    %while3A_101 = arith.addi %while3A_99, %while3A_100 : i32
    %while3A_102 = arith.constant 1 : i32
    %while3A_103 = arith.divsi %while3A_100, %while3A_102 : i32
    %while3A_104 = arith.muli %while3A_103, %while3A_102 : i32
    %while3A_105 = arith.addi %while3A_99, %while3A_104 : i32
    %while3A_106 = arith.constant 1 : i32
    scf.for %while3A_112 = %while3A_99 to %while3A_105 step %while3A_106  : i32 {
      %mul3A_113 = arith.constant 4 : i32
      %mul3A_114 = arith.muli %while3A_112, %mul3A_113 : i32
      %add3A_115 = arith.constant 0 : i32
      %add3A_116 = arith.addi %mul3A_114, %add3A_115 : i32
      %dma_wait3A_117 = arith.constant 0 : i32
      %dma_wait3A_118 = arith.constant 0 : i32
      %dma_wait3A_119 = tpu.memref_slice %arg7[%dma_wait3A_117, %dma_wait3A_118] : memref<2x128xi32, #tpu.memory_space<vmem>> -> memref<1x128xi32, #tpu.memory_space<vmem>>
      %dma_wait3A_120 = tpu.memref_squeeze %dma_wait3A_119 : memref<1x128xi32, #tpu.memory_space<vmem>> -> memref<128xi32, #tpu.memory_space<vmem>>
      %dma_wait3A_121 = arith.constant 0 : i32
      %dma_wait3A_122 = arith.constant 0 : i32
      %dma_wait3A_123 = tpu.memref_slice %arg2[%dma_wait3A_121, %dma_wait3A_122] : memref<10000x128xf32, #tpu.memory_space<hbm>> -> memref<10000x128xf32, #tpu.memory_space<hbm>>
      tpu.wait_indirect_dma semaphore(%arg13 : memref<!tpu.dma_semaphore, #tpu.memory_space<semaphore_mem>>) src(%dma_wait3A_123 : memref<10000x128xf32, #tpu.memory_space<hbm>>) dst(%arg11 : memref<128x128xf32, #tpu.memory_space<vmem>>)
      %run_scoped3A = arith.constant 1 : i32
      "tpu.region"() ({
        %run_scoped3A_205 = tpu.sem_alloc : memref<!tpu.dma_semaphore, #tpu.memory_space<semaphore_mem>>
        %dma_start3A_206 = arith.constant 0 : i32
        %dma_start3A_207 = tpu.memref_slice %arg7[%run_scoped3A, %dma_start3A_206] : memref<2x128xi32, #tpu.memory_space<vmem>> -> memref<1x128xi32, #tpu.memory_space<vmem>>
        %dma_start3A_208 = tpu.memref_squeeze %dma_start3A_207 : memref<1x128xi32, #tpu.memory_space<vmem>> -> memref<128xi32, #tpu.memory_space<vmem>>
        %dma_start3A_209 = arith.constant 0 : i32
        %dma_start3A_210 = arith.constant 0 : i32
        %dma_start3A_211 = tpu.memref_slice %arg6[%dma_start3A_209, %dma_start3A_210] : memref<10112x128xf32, #tpu.memory_space<vmem_shared>> -> memref<10112x128xf32, #tpu.memory_space<vmem_shared>>
        tpu.enqueue_indirect_dma source(%arg11 : memref<128x128xf32, #tpu.memory_space<vmem>>) target(%dma_start3A_211 : memref<10112x128xf32, #tpu.memory_space<vmem_shared>>) offsets(%dma_start3A_208 : memref<128xi32, #tpu.memory_space<vmem>>) semaphore(%run_scoped3A_205 : memref<!tpu.dma_semaphore, #tpu.memory_space<semaphore_mem>>) {add = true}
        %dma_wait3A_212 = arith.constant 0 : i32
        %dma_wait3A_213 = tpu.memref_slice %arg7[%run_scoped3A, %dma_wait3A_212] : memref<2x128xi32, #tpu.memory_space<vmem>> -> memref<1x128xi32, #tpu.memory_space<vmem>>
        %dma_wait3A_214 = tpu.memref_squeeze %dma_wait3A_213 : memref<1x128xi32, #tpu.memory_space<vmem>> -> memref<128xi32, #tpu.memory_space<vmem>>
        %dma_wait3A_215 = arith.constant 0 : i32
        %dma_wait3A_216 = arith.constant 0 : i32
        %dma_wait3A_217 = tpu.memref_slice %arg6[%dma_wait3A_215, %dma_wait3A_216] : memref<10112x128xf32, #tpu.memory_space<vmem_shared>> -> memref<10112x128xf32, #tpu.memory_space<vmem_shared>>
        tpu.wait_indirect_dma semaphore(%run_scoped3A_205 : memref<!tpu.dma_semaphore, #tpu.memory_space<semaphore_mem>>) src(%arg11 : memref<128x128xf32, #tpu.memory_space<vmem>>) dst(%dma_wait3A_217 : memref<10112x128xf32, #tpu.memory_space<vmem_shared>>)
        tpu.yield
      }) : () -> ()
      %add3A_124 = arith.constant 4 : i32
      %add3A_125 = arith.addi %add3A_116, %add3A_124 : i32
      %lt3A = arith.cmpi slt, %add3A_125, %select_n3A : i32
      %convert_element_type3A = arith.extui %lt3A : i1 to i32
      %cond3A = arith.constant 0 : i32
      %cond3A_126 = arith.cmpi ne, %convert_element_type3A, %cond3A : i32
      scf.if %cond3A_126 {
        %add3A_205 = arith.constant 4 : i32
        %add3A_206 = arith.addi %add3A_116, %add3A_205 : i32
        %add3A_207 = arith.addi %add3A, %add3A_206 : i32
        %dma_start3A_208 = arith.constant 0 : i32
        %dma_start3A_209 = arith.constant 0 : i32
        %dma_start3A_210 = tpu.memref_slice %arg3[%add3A_207, %dma_start3A_208, %dma_start3A_209] : memref<2560x2x128xi32, #tpu.memory_space<hbm>> -> memref<1x2x128xi32, #tpu.memory_space<hbm>>
        %dma_start3A_211 = tpu.memref_squeeze %dma_start3A_210 : memref<1x2x128xi32, #tpu.memory_space<hbm>> -> memref<2x128xi32, #tpu.memory_space<hbm>>
        %dma_start3A_212 = arith.constant 0 : i32
        %dma_start3A_213 = arith.constant 0 : i32
        %dma_start3A_214 = tpu.memref_slice %arg3[%add3A_207, %dma_start3A_212, %dma_start3A_213] : memref<2560x2x128xi32, #tpu.memory_space<hbm>> -> memref<1x2x128xi32, #tpu.memory_space<hbm>>
        %dma_start3A_215 = tpu.memref_squeeze %dma_start3A_214 : memref<1x2x128xi32, #tpu.memory_space<hbm>> -> memref<2x128xi32, #tpu.memory_space<hbm>>
        tpu.enqueue_dma source(%dma_start3A_215 : memref<2x128xi32, #tpu.memory_space<hbm>>) target(%arg7 : memref<2x128xi32, #tpu.memory_space<vmem>>) target_semaphore(%arg15 : memref<!tpu.dma_semaphore, #tpu.memory_space<semaphore_mem>>)
      } else {
      }
      %add3A_127 = arith.constant 2 : i32
      %add3A_128 = arith.addi %add3A_116, %add3A_127 : i32
      %lt3A_129 = arith.cmpi slt, %add3A_128, %select_n3A : i32
      %convert_element_type3A_130 = arith.extui %lt3A_129 : i1 to i32
      %cond3A_131 = arith.constant 0 : i32
      %cond3A_132 = arith.cmpi ne, %convert_element_type3A_130, %cond3A_131 : i32
      scf.if %cond3A_132 {
        %add3A_205 = arith.constant 2 : i32
        %add3A_206 = arith.addi %add3A_116, %add3A_205 : i32
        %add3A_207 = arith.addi %add3A, %add3A_206 : i32
        %dma_wait3A_208 = arith.constant 0 : i32
        %dma_wait3A_209 = arith.constant 0 : i32
        %dma_wait3A_210 = tpu.memref_slice %arg3[%add3A_207, %dma_wait3A_208, %dma_wait3A_209] : memref<2560x2x128xi32, #tpu.memory_space<hbm>> -> memref<1x2x128xi32, #tpu.memory_space<hbm>>
        %dma_wait3A_211 = tpu.memref_squeeze %dma_wait3A_210 : memref<1x2x128xi32, #tpu.memory_space<hbm>> -> memref<2x128xi32, #tpu.memory_space<hbm>>
        %dma_wait3A_212 = arith.constant 0 : i32
        %dma_wait3A_213 = arith.constant 0 : i32
        %dma_wait3A_214 = tpu.memref_slice %arg3[%add3A_207, %dma_wait3A_212, %dma_wait3A_213] : memref<2560x2x128xi32, #tpu.memory_space<hbm>> -> memref<1x2x128xi32, #tpu.memory_space<hbm>>
        %dma_wait3A_215 = tpu.memref_squeeze %dma_wait3A_214 : memref<1x2x128xi32, #tpu.memory_space<hbm>> -> memref<2x128xi32, #tpu.memory_space<hbm>>
        tpu.wait_dma2 semaphore(%arg17 : memref<!tpu.dma_semaphore, #tpu.memory_space<semaphore_mem>>) src(%dma_wait3A_215 : memref<2x128xi32, #tpu.memory_space<hbm>>) dst(%arg9 : memref<2x128xi32, #tpu.memory_space<vmem>>)
        %dma_start3A_216 = arith.constant 0 : i32
        %dma_start3A_217 = arith.constant 0 : i32
        %dma_start3A_218 = tpu.memref_slice %arg9[%dma_start3A_216, %dma_start3A_217] : memref<2x128xi32, #tpu.memory_space<vmem>> -> memref<1x128xi32, #tpu.memory_space<vmem>>
        %dma_start3A_219 = tpu.memref_squeeze %dma_start3A_218 : memref<1x128xi32, #tpu.memory_space<vmem>> -> memref<128xi32, #tpu.memory_space<vmem>>
        %dma_start3A_220 = arith.constant 0 : i32
        %dma_start3A_221 = arith.constant 0 : i32
        %dma_start3A_222 = tpu.memref_slice %arg2[%dma_start3A_220, %dma_start3A_221] : memref<10000x128xf32, #tpu.memory_space<hbm>> -> memref<10000x128xf32, #tpu.memory_space<hbm>>
        tpu.enqueue_indirect_dma source(%dma_start3A_222 : memref<10000x128xf32, #tpu.memory_space<hbm>>) target(%arg11 : memref<128x128xf32, #tpu.memory_space<vmem>>) offsets(%dma_start3A_219 : memref<128xi32, #tpu.memory_space<vmem>>) semaphore(%arg13 : memref<!tpu.dma_semaphore, #tpu.memory_space<semaphore_mem>>)
      } else {
      }
      %mul3A_133 = arith.constant 4 : i32
      %mul3A_134 = arith.muli %while3A_112, %mul3A_133 : i32
      %add3A_135 = arith.constant 1 : i32
      %add3A_136 = arith.addi %mul3A_134, %add3A_135 : i32
      %dma_wait3A_137 = arith.constant 0 : i32
      %dma_wait3A_138 = arith.constant 0 : i32
      %dma_wait3A_139 = tpu.memref_slice %arg8[%dma_wait3A_137, %dma_wait3A_138] : memref<2x128xi32, #tpu.memory_space<vmem>> -> memref<1x128xi32, #tpu.memory_space<vmem>>
      %dma_wait3A_140 = tpu.memref_squeeze %dma_wait3A_139 : memref<1x128xi32, #tpu.memory_space<vmem>> -> memref<128xi32, #tpu.memory_space<vmem>>
      %dma_wait3A_141 = arith.constant 0 : i32
      %dma_wait3A_142 = arith.constant 0 : i32
      %dma_wait3A_143 = tpu.memref_slice %arg2[%dma_wait3A_141, %dma_wait3A_142] : memref<10000x128xf32, #tpu.memory_space<hbm>> -> memref<10000x128xf32, #tpu.memory_space<hbm>>
      tpu.wait_indirect_dma semaphore(%arg14 : memref<!tpu.dma_semaphore, #tpu.memory_space<semaphore_mem>>) src(%dma_wait3A_143 : memref<10000x128xf32, #tpu.memory_space<hbm>>) dst(%arg12 : memref<128x128xf32, #tpu.memory_space<vmem>>)
      %run_scoped3A_144 = arith.constant 1 : i32
      "tpu.region"() ({
        %run_scoped3A_205 = tpu.sem_alloc : memref<!tpu.dma_semaphore, #tpu.memory_space<semaphore_mem>>
        %dma_start3A_206 = arith.constant 0 : i32
        %dma_start3A_207 = tpu.memref_slice %arg8[%run_scoped3A_144, %dma_start3A_206] : memref<2x128xi32, #tpu.memory_space<vmem>> -> memref<1x128xi32, #tpu.memory_space<vmem>>
        %dma_start3A_208 = tpu.memref_squeeze %dma_start3A_207 : memref<1x128xi32, #tpu.memory_space<vmem>> -> memref<128xi32, #tpu.memory_space<vmem>>
        %dma_start3A_209 = arith.constant 0 : i32
        %dma_start3A_210 = arith.constant 0 : i32
        %dma_start3A_211 = tpu.memref_slice %arg6[%dma_start3A_209, %dma_start3A_210] : memref<10112x128xf32, #tpu.memory_space<vmem_shared>> -> memref<10112x128xf32, #tpu.memory_space<vmem_shared>>
        tpu.enqueue_indirect_dma source(%arg12 : memref<128x128xf32, #tpu.memory_space<vmem>>) target(%dma_start3A_211 : memref<10112x128xf32, #tpu.memory_space<vmem_shared>>) offsets(%dma_start3A_208 : memref<128xi32, #tpu.memory_space<vmem>>) semaphore(%run_scoped3A_205 : memref<!tpu.dma_semaphore, #tpu.memory_space<semaphore_mem>>) {add = true}
        %dma_wait3A_212 = arith.constant 0 : i32
        %dma_wait3A_213 = tpu.memref_slice %arg8[%run_scoped3A_144, %dma_wait3A_212] : memref<2x128xi32, #tpu.memory_space<vmem>> -> memref<1x128xi32, #tpu.memory_space<vmem>>
        %dma_wait3A_214 = tpu.memref_squeeze %dma_wait3A_213 : memref<1x128xi32, #tpu.memory_space<vmem>> -> memref<128xi32, #tpu.memory_space<vmem>>
        %dma_wait3A_215 = arith.constant 0 : i32
        %dma_wait3A_216 = arith.constant 0 : i32
        %dma_wait3A_217 = tpu.memref_slice %arg6[%dma_wait3A_215, %dma_wait3A_216] : memref<10112x128xf32, #tpu.memory_space<vmem_shared>> -> memref<10112x128xf32, #tpu.memory_space<vmem_shared>>
        tpu.wait_indirect_dma semaphore(%run_scoped3A_205 : memref<!tpu.dma_semaphore, #tpu.memory_space<semaphore_mem>>) src(%arg12 : memref<128x128xf32, #tpu.memory_space<vmem>>) dst(%dma_wait3A_217 : memref<10112x128xf32, #tpu.memory_space<vmem_shared>>)
        tpu.yield
      }) : () -> ()
      %add3A_145 = arith.constant 4 : i32
      %add3A_146 = arith.addi %add3A_136, %add3A_145 : i32
      %lt3A_147 = arith.cmpi slt, %add3A_146, %select_n3A : i32
      %convert_element_type3A_148 = arith.extui %lt3A_147 : i1 to i32
      %cond3A_149 = arith.constant 0 : i32
      %cond3A_150 = arith.cmpi ne, %convert_element_type3A_148, %cond3A_149 : i32
      scf.if %cond3A_150 {
        %add3A_205 = arith.constant 4 : i32
        %add3A_206 = arith.addi %add3A_136, %add3A_205 : i32
        %add3A_207 = arith.addi %add3A, %add3A_206 : i32
        %dma_start3A_208 = arith.constant 0 : i32
        %dma_start3A_209 = arith.constant 0 : i32
        %dma_start3A_210 = tpu.memref_slice %arg3[%add3A_207, %dma_start3A_208, %dma_start3A_209] : memref<2560x2x128xi32, #tpu.memory_space<hbm>> -> memref<1x2x128xi32, #tpu.memory_space<hbm>>
        %dma_start3A_211 = tpu.memref_squeeze %dma_start3A_210 : memref<1x2x128xi32, #tpu.memory_space<hbm>> -> memref<2x128xi32, #tpu.memory_space<hbm>>
        %dma_start3A_212 = arith.constant 0 : i32
        %dma_start3A_213 = arith.constant 0 : i32
        %dma_start3A_214 = tpu.memref_slice %arg3[%add3A_207, %dma_start3A_212, %dma_start3A_213] : memref<2560x2x128xi32, #tpu.memory_space<hbm>> -> memref<1x2x128xi32, #tpu.memory_space<hbm>>
        %dma_start3A_215 = tpu.memref_squeeze %dma_start3A_214 : memref<1x2x128xi32, #tpu.memory_space<hbm>> -> memref<2x128xi32, #tpu.memory_space<hbm>>
        tpu.enqueue_dma source(%dma_start3A_215 : memref<2x128xi32, #tpu.memory_space<hbm>>) target(%arg8 : memref<2x128xi32, #tpu.memory_space<vmem>>) target_semaphore(%arg16 : memref<!tpu.dma_semaphore, #tpu.memory_space<semaphore_mem>>)
      } else {
      }
      %add3A_151 = arith.constant 2 : i32
      %add3A_152 = arith.addi %add3A_136, %add3A_151 : i32
      %lt3A_153 = arith.cmpi slt, %add3A_152, %select_n3A : i32
      %convert_element_type3A_154 = arith.extui %lt3A_153 : i1 to i32
      %cond3A_155 = arith.constant 0 : i32
      %cond3A_156 = arith.cmpi ne, %convert_element_type3A_154, %cond3A_155 : i32
      scf.if %cond3A_156 {
        %add3A_205 = arith.constant 2 : i32
        %add3A_206 = arith.addi %add3A_136, %add3A_205 : i32
        %add3A_207 = arith.addi %add3A, %add3A_206 : i32
        %dma_wait3A_208 = arith.constant 0 : i32
        %dma_wait3A_209 = arith.constant 0 : i32
        %dma_wait3A_210 = tpu.memref_slice %arg3[%add3A_207, %dma_wait3A_208, %dma_wait3A_209] : memref<2560x2x128xi32, #tpu.memory_space<hbm>> -> memref<1x2x128xi32, #tpu.memory_space<hbm>>
        %dma_wait3A_211 = tpu.memref_squeeze %dma_wait3A_210 : memref<1x2x128xi32, #tpu.memory_space<hbm>> -> memref<2x128xi32, #tpu.memory_space<hbm>>
        %dma_wait3A_212 = arith.constant 0 : i32
        %dma_wait3A_213 = arith.constant 0 : i32
        %dma_wait3A_214 = tpu.memref_slice %arg3[%add3A_207, %dma_wait3A_212, %dma_wait3A_213] : memref<2560x2x128xi32, #tpu.memory_space<hbm>> -> memref<1x2x128xi32, #tpu.memory_space<hbm>>
        %dma_wait3A_215 = tpu.memref_squeeze %dma_wait3A_214 : memref<1x2x128xi32, #tpu.memory_space<hbm>> -> memref<2x128xi32, #tpu.memory_space<hbm>>
        tpu.wait_dma2 semaphore(%arg18 : memref<!tpu.dma_semaphore, #tpu.memory_space<semaphore_mem>>) src(%dma_wait3A_215 : memref<2x128xi32, #tpu.memory_space<hbm>>) dst(%arg10 : memref<2x128xi32, #tpu.memory_space<vmem>>)
        %dma_start3A_216 = arith.constant 0 : i32
        %dma_start3A_217 = arith.constant 0 : i32
        %dma_start3A_218 = tpu.memref_slice %arg10[%dma_start3A_216, %dma_start3A_217] : memref<2x128xi32, #tpu.memory_space<vmem>> -> memref<1x128xi32, #tpu.memory_space<vmem>>
        %dma_start3A_219 = tpu.memref_squeeze %dma_start3A_218 : memref<1x128xi32, #tpu.memory_space<vmem>> -> memref<128xi32, #tpu.memory_space<vmem>>
        %dma_start3A_220 = arith.constant 0 : i32
        %dma_start3A_221 = arith.constant 0 : i32
        %dma_start3A_222 = tpu.memref_slice %arg2[%dma_start3A_220, %dma_start3A_221] : memref<10000x128xf32, #tpu.memory_space<hbm>> -> memref<10000x128xf32, #tpu.memory_space<hbm>>
        tpu.enqueue_indirect_dma source(%dma_start3A_222 : memref<10000x128xf32, #tpu.memory_space<hbm>>) target(%arg12 : memref<128x128xf32, #tpu.memory_space<vmem>>) offsets(%dma_start3A_219 : memref<128xi32, #tpu.memory_space<vmem>>) semaphore(%arg14 : memref<!tpu.dma_semaphore, #tpu.memory_space<semaphore_mem>>)
      } else {
      }
      %mul3A_157 = arith.constant 4 : i32
      %mul3A_158 = arith.muli %while3A_112, %mul3A_157 : i32
      %add3A_159 = arith.constant 2 : i32
      %add3A_160 = arith.addi %mul3A_158, %add3A_159 : i32
      %dma_wait3A_161 = arith.constant 0 : i32
      %dma_wait3A_162 = arith.constant 0 : i32
      %dma_wait3A_163 = tpu.memref_slice %arg9[%dma_wait3A_161, %dma_wait3A_162] : memref<2x128xi32, #tpu.memory_space<vmem>> -> memref<1x128xi32, #tpu.memory_space<vmem>>
      %dma_wait3A_164 = tpu.memref_squeeze %dma_wait3A_163 : memref<1x128xi32, #tpu.memory_space<vmem>> -> memref<128xi32, #tpu.memory_space<vmem>>
      %dma_wait3A_165 = arith.constant 0 : i32
      %dma_wait3A_166 = arith.constant 0 : i32
      %dma_wait3A_167 = tpu.memref_slice %arg2[%dma_wait3A_165, %dma_wait3A_166] : memref<10000x128xf32, #tpu.memory_space<hbm>> -> memref<10000x128xf32, #tpu.memory_space<hbm>>
      tpu.wait_indirect_dma semaphore(%arg13 : memref<!tpu.dma_semaphore, #tpu.memory_space<semaphore_mem>>) src(%dma_wait3A_167 : memref<10000x128xf32, #tpu.memory_space<hbm>>) dst(%arg11 : memref<128x128xf32, #tpu.memory_space<vmem>>)
      %run_scoped3A_168 = arith.constant 1 : i32
      "tpu.region"() ({
        %run_scoped3A_205 = tpu.sem_alloc : memref<!tpu.dma_semaphore, #tpu.memory_space<semaphore_mem>>
        %dma_start3A_206 = arith.constant 0 : i32
        %dma_start3A_207 = tpu.memref_slice %arg9[%run_scoped3A_168, %dma_start3A_206] : memref<2x128xi32, #tpu.memory_space<vmem>> -> memref<1x128xi32, #tpu.memory_space<vmem>>
        %dma_start3A_208 = tpu.memref_squeeze %dma_start3A_207 : memref<1x128xi32, #tpu.memory_space<vmem>> -> memref<128xi32, #tpu.memory_space<vmem>>
        %dma_start3A_209 = arith.constant 0 : i32
        %dma_start3A_210 = arith.constant 0 : i32
        %dma_start3A_211 = tpu.memref_slice %arg6[%dma_start3A_209, %dma_start3A_210] : memref<10112x128xf32, #tpu.memory_space<vmem_shared>> -> memref<10112x128xf32, #tpu.memory_space<vmem_shared>>
        tpu.enqueue_indirect_dma source(%arg11 : memref<128x128xf32, #tpu.memory_space<vmem>>) target(%dma_start3A_211 : memref<10112x128xf32, #tpu.memory_space<vmem_shared>>) offsets(%dma_start3A_208 : memref<128xi32, #tpu.memory_space<vmem>>) semaphore(%run_scoped3A_205 : memref<!tpu.dma_semaphore, #tpu.memory_space<semaphore_mem>>) {add = true}
        %dma_wait3A_212 = arith.constant 0 : i32
        %dma_wait3A_213 = tpu.memref_slice %arg9[%run_scoped3A_168, %dma_wait3A_212] : memref<2x128xi32, #tpu.memory_space<vmem>> -> memref<1x128xi32, #tpu.memory_space<vmem>>
        %dma_wait3A_214 = tpu.memref_squeeze %dma_wait3A_213 : memref<1x128xi32, #tpu.memory_space<vmem>> -> memref<128xi32, #tpu.memory_space<vmem>>
        %dma_wait3A_215 = arith.constant 0 : i32
        %dma_wait3A_216 = arith.constant 0 : i32
        %dma_wait3A_217 = tpu.memref_slice %arg6[%dma_wait3A_215, %dma_wait3A_216] : memref<10112x128xf32, #tpu.memory_space<vmem_shared>> -> memref<10112x128xf32, #tpu.memory_space<vmem_shared>>
        tpu.wait_indirect_dma semaphore(%run_scoped3A_205 : memref<!tpu.dma_semaphore, #tpu.memory_space<semaphore_mem>>) src(%arg11 : memref<128x128xf32, #tpu.memory_space<vmem>>) dst(%dma_wait3A_217 : memref<10112x128xf32, #tpu.memory_space<vmem_shared>>)
        tpu.yield
      }) : () -> ()
      %add3A_169 = arith.constant 4 : i32
      %add3A_170 = arith.addi %add3A_160, %add3A_169 : i32
      %lt3A_171 = arith.cmpi slt, %add3A_170, %select_n3A : i32
      %convert_element_type3A_172 = arith.extui %lt3A_171 : i1 to i32
      %cond3A_173 = arith.constant 0 : i32
      %cond3A_174 = arith.cmpi ne, %convert_element_type3A_172, %cond3A_173 : i32
      scf.if %cond3A_174 {
        %add3A_205 = arith.constant 4 : i32
        %add3A_206 = arith.addi %add3A_160, %add3A_205 : i32
        %add3A_207 = arith.addi %add3A, %add3A_206 : i32
        %dma_start3A_208 = arith.constant 0 : i32
        %dma_start3A_209 = arith.constant 0 : i32
        %dma_start3A_210 = tpu.memref_slice %arg3[%add3A_207, %dma_start3A_208, %dma_start3A_209] : memref<2560x2x128xi32, #tpu.memory_space<hbm>> -> memref<1x2x128xi32, #tpu.memory_space<hbm>>
        %dma_start3A_211 = tpu.memref_squeeze %dma_start3A_210 : memref<1x2x128xi32, #tpu.memory_space<hbm>> -> memref<2x128xi32, #tpu.memory_space<hbm>>
        %dma_start3A_212 = arith.constant 0 : i32
        %dma_start3A_213 = arith.constant 0 : i32
        %dma_start3A_214 = tpu.memref_slice %arg3[%add3A_207, %dma_start3A_212, %dma_start3A_213] : memref<2560x2x128xi32, #tpu.memory_space<hbm>> -> memref<1x2x128xi32, #tpu.memory_space<hbm>>
        %dma_start3A_215 = tpu.memref_squeeze %dma_start3A_214 : memref<1x2x128xi32, #tpu.memory_space<hbm>> -> memref<2x128xi32, #tpu.memory_space<hbm>>
        tpu.enqueue_dma source(%dma_start3A_215 : memref<2x128xi32, #tpu.memory_space<hbm>>) target(%arg9 : memref<2x128xi32, #tpu.memory_space<vmem>>) target_semaphore(%arg17 : memref<!tpu.dma_semaphore, #tpu.memory_space<semaphore_mem>>)
      } else {
      }
      %add3A_175 = arith.constant 2 : i32
      %add3A_176 = arith.addi %add3A_160, %add3A_175 : i32
      %lt3A_177 = arith.cmpi slt, %add3A_176, %select_n3A : i32
      %convert_element_type3A_178 = arith.extui %lt3A_177 : i1 to i32
      %cond3A_179 = arith.constant 0 : i32
      %cond3A_180 = arith.cmpi ne, %convert_element_type3A_178, %cond3A_179 : i32
      scf.if %cond3A_180 {
        %add3A_205 = arith.constant 2 : i32
        %add3A_206 = arith.addi %add3A_160, %add3A_205 : i32
        %add3A_207 = arith.addi %add3A, %add3A_206 : i32
        %dma_wait3A_208 = arith.constant 0 : i32
        %dma_wait3A_209 = arith.constant 0 : i32
        %dma_wait3A_210 = tpu.memref_slice %arg3[%add3A_207, %dma_wait3A_208, %dma_wait3A_209] : memref<2560x2x128xi32, #tpu.memory_space<hbm>> -> memref<1x2x128xi32, #tpu.memory_space<hbm>>
        %dma_wait3A_211 = tpu.memref_squeeze %dma_wait3A_210 : memref<1x2x128xi32, #tpu.memory_space<hbm>> -> memref<2x128xi32, #tpu.memory_space<hbm>>
        %dma_wait3A_212 = arith.constant 0 : i32
        %dma_wait3A_213 = arith.constant 0 : i32
        %dma_wait3A_214 = tpu.memref_slice %arg3[%add3A_207, %dma_wait3A_212, %dma_wait3A_213] : memref<2560x2x128xi32, #tpu.memory_space<hbm>> -> memref<1x2x128xi32, #tpu.memory_space<hbm>>
        %dma_wait3A_215 = tpu.memref_squeeze %dma_wait3A_214 : memref<1x2x128xi32, #tpu.memory_space<hbm>> -> memref<2x128xi32, #tpu.memory_space<hbm>>
        tpu.wait_dma2 semaphore(%arg15 : memref<!tpu.dma_semaphore, #tpu.memory_space<semaphore_mem>>) src(%dma_wait3A_215 : memref<2x128xi32, #tpu.memory_space<hbm>>) dst(%arg7 : memref<2x128xi32, #tpu.memory_space<vmem>>)
        %dma_start3A_216 = arith.constant 0 : i32
        %dma_start3A_217 = arith.constant 0 : i32
        %dma_start3A_218 = tpu.memref_slice %arg7[%dma_start3A_216, %dma_start3A_217] : memref<2x128xi32, #tpu.memory_space<vmem>> -> memref<1x128xi32, #tpu.memory_space<vmem>>
        %dma_start3A_219 = tpu.memref_squeeze %dma_start3A_218 : memref<1x128xi32, #tpu.memory_space<vmem>> -> memref<128xi32, #tpu.memory_space<vmem>>
        %dma_start3A_220 = arith.constant 0 : i32
        %dma_start3A_221 = arith.constant 0 : i32
        %dma_start3A_222 = tpu.memref_slice %arg2[%dma_start3A_220, %dma_start3A_221] : memref<10000x128xf32, #tpu.memory_space<hbm>> -> memref<10000x128xf32, #tpu.memory_space<hbm>>
        tpu.enqueue_indirect_dma source(%dma_start3A_222 : memref<10000x128xf32, #tpu.memory_space<hbm>>) target(%arg11 : memref<128x128xf32, #tpu.memory_space<vmem>>) offsets(%dma_start3A_219 : memref<128xi32, #tpu.memory_space<vmem>>) semaphore(%arg13 : memref<!tpu.dma_semaphore, #tpu.memory_space<semaphore_mem>>)
      } else {
      }
      %mul3A_181 = arith.constant 4 : i32
      %mul3A_182 = arith.muli %while3A_112, %mul3A_181 : i32
      %add3A_183 = arith.constant 3 : i32
      %add3A_184 = arith.addi %mul3A_182, %add3A_183 : i32
      %dma_wait3A_185 = arith.constant 0 : i32
      %dma_wait3A_186 = arith.constant 0 : i32
      %dma_wait3A_187 = tpu.memref_slice %arg10[%dma_wait3A_185, %dma_wait3A_186] : memref<2x128xi32, #tpu.memory_space<vmem>> -> memref<1x128xi32, #tpu.memory_space<vmem>>
      %dma_wait3A_188 = tpu.memref_squeeze %dma_wait3A_187 : memref<1x128xi32, #tpu.memory_space<vmem>> -> memref<128xi32, #tpu.memory_space<vmem>>
      %dma_wait3A_189 = arith.constant 0 : i32
      %dma_wait3A_190 = arith.constant 0 : i32
      %dma_wait3A_191 = tpu.memref_slice %arg2[%dma_wait3A_189, %dma_wait3A_190] : memref<10000x128xf32, #tpu.memory_space<hbm>> -> memref<10000x128xf32, #tpu.memory_space<hbm>>
      tpu.wait_indirect_dma semaphore(%arg14 : memref<!tpu.dma_semaphore, #tpu.memory_space<semaphore_mem>>) src(%dma_wait3A_191 : memref<10000x128xf32, #tpu.memory_space<hbm>>) dst(%arg12 : memref<128x128xf32, #tpu.memory_space<vmem>>)
      %run_scoped3A_192 = arith.constant 1 : i32
      "tpu.region"() ({
        %run_scoped3A_205 = tpu.sem_alloc : memref<!tpu.dma_semaphore, #tpu.memory_space<semaphore_mem>>
        %dma_start3A_206 = arith.constant 0 : i32
        %dma_start3A_207 = tpu.memref_slice %arg10[%run_scoped3A_192, %dma_start3A_206] : memref<2x128xi32, #tpu.memory_space<vmem>> -> memref<1x128xi32, #tpu.memory_space<vmem>>
        %dma_start3A_208 = tpu.memref_squeeze %dma_start3A_207 : memref<1x128xi32, #tpu.memory_space<vmem>> -> memref<128xi32, #tpu.memory_space<vmem>>
        %dma_start3A_209 = arith.constant 0 : i32
        %dma_start3A_210 = arith.constant 0 : i32
        %dma_start3A_211 = tpu.memref_slice %arg6[%dma_start3A_209, %dma_start3A_210] : memref<10112x128xf32, #tpu.memory_space<vmem_shared>> -> memref<10112x128xf32, #tpu.memory_space<vmem_shared>>
        tpu.enqueue_indirect_dma source(%arg12 : memref<128x128xf32, #tpu.memory_space<vmem>>) target(%dma_start3A_211 : memref<10112x128xf32, #tpu.memory_space<vmem_shared>>) offsets(%dma_start3A_208 : memref<128xi32, #tpu.memory_space<vmem>>) semaphore(%run_scoped3A_205 : memref<!tpu.dma_semaphore, #tpu.memory_space<semaphore_mem>>) {add = true}
        %dma_wait3A_212 = arith.constant 0 : i32
        %dma_wait3A_213 = tpu.memref_slice %arg10[%run_scoped3A_192, %dma_wait3A_212] : memref<2x128xi32, #tpu.memory_space<vmem>> -> memref<1x128xi32, #tpu.memory_space<vmem>>
        %dma_wait3A_214 = tpu.memref_squeeze %dma_wait3A_213 : memref<1x128xi32, #tpu.memory_space<vmem>> -> memref<128xi32, #tpu.memory_space<vmem>>
        %dma_wait3A_215 = arith.constant 0 : i32
        %dma_wait3A_216 = arith.constant 0 : i32
        %dma_wait3A_217 = tpu.memref_slice %arg6[%dma_wait3A_215, %dma_wait3A_216] : memref<10112x128xf32, #tpu.memory_space<vmem_shared>> -> memref<10112x128xf32, #tpu.memory_space<vmem_shared>>
        tpu.wait_indirect_dma semaphore(%run_scoped3A_205 : memref<!tpu.dma_semaphore, #tpu.memory_space<semaphore_mem>>) src(%arg12 : memref<128x128xf32, #tpu.memory_space<vmem>>) dst(%dma_wait3A_217 : memref<10112x128xf32, #tpu.memory_space<vmem_shared>>)
        tpu.yield
      }) : () -> ()
      %add3A_193 = arith.constant 4 : i32
      %add3A_194 = arith.addi %add3A_184, %add3A_193 : i32
      %lt3A_195 = arith.cmpi slt, %add3A_194, %select_n3A : i32
      %convert_element_type3A_196 = arith.extui %lt3A_195 : i1 to i32
      %cond3A_197 = arith.constant 0 : i32
      %cond3A_198 = arith.cmpi ne, %convert_element_type3A_196, %cond3A_197 : i32
      scf.if %cond3A_198 {
        %add3A_205 = arith.constant 4 : i32
        %add3A_206 = arith.addi %add3A_184, %add3A_205 : i32
        %add3A_207 = arith.addi %add3A, %add3A_206 : i32
        %dma_start3A_208 = arith.constant 0 : i32
        %dma_start3A_209 = arith.constant 0 : i32
        %dma_start3A_210 = tpu.memref_slice %arg3[%add3A_207, %dma_start3A_208, %dma_start3A_209] : memref<2560x2x128xi32, #tpu.memory_space<hbm>> -> memref<1x2x128xi32, #tpu.memory_space<hbm>>
        %dma_start3A_211 = tpu.memref_squeeze %dma_start3A_210 : memref<1x2x128xi32, #tpu.memory_space<hbm>> -> memref<2x128xi32, #tpu.memory_space<hbm>>
        %dma_start3A_212 = arith.constant 0 : i32
        %dma_start3A_213 = arith.constant 0 : i32
        %dma_start3A_214 = tpu.memref_slice %arg3[%add3A_207, %dma_start3A_212, %dma_start3A_213] : memref<2560x2x128xi32, #tpu.memory_space<hbm>> -> memref<1x2x128xi32, #tpu.memory_space<hbm>>
        %dma_start3A_215 = tpu.memref_squeeze %dma_start3A_214 : memref<1x2x128xi32, #tpu.memory_space<hbm>> -> memref<2x128xi32, #tpu.memory_space<hbm>>
        tpu.enqueue_dma source(%dma_start3A_215 : memref<2x128xi32, #tpu.memory_space<hbm>>) target(%arg10 : memref<2x128xi32, #tpu.memory_space<vmem>>) target_semaphore(%arg18 : memref<!tpu.dma_semaphore, #tpu.memory_space<semaphore_mem>>)
      } else {
      }
      %add3A_199 = arith.constant 2 : i32
      %add3A_200 = arith.addi %add3A_184, %add3A_199 : i32
      %lt3A_201 = arith.cmpi slt, %add3A_200, %select_n3A : i32
      %convert_element_type3A_202 = arith.extui %lt3A_201 : i1 to i32
      %cond3A_203 = arith.constant 0 : i32
      %cond3A_204 = arith.cmpi ne, %convert_element_type3A_202, %cond3A_203 : i32
      scf.if %cond3A_204 {
        %add3A_205 = arith.constant 2 : i32
        %add3A_206 = arith.addi %add3A_184, %add3A_205 : i32
        %add3A_207 = arith.addi %add3A, %add3A_206 : i32
        %dma_wait3A_208 = arith.constant 0 : i32
        %dma_wait3A_209 = arith.constant 0 : i32
        %dma_wait3A_210 = tpu.memref_slice %arg3[%add3A_207, %dma_wait3A_208, %dma_wait3A_209] : memref<2560x2x128xi32, #tpu.memory_space<hbm>> -> memref<1x2x128xi32, #tpu.memory_space<hbm>>
        %dma_wait3A_211 = tpu.memref_squeeze %dma_wait3A_210 : memref<1x2x128xi32, #tpu.memory_space<hbm>> -> memref<2x128xi32, #tpu.memory_space<hbm>>
        %dma_wait3A_212 = arith.constant 0 : i32
        %dma_wait3A_213 = arith.constant 0 : i32
        %dma_wait3A_214 = tpu.memref_slice %arg3[%add3A_207, %dma_wait3A_212, %dma_wait3A_213] : memref<2560x2x128xi32, #tpu.memory_space<hbm>> -> memref<1x2x128xi32, #tpu.memory_space<hbm>>
        %dma_wait3A_215 = tpu.memref_squeeze %dma_wait3A_214 : memref<1x2x128xi32, #tpu.memory_space<hbm>> -> memref<2x128xi32, #tpu.memory_space<hbm>>
        tpu.wait_dma2 semaphore(%arg16 : memref<!tpu.dma_semaphore, #tpu.memory_space<semaphore_mem>>) src(%dma_wait3A_215 : memref<2x128xi32, #tpu.memory_space<hbm>>) dst(%arg8 : memref<2x128xi32, #tpu.memory_space<vmem>>)
        %dma_start3A_216 = arith.constant 0 : i32
        %dma_start3A_217 = arith.constant 0 : i32
        %dma_start3A_218 = tpu.memref_slice %arg8[%dma_start3A_216, %dma_start3A_217] : memref<2x128xi32, #tpu.memory_space<vmem>> -> memref<1x128xi32, #tpu.memory_space<vmem>>
        %dma_start3A_219 = tpu.memref_squeeze %dma_start3A_218 : memref<1x128xi32, #tpu.memory_space<vmem>> -> memref<128xi32, #tpu.memory_space<vmem>>
        %dma_start3A_220 = arith.constant 0 : i32
        %dma_start3A_221 = arith.constant 0 : i32
        %dma_start3A_222 = tpu.memref_slice %arg2[%dma_start3A_220, %dma_start3A_221] : memref<10000x128xf32, #tpu.memory_space<hbm>> -> memref<10000x128xf32, #tpu.memory_space<hbm>>
        tpu.enqueue_indirect_dma source(%dma_start3A_222 : memref<10000x128xf32, #tpu.memory_space<hbm>>) target(%arg12 : memref<128x128xf32, #tpu.memory_space<vmem>>) offsets(%dma_start3A_219 : memref<128xi32, #tpu.memory_space<vmem>>) semaphore(%arg14 : memref<!tpu.dma_semaphore, #tpu.memory_space<semaphore_mem>>)
      } else {
      }
    }
    %while3A_107 = arith.constant 1 : i32
    scf.for %while3A_112 = %while3A_105 to %while3A_101 step %while3A_107  : i32 {
      %mul3A_113 = arith.constant 4 : i32
      %mul3A_114 = arith.muli %while3A_112, %mul3A_113 : i32
      %add3A_115 = arith.constant 0 : i32
      %add3A_116 = arith.addi %mul3A_114, %add3A_115 : i32
      %dma_wait3A_117 = arith.constant 0 : i32
      %dma_wait3A_118 = arith.constant 0 : i32
      %dma_wait3A_119 = tpu.memref_slice %arg7[%dma_wait3A_117, %dma_wait3A_118] : memref<2x128xi32, #tpu.memory_space<vmem>> -> memref<1x128xi32, #tpu.memory_space<vmem>>
      %dma_wait3A_120 = tpu.memref_squeeze %dma_wait3A_119 : memref<1x128xi32, #tpu.memory_space<vmem>> -> memref<128xi32, #tpu.memory_space<vmem>>
      %dma_wait3A_121 = arith.constant 0 : i32
      %dma_wait3A_122 = arith.constant 0 : i32
      %dma_wait3A_123 = tpu.memref_slice %arg2[%dma_wait3A_121, %dma_wait3A_122] : memref<10000x128xf32, #tpu.memory_space<hbm>> -> memref<10000x128xf32, #tpu.memory_space<hbm>>
      tpu.wait_indirect_dma semaphore(%arg13 : memref<!tpu.dma_semaphore, #tpu.memory_space<semaphore_mem>>) src(%dma_wait3A_123 : memref<10000x128xf32, #tpu.memory_space<hbm>>) dst(%arg11 : memref<128x128xf32, #tpu.memory_space<vmem>>)
      %run_scoped3A = arith.constant 1 : i32
      "tpu.region"() ({
        %run_scoped3A_205 = tpu.sem_alloc : memref<!tpu.dma_semaphore, #tpu.memory_space<semaphore_mem>>
        %dma_start3A_206 = arith.constant 0 : i32
        %dma_start3A_207 = tpu.memref_slice %arg7[%run_scoped3A, %dma_start3A_206] : memref<2x128xi32, #tpu.memory_space<vmem>> -> memref<1x128xi32, #tpu.memory_space<vmem>>
        %dma_start3A_208 = tpu.memref_squeeze %dma_start3A_207 : memref<1x128xi32, #tpu.memory_space<vmem>> -> memref<128xi32, #tpu.memory_space<vmem>>
        %dma_start3A_209 = arith.constant 0 : i32
        %dma_start3A_210 = arith.constant 0 : i32
        %dma_start3A_211 = tpu.memref_slice %arg6[%dma_start3A_209, %dma_start3A_210] : memref<10112x128xf32, #tpu.memory_space<vmem_shared>> -> memref<10112x128xf32, #tpu.memory_space<vmem_shared>>
        tpu.enqueue_indirect_dma source(%arg11 : memref<128x128xf32, #tpu.memory_space<vmem>>) target(%dma_start3A_211 : memref<10112x128xf32, #tpu.memory_space<vmem_shared>>) offsets(%dma_start3A_208 : memref<128xi32, #tpu.memory_space<vmem>>) semaphore(%run_scoped3A_205 : memref<!tpu.dma_semaphore, #tpu.memory_space<semaphore_mem>>) {add = true}
        %dma_wait3A_212 = arith.constant 0 : i32
        %dma_wait3A_213 = tpu.memref_slice %arg7[%run_scoped3A, %dma_wait3A_212] : memref<2x128xi32, #tpu.memory_space<vmem>> -> memref<1x128xi32, #tpu.memory_space<vmem>>
        %dma_wait3A_214 = tpu.memref_squeeze %dma_wait3A_213 : memref<1x128xi32, #tpu.memory_space<vmem>> -> memref<128xi32, #tpu.memory_space<vmem>>
        %dma_wait3A_215 = arith.constant 0 : i32
        %dma_wait3A_216 = arith.constant 0 : i32
        %dma_wait3A_217 = tpu.memref_slice %arg6[%dma_wait3A_215, %dma_wait3A_216] : memref<10112x128xf32, #tpu.memory_space<vmem_shared>> -> memref<10112x128xf32, #tpu.memory_space<vmem_shared>>
        tpu.wait_indirect_dma semaphore(%run_scoped3A_205 : memref<!tpu.dma_semaphore, #tpu.memory_space<semaphore_mem>>) src(%arg11 : memref<128x128xf32, #tpu.memory_space<vmem>>) dst(%dma_wait3A_217 : memref<10112x128xf32, #tpu.memory_space<vmem_shared>>)
        tpu.yield
      }) : () -> ()
      %add3A_124 = arith.constant 4 : i32
      %add3A_125 = arith.addi %add3A_116, %add3A_124 : i32
      %lt3A = arith.cmpi slt, %add3A_125, %select_n3A : i32
      %convert_element_type3A = arith.extui %lt3A : i1 to i32
      %cond3A = arith.constant 0 : i32
      %cond3A_126 = arith.cmpi ne, %convert_element_type3A, %cond3A : i32
      scf.if %cond3A_126 {
        %add3A_205 = arith.constant 4 : i32
        %add3A_206 = arith.addi %add3A_116, %add3A_205 : i32
        %add3A_207 = arith.addi %add3A, %add3A_206 : i32
        %dma_start3A_208 = arith.constant 0 : i32
        %dma_start3A_209 = arith.constant 0 : i32
        %dma_start3A_210 = tpu.memref_slice %arg3[%add3A_207, %dma_start3A_208, %dma_start3A_209] : memref<2560x2x128xi32, #tpu.memory_space<hbm>> -> memref<1x2x128xi32, #tpu.memory_space<hbm>>
        %dma_start3A_211 = tpu.memref_squeeze %dma_start3A_210 : memref<1x2x128xi32, #tpu.memory_space<hbm>> -> memref<2x128xi32, #tpu.memory_space<hbm>>
        %dma_start3A_212 = arith.constant 0 : i32
        %dma_start3A_213 = arith.constant 0 : i32
        %dma_start3A_214 = tpu.memref_slice %arg3[%add3A_207, %dma_start3A_212, %dma_start3A_213] : memref<2560x2x128xi32, #tpu.memory_space<hbm>> -> memref<1x2x128xi32, #tpu.memory_space<hbm>>
        %dma_start3A_215 = tpu.memref_squeeze %dma_start3A_214 : memref<1x2x128xi32, #tpu.memory_space<hbm>> -> memref<2x128xi32, #tpu.memory_space<hbm>>
        tpu.enqueue_dma source(%dma_start3A_215 : memref<2x128xi32, #tpu.memory_space<hbm>>) target(%arg7 : memref<2x128xi32, #tpu.memory_space<vmem>>) target_semaphore(%arg15 : memref<!tpu.dma_semaphore, #tpu.memory_space<semaphore_mem>>)
      } else {
      }
      %add3A_127 = arith.constant 2 : i32
      %add3A_128 = arith.addi %add3A_116, %add3A_127 : i32
      %lt3A_129 = arith.cmpi slt, %add3A_128, %select_n3A : i32
      %convert_element_type3A_130 = arith.extui %lt3A_129 : i1 to i32
      %cond3A_131 = arith.constant 0 : i32
      %cond3A_132 = arith.cmpi ne, %convert_element_type3A_130, %cond3A_131 : i32
      scf.if %cond3A_132 {
        %add3A_205 = arith.constant 2 : i32
        %add3A_206 = arith.addi %add3A_116, %add3A_205 : i32
        %add3A_207 = arith.addi %add3A, %add3A_206 : i32
        %dma_wait3A_208 = arith.constant 0 : i32
        %dma_wait3A_209 = arith.constant 0 : i32
        %dma_wait3A_210 = tpu.memref_slice %arg3[%add3A_207, %dma_wait3A_208, %dma_wait3A_209] : memref<2560x2x128xi32, #tpu.memory_space<hbm>> -> memref<1x2x128xi32, #tpu.memory_space<hbm>>
        %dma_wait3A_211 = tpu.memref_squeeze %dma_wait3A_210 : memref<1x2x128xi32, #tpu.memory_space<hbm>> -> memref<2x128xi32, #tpu.memory_space<hbm>>
        %dma_wait3A_212 = arith.constant 0 : i32
        %dma_wait3A_213 = arith.constant 0 : i32
        %dma_wait3A_214 = tpu.memref_slice %arg3[%add3A_207, %dma_wait3A_212, %dma_wait3A_213] : memref<2560x2x128xi32, #tpu.memory_space<hbm>> -> memref<1x2x128xi32, #tpu.memory_space<hbm>>
        %dma_wait3A_215 = tpu.memref_squeeze %dma_wait3A_214 : memref<1x2x128xi32, #tpu.memory_space<hbm>> -> memref<2x128xi32, #tpu.memory_space<hbm>>
        tpu.wait_dma2 semaphore(%arg17 : memref<!tpu.dma_semaphore, #tpu.memory_space<semaphore_mem>>) src(%dma_wait3A_215 : memref<2x128xi32, #tpu.memory_space<hbm>>) dst(%arg9 : memref<2x128xi32, #tpu.memory_space<vmem>>)
        %dma_start3A_216 = arith.constant 0 : i32
        %dma_start3A_217 = arith.constant 0 : i32
        %dma_start3A_218 = tpu.memref_slice %arg9[%dma_start3A_216, %dma_start3A_217] : memref<2x128xi32, #tpu.memory_space<vmem>> -> memref<1x128xi32, #tpu.memory_space<vmem>>
        %dma_start3A_219 = tpu.memref_squeeze %dma_start3A_218 : memref<1x128xi32, #tpu.memory_space<vmem>> -> memref<128xi32, #tpu.memory_space<vmem>>
        %dma_start3A_220 = arith.constant 0 : i32
        %dma_start3A_221 = arith.constant 0 : i32
        %dma_start3A_222 = tpu.memref_slice %arg2[%dma_start3A_220, %dma_start3A_221] : memref<10000x128xf32, #tpu.memory_space<hbm>> -> memref<10000x128xf32, #tpu.memory_space<hbm>>
        tpu.enqueue_indirect_dma source(%dma_start3A_222 : memref<10000x128xf32, #tpu.memory_space<hbm>>) target(%arg11 : memref<128x128xf32, #tpu.memory_space<vmem>>) offsets(%dma_start3A_219 : memref<128xi32, #tpu.memory_space<vmem>>) semaphore(%arg13 : memref<!tpu.dma_semaphore, #tpu.memory_space<semaphore_mem>>)
      } else {
      }
      %mul3A_133 = arith.constant 4 : i32
      %mul3A_134 = arith.muli %while3A_112, %mul3A_133 : i32
      %add3A_135 = arith.constant 1 : i32
      %add3A_136 = arith.addi %mul3A_134, %add3A_135 : i32
      %dma_wait3A_137 = arith.constant 0 : i32
      %dma_wait3A_138 = arith.constant 0 : i32
      %dma_wait3A_139 = tpu.memref_slice %arg8[%dma_wait3A_137, %dma_wait3A_138] : memref<2x128xi32, #tpu.memory_space<vmem>> -> memref<1x128xi32, #tpu.memory_space<vmem>>
      %dma_wait3A_140 = tpu.memref_squeeze %dma_wait3A_139 : memref<1x128xi32, #tpu.memory_space<vmem>> -> memref<128xi32, #tpu.memory_space<vmem>>
      %dma_wait3A_141 = arith.constant 0 : i32
      %dma_wait3A_142 = arith.constant 0 : i32
      %dma_wait3A_143 = tpu.memref_slice %arg2[%dma_wait3A_141, %dma_wait3A_142] : memref<10000x128xf32, #tpu.memory_space<hbm>> -> memref<10000x128xf32, #tpu.memory_space<hbm>>
      tpu.wait_indirect_dma semaphore(%arg14 : memref<!tpu.dma_semaphore, #tpu.memory_space<semaphore_mem>>) src(%dma_wait3A_143 : memref<10000x128xf32, #tpu.memory_space<hbm>>) dst(%arg12 : memref<128x128xf32, #tpu.memory_space<vmem>>)
      %run_scoped3A_144 = arith.constant 1 : i32
      "tpu.region"() ({
        %run_scoped3A_205 = tpu.sem_alloc : memref<!tpu.dma_semaphore, #tpu.memory_space<semaphore_mem>>
        %dma_start3A_206 = arith.constant 0 : i32
        %dma_start3A_207 = tpu.memref_slice %arg8[%run_scoped3A_144, %dma_start3A_206] : memref<2x128xi32, #tpu.memory_space<vmem>> -> memref<1x128xi32, #tpu.memory_space<vmem>>
        %dma_start3A_208 = tpu.memref_squeeze %dma_start3A_207 : memref<1x128xi32, #tpu.memory_space<vmem>> -> memref<128xi32, #tpu.memory_space<vmem>>
        %dma_start3A_209 = arith.constant 0 : i32
        %dma_start3A_210 = arith.constant 0 : i32
        %dma_start3A_211 = tpu.memref_slice %arg6[%dma_start3A_209, %dma_start3A_210] : memref<10112x128xf32, #tpu.memory_space<vmem_shared>> -> memref<10112x128xf32, #tpu.memory_space<vmem_shared>>
        tpu.enqueue_indirect_dma source(%arg12 : memref<128x128xf32, #tpu.memory_space<vmem>>) target(%dma_start3A_211 : memref<10112x128xf32, #tpu.memory_space<vmem_shared>>) offsets(%dma_start3A_208 : memref<128xi32, #tpu.memory_space<vmem>>) semaphore(%run_scoped3A_205 : memref<!tpu.dma_semaphore, #tpu.memory_space<semaphore_mem>>) {add = true}
        %dma_wait3A_212 = arith.constant 0 : i32
        %dma_wait3A_213 = tpu.memref_slice %arg8[%run_scoped3A_144, %dma_wait3A_212] : memref<2x128xi32, #tpu.memory_space<vmem>> -> memref<1x128xi32, #tpu.memory_space<vmem>>
        %dma_wait3A_214 = tpu.memref_squeeze %dma_wait3A_213 : memref<1x128xi32, #tpu.memory_space<vmem>> -> memref<128xi32, #tpu.memory_space<vmem>>
        %dma_wait3A_215 = arith.constant 0 : i32
        %dma_wait3A_216 = arith.constant 0 : i32
        %dma_wait3A_217 = tpu.memref_slice %arg6[%dma_wait3A_215, %dma_wait3A_216] : memref<10112x128xf32, #tpu.memory_space<vmem_shared>> -> memref<10112x128xf32, #tpu.memory_space<vmem_shared>>
        tpu.wait_indirect_dma semaphore(%run_scoped3A_205 : memref<!tpu.dma_semaphore, #tpu.memory_space<semaphore_mem>>) src(%arg12 : memref<128x128xf32, #tpu.memory_space<vmem>>) dst(%dma_wait3A_217 : memref<10112x128xf32, #tpu.memory_space<vmem_shared>>)
        tpu.yield
      }) : () -> ()
      %add3A_145 = arith.constant 4 : i32
      %add3A_146 = arith.addi %add3A_136, %add3A_145 : i32
      %lt3A_147 = arith.cmpi slt, %add3A_146, %select_n3A : i32
      %convert_element_type3A_148 = arith.extui %lt3A_147 : i1 to i32
      %cond3A_149 = arith.constant 0 : i32
      %cond3A_150 = arith.cmpi ne, %convert_element_type3A_148, %cond3A_149 : i32
      scf.if %cond3A_150 {
        %add3A_205 = arith.constant 4 : i32
        %add3A_206 = arith.addi %add3A_136, %add3A_205 : i32
        %add3A_207 = arith.addi %add3A, %add3A_206 : i32
        %dma_start3A_208 = arith.constant 0 : i32
        %dma_start3A_209 = arith.constant 0 : i32
        %dma_start3A_210 = tpu.memref_slice %arg3[%add3A_207, %dma_start3A_208, %dma_start3A_209] : memref<2560x2x128xi32, #tpu.memory_space<hbm>> -> memref<1x2x128xi32, #tpu.memory_space<hbm>>
        %dma_start3A_211 = tpu.memref_squeeze %dma_start3A_210 : memref<1x2x128xi32, #tpu.memory_space<hbm>> -> memref<2x128xi32, #tpu.memory_space<hbm>>
        %dma_start3A_212 = arith.constant 0 : i32
        %dma_start3A_213 = arith.constant 0 : i32
        %dma_start3A_214 = tpu.memref_slice %arg3[%add3A_207, %dma_start3A_212, %dma_start3A_213] : memref<2560x2x128xi32, #tpu.memory_space<hbm>> -> memref<1x2x128xi32, #tpu.memory_space<hbm>>
        %dma_start3A_215 = tpu.memref_squeeze %dma_start3A_214 : memref<1x2x128xi32, #tpu.memory_space<hbm>> -> memref<2x128xi32, #tpu.memory_space<hbm>>
        tpu.enqueue_dma source(%dma_start3A_215 : memref<2x128xi32, #tpu.memory_space<hbm>>) target(%arg8 : memref<2x128xi32, #tpu.memory_space<vmem>>) target_semaphore(%arg16 : memref<!tpu.dma_semaphore, #tpu.memory_space<semaphore_mem>>)
      } else {
      }
      %add3A_151 = arith.constant 2 : i32
      %add3A_152 = arith.addi %add3A_136, %add3A_151 : i32
      %lt3A_153 = arith.cmpi slt, %add3A_152, %select_n3A : i32
      %convert_element_type3A_154 = arith.extui %lt3A_153 : i1 to i32
      %cond3A_155 = arith.constant 0 : i32
      %cond3A_156 = arith.cmpi ne, %convert_element_type3A_154, %cond3A_155 : i32
      scf.if %cond3A_156 {
        %add3A_205 = arith.constant 2 : i32
        %add3A_206 = arith.addi %add3A_136, %add3A_205 : i32
        %add3A_207 = arith.addi %add3A, %add3A_206 : i32
        %dma_wait3A_208 = arith.constant 0 : i32
        %dma_wait3A_209 = arith.constant 0 : i32
        %dma_wait3A_210 = tpu.memref_slice %arg3[%add3A_207, %dma_wait3A_208, %dma_wait3A_209] : memref<2560x2x128xi32, #tpu.memory_space<hbm>> -> memref<1x2x128xi32, #tpu.memory_space<hbm>>
        %dma_wait3A_211 = tpu.memref_squeeze %dma_wait3A_210 : memref<1x2x128xi32, #tpu.memory_space<hbm>> -> memref<2x128xi32, #tpu.memory_space<hbm>>
        %dma_wait3A_212 = arith.constant 0 : i32
        %dma_wait3A_213 = arith.constant 0 : i32
        %dma_wait3A_214 = tpu.memref_slice %arg3[%add3A_207, %dma_wait3A_212, %dma_wait3A_213] : memref<2560x2x128xi32, #tpu.memory_space<hbm>> -> memref<1x2x128xi32, #tpu.memory_space<hbm>>
        %dma_wait3A_215 = tpu.memref_squeeze %dma_wait3A_214 : memref<1x2x128xi32, #tpu.memory_space<hbm>> -> memref<2x128xi32, #tpu.memory_space<hbm>>
        tpu.wait_dma2 semaphore(%arg18 : memref<!tpu.dma_semaphore, #tpu.memory_space<semaphore_mem>>) src(%dma_wait3A_215 : memref<2x128xi32, #tpu.memory_space<hbm>>) dst(%arg10 : memref<2x128xi32, #tpu.memory_space<vmem>>)
        %dma_start3A_216 = arith.constant 0 : i32
        %dma_start3A_217 = arith.constant 0 : i32
        %dma_start3A_218 = tpu.memref_slice %arg10[%dma_start3A_216, %dma_start3A_217] : memref<2x128xi32, #tpu.memory_space<vmem>> -> memref<1x128xi32, #tpu.memory_space<vmem>>
        %dma_start3A_219 = tpu.memref_squeeze %dma_start3A_218 : memref<1x128xi32, #tpu.memory_space<vmem>> -> memref<128xi32, #tpu.memory_space<vmem>>
        %dma_start3A_220 = arith.constant 0 : i32
        %dma_start3A_221 = arith.constant 0 : i32
        %dma_start3A_222 = tpu.memref_slice %arg2[%dma_start3A_220, %dma_start3A_221] : memref<10000x128xf32, #tpu.memory_space<hbm>> -> memref<10000x128xf32, #tpu.memory_space<hbm>>
        tpu.enqueue_indirect_dma source(%dma_start3A_222 : memref<10000x128xf32, #tpu.memory_space<hbm>>) target(%arg12 : memref<128x128xf32, #tpu.memory_space<vmem>>) offsets(%dma_start3A_219 : memref<128xi32, #tpu.memory_space<vmem>>) semaphore(%arg14 : memref<!tpu.dma_semaphore, #tpu.memory_space<semaphore_mem>>)
      } else {
      }
      %mul3A_157 = arith.constant 4 : i32
      %mul3A_158 = arith.muli %while3A_112, %mul3A_157 : i32
      %add3A_159 = arith.constant 2 : i32
      %add3A_160 = arith.addi %mul3A_158, %add3A_159 : i32
      %dma_wait3A_161 = arith.constant 0 : i32
      %dma_wait3A_162 = arith.constant 0 : i32
      %dma_wait3A_163 = tpu.memref_slice %arg9[%dma_wait3A_161, %dma_wait3A_162] : memref<2x128xi32, #tpu.memory_space<vmem>> -> memref<1x128xi32, #tpu.memory_space<vmem>>
      %dma_wait3A_164 = tpu.memref_squeeze %dma_wait3A_163 : memref<1x128xi32, #tpu.memory_space<vmem>> -> memref<128xi32, #tpu.memory_space<vmem>>
      %dma_wait3A_165 = arith.constant 0 : i32
      %dma_wait3A_166 = arith.constant 0 : i32
      %dma_wait3A_167 = tpu.memref_slice %arg2[%dma_wait3A_165, %dma_wait3A_166] : memref<10000x128xf32, #tpu.memory_space<hbm>> -> memref<10000x128xf32, #tpu.memory_space<hbm>>
      tpu.wait_indirect_dma semaphore(%arg13 : memref<!tpu.dma_semaphore, #tpu.memory_space<semaphore_mem>>) src(%dma_wait3A_167 : memref<10000x128xf32, #tpu.memory_space<hbm>>) dst(%arg11 : memref<128x128xf32, #tpu.memory_space<vmem>>)
      %run_scoped3A_168 = arith.constant 1 : i32
      "tpu.region"() ({
        %run_scoped3A_205 = tpu.sem_alloc : memref<!tpu.dma_semaphore, #tpu.memory_space<semaphore_mem>>
        %dma_start3A_206 = arith.constant 0 : i32
        %dma_start3A_207 = tpu.memref_slice %arg9[%run_scoped3A_168, %dma_start3A_206] : memref<2x128xi32, #tpu.memory_space<vmem>> -> memref<1x128xi32, #tpu.memory_space<vmem>>
        %dma_start3A_208 = tpu.memref_squeeze %dma_start3A_207 : memref<1x128xi32, #tpu.memory_space<vmem>> -> memref<128xi32, #tpu.memory_space<vmem>>
        %dma_start3A_209 = arith.constant 0 : i32
        %dma_start3A_210 = arith.constant 0 : i32
        %dma_start3A_211 = tpu.memref_slice %arg6[%dma_start3A_209, %dma_start3A_210] : memref<10112x128xf32, #tpu.memory_space<vmem_shared>> -> memref<10112x128xf32, #tpu.memory_space<vmem_shared>>
        tpu.enqueue_indirect_dma source(%arg11 : memref<128x128xf32, #tpu.memory_space<vmem>>) target(%dma_start3A_211 : memref<10112x128xf32, #tpu.memory_space<vmem_shared>>) offsets(%dma_start3A_208 : memref<128xi32, #tpu.memory_space<vmem>>) semaphore(%run_scoped3A_205 : memref<!tpu.dma_semaphore, #tpu.memory_space<semaphore_mem>>) {add = true}
        %dma_wait3A_212 = arith.constant 0 : i32
        %dma_wait3A_213 = tpu.memref_slice %arg9[%run_scoped3A_168, %dma_wait3A_212] : memref<2x128xi32, #tpu.memory_space<vmem>> -> memref<1x128xi32, #tpu.memory_space<vmem>>
        %dma_wait3A_214 = tpu.memref_squeeze %dma_wait3A_213 : memref<1x128xi32, #tpu.memory_space<vmem>> -> memref<128xi32, #tpu.memory_space<vmem>>
        %dma_wait3A_215 = arith.constant 0 : i32
        %dma_wait3A_216 = arith.constant 0 : i32
        %dma_wait3A_217 = tpu.memref_slice %arg6[%dma_wait3A_215, %dma_wait3A_216] : memref<10112x128xf32, #tpu.memory_space<vmem_shared>> -> memref<10112x128xf32, #tpu.memory_space<vmem_shared>>
        tpu.wait_indirect_dma semaphore(%run_scoped3A_205 : memref<!tpu.dma_semaphore, #tpu.memory_space<semaphore_mem>>) src(%arg11 : memref<128x128xf32, #tpu.memory_space<vmem>>) dst(%dma_wait3A_217 : memref<10112x128xf32, #tpu.memory_space<vmem_shared>>)
        tpu.yield
      }) : () -> ()
      %add3A_169 = arith.constant 4 : i32
      %add3A_170 = arith.addi %add3A_160, %add3A_169 : i32
      %lt3A_171 = arith.cmpi slt, %add3A_170, %select_n3A : i32
      %convert_element_type3A_172 = arith.extui %lt3A_171 : i1 to i32
      %cond3A_173 = arith.constant 0 : i32
      %cond3A_174 = arith.cmpi ne, %convert_element_type3A_172, %cond3A_173 : i32
      scf.if %cond3A_174 {
        %add3A_205 = arith.constant 4 : i32
        %add3A_206 = arith.addi %add3A_160, %add3A_205 : i32
        %add3A_207 = arith.addi %add3A, %add3A_206 : i32
        %dma_start3A_208 = arith.constant 0 : i32
        %dma_start3A_209 = arith.constant 0 : i32
        %dma_start3A_210 = tpu.memref_slice %arg3[%add3A_207, %dma_start3A_208, %dma_start3A_209] : memref<2560x2x128xi32, #tpu.memory_space<hbm>> -> memref<1x2x128xi32, #tpu.memory_space<hbm>>
        %dma_start3A_211 = tpu.memref_squeeze %dma_start3A_210 : memref<1x2x128xi32, #tpu.memory_space<hbm>> -> memref<2x128xi32, #tpu.memory_space<hbm>>
        %dma_start3A_212 = arith.constant 0 : i32
        %dma_start3A_213 = arith.constant 0 : i32
        %dma_start3A_214 = tpu.memref_slice %arg3[%add3A_207, %dma_start3A_212, %dma_start3A_213] : memref<2560x2x128xi32, #tpu.memory_space<hbm>> -> memref<1x2x128xi32, #tpu.memory_space<hbm>>
        %dma_start3A_215 = tpu.memref_squeeze %dma_start3A_214 : memref<1x2x128xi32, #tpu.memory_space<hbm>> -> memref<2x128xi32, #tpu.memory_space<hbm>>
        tpu.enqueue_dma source(%dma_start3A_215 : memref<2x128xi32, #tpu.memory_space<hbm>>) target(%arg9 : memref<2x128xi32, #tpu.memory_space<vmem>>) target_semaphore(%arg17 : memref<!tpu.dma_semaphore, #tpu.memory_space<semaphore_mem>>)
      } else {
      }
      %add3A_175 = arith.constant 2 : i32
      %add3A_176 = arith.addi %add3A_160, %add3A_175 : i32
      %lt3A_177 = arith.cmpi slt, %add3A_176, %select_n3A : i32
      %convert_element_type3A_178 = arith.extui %lt3A_177 : i1 to i32
      %cond3A_179 = arith.constant 0 : i32
      %cond3A_180 = arith.cmpi ne, %convert_element_type3A_178, %cond3A_179 : i32
      scf.if %cond3A_180 {
        %add3A_205 = arith.constant 2 : i32
        %add3A_206 = arith.addi %add3A_160, %add3A_205 : i32
        %add3A_207 = arith.addi %add3A, %add3A_206 : i32
        %dma_wait3A_208 = arith.constant 0 : i32
        %dma_wait3A_209 = arith.constant 0 : i32
        %dma_wait3A_210 = tpu.memref_slice %arg3[%add3A_207, %dma_wait3A_208, %dma_wait3A_209] : memref<2560x2x128xi32, #tpu.memory_space<hbm>> -> memref<1x2x128xi32, #tpu.memory_space<hbm>>
        %dma_wait3A_211 = tpu.memref_squeeze %dma_wait3A_210 : memref<1x2x128xi32, #tpu.memory_space<hbm>> -> memref<2x128xi32, #tpu.memory_space<hbm>>
        %dma_wait3A_212 = arith.constant 0 : i32
        %dma_wait3A_213 = arith.constant 0 : i32
        %dma_wait3A_214 = tpu.memref_slice %arg3[%add3A_207, %dma_wait3A_212, %dma_wait3A_213] : memref<2560x2x128xi32, #tpu.memory_space<hbm>> -> memref<1x2x128xi32, #tpu.memory_space<hbm>>
        %dma_wait3A_215 = tpu.memref_squeeze %dma_wait3A_214 : memref<1x2x128xi32, #tpu.memory_space<hbm>> -> memref<2x128xi32, #tpu.memory_space<hbm>>
        tpu.wait_dma2 semaphore(%arg15 : memref<!tpu.dma_semaphore, #tpu.memory_space<semaphore_mem>>) src(%dma_wait3A_215 : memref<2x128xi32, #tpu.memory_space<hbm>>) dst(%arg7 : memref<2x128xi32, #tpu.memory_space<vmem>>)
        %dma_start3A_216 = arith.constant 0 : i32
        %dma_start3A_217 = arith.constant 0 : i32
        %dma_start3A_218 = tpu.memref_slice %arg7[%dma_start3A_216, %dma_start3A_217] : memref<2x128xi32, #tpu.memory_space<vmem>> -> memref<1x128xi32, #tpu.memory_space<vmem>>
        %dma_start3A_219 = tpu.memref_squeeze %dma_start3A_218 : memref<1x128xi32, #tpu.memory_space<vmem>> -> memref<128xi32, #tpu.memory_space<vmem>>
        %dma_start3A_220 = arith.constant 0 : i32
        %dma_start3A_221 = arith.constant 0 : i32
        %dma_start3A_222 = tpu.memref_slice %arg2[%dma_start3A_220, %dma_start3A_221] : memref<10000x128xf32, #tpu.memory_space<hbm>> -> memref<10000x128xf32, #tpu.memory_space<hbm>>
        tpu.enqueue_indirect_dma source(%dma_start3A_222 : memref<10000x128xf32, #tpu.memory_space<hbm>>) target(%arg11 : memref<128x128xf32, #tpu.memory_space<vmem>>) offsets(%dma_start3A_219 : memref<128xi32, #tpu.memory_space<vmem>>) semaphore(%arg13 : memref<!tpu.dma_semaphore, #tpu.memory_space<semaphore_mem>>)
      } else {
      }
      %mul3A_181 = arith.constant 4 : i32
      %mul3A_182 = arith.muli %while3A_112, %mul3A_181 : i32
      %add3A_183 = arith.constant 3 : i32
      %add3A_184 = arith.addi %mul3A_182, %add3A_183 : i32
      %dma_wait3A_185 = arith.constant 0 : i32
      %dma_wait3A_186 = arith.constant 0 : i32
      %dma_wait3A_187 = tpu.memref_slice %arg10[%dma_wait3A_185, %dma_wait3A_186] : memref<2x128xi32, #tpu.memory_space<vmem>> -> memref<1x128xi32, #tpu.memory_space<vmem>>
      %dma_wait3A_188 = tpu.memref_squeeze %dma_wait3A_187 : memref<1x128xi32, #tpu.memory_space<vmem>> -> memref<128xi32, #tpu.memory_space<vmem>>
      %dma_wait3A_189 = arith.constant 0 : i32
      %dma_wait3A_190 = arith.constant 0 : i32
      %dma_wait3A_191 = tpu.memref_slice %arg2[%dma_wait3A_189, %dma_wait3A_190] : memref<10000x128xf32, #tpu.memory_space<hbm>> -> memref<10000x128xf32, #tpu.memory_space<hbm>>
      tpu.wait_indirect_dma semaphore(%arg14 : memref<!tpu.dma_semaphore, #tpu.memory_space<semaphore_mem>>) src(%dma_wait3A_191 : memref<10000x128xf32, #tpu.memory_space<hbm>>) dst(%arg12 : memref<128x128xf32, #tpu.memory_space<vmem>>)
      %run_scoped3A_192 = arith.constant 1 : i32
      "tpu.region"() ({
        %run_scoped3A_205 = tpu.sem_alloc : memref<!tpu.dma_semaphore, #tpu.memory_space<semaphore_mem>>
        %dma_start3A_206 = arith.constant 0 : i32
        %dma_start3A_207 = tpu.memref_slice %arg10[%run_scoped3A_192, %dma_start3A_206] : memref<2x128xi32, #tpu.memory_space<vmem>> -> memref<1x128xi32, #tpu.memory_space<vmem>>
        %dma_start3A_208 = tpu.memref_squeeze %dma_start3A_207 : memref<1x128xi32, #tpu.memory_space<vmem>> -> memref<128xi32, #tpu.memory_space<vmem>>
        %dma_start3A_209 = arith.constant 0 : i32
        %dma_start3A_210 = arith.constant 0 : i32
        %dma_start3A_211 = tpu.memref_slice %arg6[%dma_start3A_209, %dma_start3A_210] : memref<10112x128xf32, #tpu.memory_space<vmem_shared>> -> memref<10112x128xf32, #tpu.memory_space<vmem_shared>>
        tpu.enqueue_indirect_dma source(%arg12 : memref<128x128xf32, #tpu.memory_space<vmem>>) target(%dma_start3A_211 : memref<10112x128xf32, #tpu.memory_space<vmem_shared>>) offsets(%dma_start3A_208 : memref<128xi32, #tpu.memory_space<vmem>>) semaphore(%run_scoped3A_205 : memref<!tpu.dma_semaphore, #tpu.memory_space<semaphore_mem>>) {add = true}
        %dma_wait3A_212 = arith.constant 0 : i32
        %dma_wait3A_213 = tpu.memref_slice %arg10[%run_scoped3A_192, %dma_wait3A_212] : memref<2x128xi32, #tpu.memory_space<vmem>> -> memref<1x128xi32, #tpu.memory_space<vmem>>
        %dma_wait3A_214 = tpu.memref_squeeze %dma_wait3A_213 : memref<1x128xi32, #tpu.memory_space<vmem>> -> memref<128xi32, #tpu.memory_space<vmem>>
        %dma_wait3A_215 = arith.constant 0 : i32
        %dma_wait3A_216 = arith.constant 0 : i32
        %dma_wait3A_217 = tpu.memref_slice %arg6[%dma_wait3A_215, %dma_wait3A_216] : memref<10112x128xf32, #tpu.memory_space<vmem_shared>> -> memref<10112x128xf32, #tpu.memory_space<vmem_shared>>
        tpu.wait_indirect_dma semaphore(%run_scoped3A_205 : memref<!tpu.dma_semaphore, #tpu.memory_space<semaphore_mem>>) src(%arg12 : memref<128x128xf32, #tpu.memory_space<vmem>>) dst(%dma_wait3A_217 : memref<10112x128xf32, #tpu.memory_space<vmem_shared>>)
        tpu.yield
      }) : () -> ()
      %add3A_193 = arith.constant 4 : i32
      %add3A_194 = arith.addi %add3A_184, %add3A_193 : i32
      %lt3A_195 = arith.cmpi slt, %add3A_194, %select_n3A : i32
      %convert_element_type3A_196 = arith.extui %lt3A_195 : i1 to i32
      %cond3A_197 = arith.constant 0 : i32
      %cond3A_198 = arith.cmpi ne, %convert_element_type3A_196, %cond3A_197 : i32
      scf.if %cond3A_198 {
        %add3A_205 = arith.constant 4 : i32
        %add3A_206 = arith.addi %add3A_184, %add3A_205 : i32
        %add3A_207 = arith.addi %add3A, %add3A_206 : i32
        %dma_start3A_208 = arith.constant 0 : i32
        %dma_start3A_209 = arith.constant 0 : i32
        %dma_start3A_210 = tpu.memref_slice %arg3[%add3A_207, %dma_start3A_208, %dma_start3A_209] : memref<2560x2x128xi32, #tpu.memory_space<hbm>> -> memref<1x2x128xi32, #tpu.memory_space<hbm>>
        %dma_start3A_211 = tpu.memref_squeeze %dma_start3A_210 : memref<1x2x128xi32, #tpu.memory_space<hbm>> -> memref<2x128xi32, #tpu.memory_space<hbm>>
        %dma_start3A_212 = arith.constant 0 : i32
        %dma_start3A_213 = arith.constant 0 : i32
        %dma_start3A_214 = tpu.memref_slice %arg3[%add3A_207, %dma_start3A_212, %dma_start3A_213] : memref<2560x2x128xi32, #tpu.memory_space<hbm>> -> memref<1x2x128xi32, #tpu.memory_space<hbm>>
        %dma_start3A_215 = tpu.memref_squeeze %dma_start3A_214 : memref<1x2x128xi32, #tpu.memory_space<hbm>> -> memref<2x128xi32, #tpu.memory_space<hbm>>
        tpu.enqueue_dma source(%dma_start3A_215 : memref<2x128xi32, #tpu.memory_space<hbm>>) target(%arg10 : memref<2x128xi32, #tpu.memory_space<vmem>>) target_semaphore(%arg18 : memref<!tpu.dma_semaphore, #tpu.memory_space<semaphore_mem>>)
      } else {
      }
      %add3A_199 = arith.constant 2 : i32
      %add3A_200 = arith.addi %add3A_184, %add3A_199 : i32
      %lt3A_201 = arith.cmpi slt, %add3A_200, %select_n3A : i32
      %convert_element_type3A_202 = arith.extui %lt3A_201 : i1 to i32
      %cond3A_203 = arith.constant 0 : i32
      %cond3A_204 = arith.cmpi ne, %convert_element_type3A_202, %cond3A_203 : i32
      scf.if %cond3A_204 {
        %add3A_205 = arith.constant 2 : i32
        %add3A_206 = arith.addi %add3A_184, %add3A_205 : i32
        %add3A_207 = arith.addi %add3A, %add3A_206 : i32
        %dma_wait3A_208 = arith.constant 0 : i32
        %dma_wait3A_209 = arith.constant 0 : i32
        %dma_wait3A_210 = tpu.memref_slice %arg3[%add3A_207, %dma_wait3A_208, %dma_wait3A_209] : memref<2560x2x128xi32, #tpu.memory_space<hbm>> -> memref<1x2x128xi32, #tpu.memory_space<hbm>>
        %dma_wait3A_211 = tpu.memref_squeeze %dma_wait3A_210 : memref<1x2x128xi32, #tpu.memory_space<hbm>> -> memref<2x128xi32, #tpu.memory_space<hbm>>
        %dma_wait3A_212 = arith.constant 0 : i32
        %dma_wait3A_213 = arith.constant 0 : i32
        %dma_wait3A_214 = tpu.memref_slice %arg3[%add3A_207, %dma_wait3A_212, %dma_wait3A_213] : memref<2560x2x128xi32, #tpu.memory_space<hbm>> -> memref<1x2x128xi32, #tpu.memory_space<hbm>>
        %dma_wait3A_215 = tpu.memref_squeeze %dma_wait3A_214 : memref<1x2x128xi32, #tpu.memory_space<hbm>> -> memref<2x128xi32, #tpu.memory_space<hbm>>
        tpu.wait_dma2 semaphore(%arg16 : memref<!tpu.dma_semaphore, #tpu.memory_space<semaphore_mem>>) src(%dma_wait3A_215 : memref<2x128xi32, #tpu.memory_space<hbm>>) dst(%arg8 : memref<2x128xi32, #tpu.memory_space<vmem>>)
        %dma_start3A_216 = arith.constant 0 : i32
        %dma_start3A_217 = arith.constant 0 : i32
        %dma_start3A_218 = tpu.memref_slice %arg8[%dma_start3A_216, %dma_start3A_217] : memref<2x128xi32, #tpu.memory_space<vmem>> -> memref<1x128xi32, #tpu.memory_space<vmem>>
        %dma_start3A_219 = tpu.memref_squeeze %dma_start3A_218 : memref<1x128xi32, #tpu.memory_space<vmem>> -> memref<128xi32, #tpu.memory_space<vmem>>
        %dma_start3A_220 = arith.constant 0 : i32
        %dma_start3A_221 = arith.constant 0 : i32
        %dma_start3A_222 = tpu.memref_slice %arg2[%dma_start3A_220, %dma_start3A_221] : memref<10000x128xf32, #tpu.memory_space<hbm>> -> memref<10000x128xf32, #tpu.memory_space<hbm>>
        tpu.enqueue_indirect_dma source(%dma_start3A_222 : memref<10000x128xf32, #tpu.memory_space<hbm>>) target(%arg12 : memref<128x128xf32, #tpu.memory_space<vmem>>) offsets(%dma_start3A_219 : memref<128xi32, #tpu.memory_space<vmem>>) semaphore(%arg14 : memref<!tpu.dma_semaphore, #tpu.memory_space<semaphore_mem>>)
      } else {
      }
    }
    %barrier3A = arith.constant 0 : index
    tpu.barrier barrier_id(%barrier3A)
    %mul3A_108 = arith.constant 632 : i32
    %mul3A_109 = arith.muli %arg1, %mul3A_108 : i32
    %mul3A_110 = arith.constant 632 : i32
    %mul3A_111 = arith.muli %arg1, %mul3A_110 : i32
    "tpu.region"() ({
      %run_scoped3A = tpu.sem_alloc : memref<!tpu.dma_semaphore, #tpu.memory_space<semaphore_mem>>
      %dma_start3A_112 = arith.constant 0 : i32
      %dma_start3A_113 = tpu.memref_slice %arg5[%arg0, %mul3A_111, %dma_start3A_112] : memref<2x10112x128xf32, #tpu.memory_space<hbm>> -> memref<1x632x128xf32, #tpu.memory_space<hbm>>
      %dma_start3A_114 = tpu.memref_squeeze %dma_start3A_113 : memref<1x632x128xf32, #tpu.memory_space<hbm>> -> memref<632x128xf32, #tpu.memory_space<hbm>>
      %dma_start3A_115 = arith.constant 0 : i32
      %dma_start3A_116 = tpu.memref_slice %arg6[%mul3A_109, %dma_start3A_115] : memref<10112x128xf32, #tpu.memory_space<vmem_shared>> -> memref<632x128xf32, #tpu.memory_space<vmem_shared>>
      tpu.enqueue_dma source(%dma_start3A_116 : memref<632x128xf32, #tpu.memory_space<vmem_shared>>) target(%dma_start3A_114 : memref<632x128xf32, #tpu.memory_space<hbm>>) target_semaphore(%run_scoped3A : memref<!tpu.dma_semaphore, #tpu.memory_space<semaphore_mem>>)
      %dma_wait3A_117 = arith.constant 0 : i32
      %dma_wait3A_118 = tpu.memref_slice %arg5[%arg0, %mul3A_111, %dma_wait3A_117] : memref<2x10112x128xf32, #tpu.memory_space<hbm>> -> memref<1x632x128xf32, #tpu.memory_space<hbm>>
      %dma_wait3A_119 = tpu.memref_squeeze %dma_wait3A_118 : memref<1x632x128xf32, #tpu.memory_space<hbm>> -> memref<632x128xf32, #tpu.memory_space<hbm>>
      %dma_wait3A_120 = arith.constant 0 : i32
      %dma_wait3A_121 = tpu.memref_slice %arg6[%mul3A_109, %dma_wait3A_120] : memref<10112x128xf32, #tpu.memory_space<vmem_shared>> -> memref<632x128xf32, #tpu.memory_space<vmem_shared>>
      tpu.wait_dma2 semaphore(%run_scoped3A : memref<!tpu.dma_semaphore, #tpu.memory_space<semaphore_mem>>) src(%dma_wait3A_121 : memref<632x128xf32, #tpu.memory_space<vmem_shared>>) dst(%dma_wait3A_119 : memref<632x128xf32, #tpu.memory_space<hbm>>)
      tpu.yield
    }) : () -> ()
    return
  }
}

#map = affine_map<(d0, d1) -> (0, 0)>
#map1 = affine_map<(d0, d1) -> (0, 0, 0)>
module attributes {stable_mosaic.version = 14 : i64} {
  func.func @_deg_kernel(%arg0: i32, %arg1: i32, %arg2: memref<2560x128xi32, #tpu.memory_space<hbm>>, %arg3: memref<10112x128xf32, #tpu.memory_space<hbm>>, %arg4: memref<128x128xf32, #tpu.memory_space<hbm>>, %arg5: memref<2x10112x128xf32, #tpu.memory_space<hbm>>, %arg6: memref<10112x128xf32, #tpu.memory_space<vmem_shared>>, %arg7: memref<80x128xi32, #tpu.memory_space<vmem>>, %arg8: memref<128x128xf32, #tpu.memory_space<vmem>>) attributes {dimension_semantics = [#tpu.dimension_semantics<core_parallel>, #tpu.dimension_semantics<subcore_parallel>], iteration_bounds = array<i64: 2, 16>, scalar_prefetch = 0 : i64, scratch_operands = 3 : i64, tpu.core_type = #tpu.core_type<sc_vector_subcore>, window_params = [{transform_indices = #map}, {transform_indices = #map}, {transform_indices = #map}, {transform_indices = #map1}]} {
    %mul3A = arith.constant 16 : i32
    %mul3A_0 = arith.muli %arg0, %mul3A : i32
    %add3A = arith.addi %mul3A_0, %arg1 : i32
    %mul3A_1 = arith.constant 632 : i32
    %mul3A_2 = arith.muli %arg1, %mul3A_1 : i32
    %mul3A_3 = arith.constant 632 : i32
    %mul3A_4 = arith.muli %arg1, %mul3A_3 : i32
    "tpu.region"() ({
      %run_scoped3A = tpu.sem_alloc : memref<!tpu.dma_semaphore, #tpu.memory_space<semaphore_mem>>
      %dma_start3A = arith.constant 0 : i32
      %dma_start3A_17 = tpu.memref_slice %arg6[%mul3A_4, %dma_start3A] : memref<10112x128xf32, #tpu.memory_space<vmem_shared>> -> memref<632x128xf32, #tpu.memory_space<vmem_shared>>
      %dma_start3A_18 = arith.constant 0 : i32
      %dma_start3A_19 = tpu.memref_slice %arg3[%mul3A_2, %dma_start3A_18] : memref<10112x128xf32, #tpu.memory_space<hbm>> -> memref<632x128xf32, #tpu.memory_space<hbm>>
      tpu.enqueue_dma source(%dma_start3A_19 : memref<632x128xf32, #tpu.memory_space<hbm>>) target(%dma_start3A_17 : memref<632x128xf32, #tpu.memory_space<vmem_shared>>) target_semaphore(%run_scoped3A : memref<!tpu.dma_semaphore, #tpu.memory_space<semaphore_mem>>)
      %dma_wait3A = arith.constant 0 : i32
      %dma_wait3A_20 = tpu.memref_slice %arg6[%mul3A_4, %dma_wait3A] : memref<10112x128xf32, #tpu.memory_space<vmem_shared>> -> memref<632x128xf32, #tpu.memory_space<vmem_shared>>
      %dma_wait3A_21 = arith.constant 0 : i32
      %dma_wait3A_22 = tpu.memref_slice %arg3[%mul3A_2, %dma_wait3A_21] : memref<10112x128xf32, #tpu.memory_space<hbm>> -> memref<632x128xf32, #tpu.memory_space<hbm>>
      tpu.wait_dma2 semaphore(%run_scoped3A : memref<!tpu.dma_semaphore, #tpu.memory_space<semaphore_mem>>) src(%dma_wait3A_22 : memref<632x128xf32, #tpu.memory_space<hbm>>) dst(%dma_wait3A_20 : memref<632x128xf32, #tpu.memory_space<vmem_shared>>)
      tpu.yield
    }) : () -> ()
    %mul3A_5 = arith.constant 80 : i32
    %mul3A_6 = arith.muli %add3A, %mul3A_5 : i32
    "tpu.region"() ({
      %run_scoped3A = tpu.sem_alloc : memref<!tpu.dma_semaphore, #tpu.memory_space<semaphore_mem>>
      %dma_start3A = arith.constant 0 : i32
      %dma_start3A_17 = tpu.memref_slice %arg2[%mul3A_6, %dma_start3A] : memref<2560x128xi32, #tpu.memory_space<hbm>> -> memref<80x128xi32, #tpu.memory_space<hbm>>
      %dma_start3A_18 = arith.constant 0 : i32
      %dma_start3A_19 = tpu.memref_slice %arg2[%mul3A_6, %dma_start3A_18] : memref<2560x128xi32, #tpu.memory_space<hbm>> -> memref<80x128xi32, #tpu.memory_space<hbm>>
      tpu.enqueue_dma source(%dma_start3A_19 : memref<80x128xi32, #tpu.memory_space<hbm>>) target(%arg7 : memref<80x128xi32, #tpu.memory_space<vmem>>) target_semaphore(%run_scoped3A : memref<!tpu.dma_semaphore, #tpu.memory_space<semaphore_mem>>)
      %dma_wait3A = arith.constant 0 : i32
      %dma_wait3A_20 = tpu.memref_slice %arg2[%mul3A_6, %dma_wait3A] : memref<2560x128xi32, #tpu.memory_space<hbm>> -> memref<80x128xi32, #tpu.memory_space<hbm>>
      %dma_wait3A_21 = arith.constant 0 : i32
      %dma_wait3A_22 = tpu.memref_slice %arg2[%mul3A_6, %dma_wait3A_21] : memref<2560x128xi32, #tpu.memory_space<hbm>> -> memref<80x128xi32, #tpu.memory_space<hbm>>
      tpu.wait_dma2 semaphore(%run_scoped3A : memref<!tpu.dma_semaphore, #tpu.memory_space<semaphore_mem>>) src(%dma_wait3A_22 : memref<80x128xi32, #tpu.memory_space<hbm>>) dst(%arg7 : memref<80x128xi32, #tpu.memory_space<vmem>>)
      tpu.yield
    }) : () -> ()
    "tpu.region"() ({
      %run_scoped3A = tpu.sem_alloc : memref<!tpu.dma_semaphore, #tpu.memory_space<semaphore_mem>>
      tpu.enqueue_dma source(%arg4 : memref<128x128xf32, #tpu.memory_space<hbm>>) target(%arg8 : memref<128x128xf32, #tpu.memory_space<vmem>>) target_semaphore(%run_scoped3A : memref<!tpu.dma_semaphore, #tpu.memory_space<semaphore_mem>>)
      tpu.wait_dma2 semaphore(%run_scoped3A : memref<!tpu.dma_semaphore, #tpu.memory_space<semaphore_mem>>) src(%arg4 : memref<128x128xf32, #tpu.memory_space<hbm>>) dst(%arg8 : memref<128x128xf32, #tpu.memory_space<vmem>>)
      tpu.yield
    }) : () -> ()
    %barrier3A = arith.constant 0 : index
    tpu.barrier barrier_id(%barrier3A)
    %scan3A = arith.constant 0 : i32
    %scan3A_7 = arith.constant 0 : i32
    %scan3A_8 = arith.constant 80 : i32
    %scan3A_9 = arith.addi %scan3A_7, %scan3A_8 : i32
    %scan3A_10 = arith.constant 1 : i32
    scf.for %scan3A_17 = %scan3A_7 to %scan3A_9 step %scan3A_10  : i32 {
      "tpu.region"() ({
        %run_scoped3A = tpu.sem_alloc : memref<!tpu.dma_semaphore, #tpu.memory_space<semaphore_mem>>
        %dma_start3A = arith.constant 0 : i32
        %dma_start3A_18 = tpu.memref_slice %arg7[%scan3A_17, %dma_start3A] : memref<80x128xi32, #tpu.memory_space<vmem>> -> memref<1x128xi32, #tpu.memory_space<vmem>>
        %dma_start3A_19 = tpu.memref_squeeze %dma_start3A_18 : memref<1x128xi32, #tpu.memory_space<vmem>> -> memref<128xi32, #tpu.memory_space<vmem>>
        %dma_start3A_20 = arith.constant 0 : i32
        %dma_start3A_21 = arith.constant 0 : i32
        %dma_start3A_22 = tpu.memref_slice %arg6[%dma_start3A_20, %dma_start3A_21] : memref<10112x128xf32, #tpu.memory_space<vmem_shared>> -> memref<10112x128xf32, #tpu.memory_space<vmem_shared>>
        tpu.enqueue_indirect_dma source(%arg8 : memref<128x128xf32, #tpu.memory_space<vmem>>) target(%dma_start3A_22 : memref<10112x128xf32, #tpu.memory_space<vmem_shared>>) offsets(%dma_start3A_19 : memref<128xi32, #tpu.memory_space<vmem>>) semaphore(%run_scoped3A : memref<!tpu.dma_semaphore, #tpu.memory_space<semaphore_mem>>) {add = true}
        %dma_wait3A = arith.constant 0 : i32
        %dma_wait3A_23 = tpu.memref_slice %arg7[%scan3A_17, %dma_wait3A] : memref<80x128xi32, #tpu.memory_space<vmem>> -> memref<1x128xi32, #tpu.memory_space<vmem>>
        %dma_wait3A_24 = tpu.memref_squeeze %dma_wait3A_23 : memref<1x128xi32, #tpu.memory_space<vmem>> -> memref<128xi32, #tpu.memory_space<vmem>>
        %dma_wait3A_25 = arith.constant 0 : i32
        %dma_wait3A_26 = arith.constant 0 : i32
        %dma_wait3A_27 = tpu.memref_slice %arg6[%dma_wait3A_25, %dma_wait3A_26] : memref<10112x128xf32, #tpu.memory_space<vmem_shared>> -> memref<10112x128xf32, #tpu.memory_space<vmem_shared>>
        tpu.wait_indirect_dma semaphore(%run_scoped3A : memref<!tpu.dma_semaphore, #tpu.memory_space<semaphore_mem>>) src(%arg8 : memref<128x128xf32, #tpu.memory_space<vmem>>) dst(%dma_wait3A_27 : memref<10112x128xf32, #tpu.memory_space<vmem_shared>>)
        tpu.yield
      }) : () -> ()
    }
    %scan3A_11 = arith.constant 80 : i32
    %barrier3A_12 = arith.constant 0 : index
    tpu.barrier barrier_id(%barrier3A_12)
    %mul3A_13 = arith.constant 632 : i32
    %mul3A_14 = arith.muli %arg1, %mul3A_13 : i32
    %mul3A_15 = arith.constant 632 : i32
    %mul3A_16 = arith.muli %arg1, %mul3A_15 : i32
    "tpu.region"() ({
      %run_scoped3A = tpu.sem_alloc : memref<!tpu.dma_semaphore, #tpu.memory_space<semaphore_mem>>
      %dma_start3A = arith.constant 0 : i32
      %dma_start3A_17 = tpu.memref_slice %arg5[%arg0, %mul3A_16, %dma_start3A] : memref<2x10112x128xf32, #tpu.memory_space<hbm>> -> memref<1x632x128xf32, #tpu.memory_space<hbm>>
      %dma_start3A_18 = tpu.memref_squeeze %dma_start3A_17 : memref<1x632x128xf32, #tpu.memory_space<hbm>> -> memref<632x128xf32, #tpu.memory_space<hbm>>
      %dma_start3A_19 = arith.constant 0 : i32
      %dma_start3A_20 = tpu.memref_slice %arg6[%mul3A_14, %dma_start3A_19] : memref<10112x128xf32, #tpu.memory_space<vmem_shared>> -> memref<632x128xf32, #tpu.memory_space<vmem_shared>>
      tpu.enqueue_dma source(%dma_start3A_20 : memref<632x128xf32, #tpu.memory_space<vmem_shared>>) target(%dma_start3A_18 : memref<632x128xf32, #tpu.memory_space<hbm>>) target_semaphore(%run_scoped3A : memref<!tpu.dma_semaphore, #tpu.memory_space<semaphore_mem>>)
      %dma_wait3A = arith.constant 0 : i32
      %dma_wait3A_21 = tpu.memref_slice %arg5[%arg0, %mul3A_16, %dma_wait3A] : memref<2x10112x128xf32, #tpu.memory_space<hbm>> -> memref<1x632x128xf32, #tpu.memory_space<hbm>>
      %dma_wait3A_22 = tpu.memref_squeeze %dma_wait3A_21 : memref<1x632x128xf32, #tpu.memory_space<hbm>> -> memref<632x128xf32, #tpu.memory_space<hbm>>
      %dma_wait3A_23 = arith.constant 0 : i32
      %dma_wait3A_24 = tpu.memref_slice %arg6[%mul3A_14, %dma_wait3A_23] : memref<10112x128xf32, #tpu.memory_space<vmem_shared>> -> memref<632x128xf32, #tpu.memory_space<vmem_shared>>
      tpu.wait_dma2 semaphore(%run_scoped3A : memref<!tpu.dma_semaphore, #tpu.memory_space<semaphore_mem>>) src(%dma_wait3A_24 : memref<632x128xf32, #tpu.memory_space<vmem_shared>>) dst(%dma_wait3A_22 : memref<632x128xf32, #tpu.memory_space<hbm>>)
      tpu.yield
    }) : () -> ()
    return
  }
}

#map = affine_map<(d0, d1) -> (0, 0)>
#map1 = affine_map<(d0, d1) -> (0, 0, 0)>
module attributes {stable_mosaic.version = 14 : i64} {
  func.func @_agg_kernel(%arg0: i32, %arg1: i32, %arg2: memref<10000x128xf32, #tpu.memory_space<hbm>>, %arg3: memref<2560x2x128xi32, #tpu.memory_space<hbm>>, %arg4: memref<10112x128xf32, #tpu.memory_space<hbm>>, %arg5: memref<2x10112x128xf32, #tpu.memory_space<hbm>>, %arg6: memref<10112x128xf32, #tpu.memory_space<vmem_shared>>, %arg7: memref<2x128xi32, #tpu.memory_space<vmem>>, %arg8: memref<2x128xi32, #tpu.memory_space<vmem>>, %arg9: memref<2x128xi32, #tpu.memory_space<vmem>>, %arg10: memref<2x128xi32, #tpu.memory_space<vmem>>, %arg11: memref<128x128xf32, #tpu.memory_space<vmem>>, %arg12: memref<128x128xf32, #tpu.memory_space<vmem>>, %arg13: memref<!tpu.dma_semaphore, #tpu.memory_space<semaphore_mem>>, %arg14: memref<!tpu.dma_semaphore, #tpu.memory_space<semaphore_mem>>, %arg15: memref<!tpu.dma_semaphore, #tpu.memory_space<semaphore_mem>>, %arg16: memref<!tpu.dma_semaphore, #tpu.memory_space<semaphore_mem>>, %arg17: memref<!tpu.dma_semaphore, #tpu.memory_space<semaphore_mem>>, %arg18: memref<!tpu.dma_semaphore, #tpu.memory_space<semaphore_mem>>) attributes {dimension_semantics = [#tpu.dimension_semantics<core_parallel>, #tpu.dimension_semantics<subcore_parallel>], iteration_bounds = array<i64: 2, 16>, scalar_prefetch = 0 : i64, scratch_operands = 13 : i64, tpu.core_type = #tpu.core_type<sc_vector_subcore>, window_params = [{transform_indices = #map}, {transform_indices = #map1}, {transform_indices = #map}, {transform_indices = #map1}]} {
    %mul3A = arith.constant 160 : i32
    %mul3A_0 = arith.muli %arg1, %mul3A : i32
    %mul3A_1 = arith.constant 128 : i32
    %mul3A_2 = arith.muli %arg0, %mul3A_1 : i32
    %add3A = arith.addi %mul3A_0, %mul3A_2 : i32
    %eq3A = arith.constant 0 : i32
    %eq3A_3 = arith.cmpi eq, %arg0, %eq3A : i32
    %jit3A = arith.constant 128 : i32
    %jit3A_4 = arith.constant 32 : i32
    %select_n3A = arith.select %eq3A_3, %jit3A, %jit3A_4 : i32
    %mul3A_5 = arith.constant 632 : i32
    %mul3A_6 = arith.muli %arg1, %mul3A_5 : i32
    %mul3A_7 = arith.constant 632 : i32
    %mul3A_8 = arith.muli %arg1, %mul3A_7 : i32
    "tpu.region"() ({
      %run_scoped3A = tpu.sem_alloc : memref<!tpu.dma_semaphore, #tpu.memory_space<semaphore_mem>>
      %dma_start3A_112 = arith.constant 0 : i32
      %dma_start3A_113 = tpu.memref_slice %arg6[%mul3A_8, %dma_start3A_112] : memref<10112x128xf32, #tpu.memory_space<vmem_shared>> -> memref<632x128xf32, #tpu.memory_space<vmem_shared>>
      %dma_start3A_114 = arith.constant 0 : i32
      %dma_start3A_115 = tpu.memref_slice %arg4[%mul3A_6, %dma_start3A_114] : memref<10112x128xf32, #tpu.memory_space<hbm>> -> memref<632x128xf32, #tpu.memory_space<hbm>>
      tpu.enqueue_dma source(%dma_start3A_115 : memref<632x128xf32, #tpu.memory_space<hbm>>) target(%dma_start3A_113 : memref<632x128xf32, #tpu.memory_space<vmem_shared>>) target_semaphore(%run_scoped3A : memref<!tpu.dma_semaphore, #tpu.memory_space<semaphore_mem>>)
      %dma_wait3A_116 = arith.constant 0 : i32
      %dma_wait3A_117 = tpu.memref_slice %arg6[%mul3A_8, %dma_wait3A_116] : memref<10112x128xf32, #tpu.memory_space<vmem_shared>> -> memref<632x128xf32, #tpu.memory_space<vmem_shared>>
      %dma_wait3A_118 = arith.constant 0 : i32
      %dma_wait3A_119 = tpu.memref_slice %arg4[%mul3A_6, %dma_wait3A_118] : memref<10112x128xf32, #tpu.memory_space<hbm>> -> memref<632x128xf32, #tpu.memory_space<hbm>>
      tpu.wait_dma2 semaphore(%run_scoped3A : memref<!tpu.dma_semaphore, #tpu.memory_space<semaphore_mem>>) src(%dma_wait3A_119 : memref<632x128xf32, #tpu.memory_space<hbm>>) dst(%dma_wait3A_117 : memref<632x128xf32, #tpu.memory_space<vmem_shared>>)
      tpu.yield
    }) : () -> ()
    %add3A_9 = arith.constant 0 : i32
    %add3A_10 = arith.addi %add3A, %add3A_9 : i32
    %dma_start3A = arith.constant 0 : i32
    %dma_start3A_11 = arith.constant 0 : i32
    %dma_start3A_12 = tpu.memref_slice %arg3[%add3A_10, %dma_start3A, %dma_start3A_11] : memref<2560x2x128xi32, #tpu.memory_space<hbm>> -> memref<1x2x128xi32, #tpu.memory_space<hbm>>
    %dma_start3A_13 = tpu.memref_squeeze %dma_start3A_12 : memref<1x2x128xi32, #tpu.memory_space<hbm>> -> memref<2x128xi32, #tpu.memory_space<hbm>>
    %dma_start3A_14 = arith.constant 0 : i32
    %dma_start3A_15 = arith.constant 0 : i32
    %dma_start3A_16 = tpu.memref_slice %arg3[%add3A_10, %dma_start3A_14, %dma_start3A_15] : memref<2560x2x128xi32, #tpu.memory_space<hbm>> -> memref<1x2x128xi32, #tpu.memory_space<hbm>>
    %dma_start3A_17 = tpu.memref_squeeze %dma_start3A_16 : memref<1x2x128xi32, #tpu.memory_space<hbm>> -> memref<2x128xi32, #tpu.memory_space<hbm>>
    tpu.enqueue_dma source(%dma_start3A_17 : memref<2x128xi32, #tpu.memory_space<hbm>>) target(%arg7 : memref<2x128xi32, #tpu.memory_space<vmem>>) target_semaphore(%arg15 : memref<!tpu.dma_semaphore, #tpu.memory_space<semaphore_mem>>)
    %add3A_18 = arith.constant 1 : i32
    %add3A_19 = arith.addi %add3A, %add3A_18 : i32
    %dma_start3A_20 = arith.constant 0 : i32
    %dma_start3A_21 = arith.constant 0 : i32
    %dma_start3A_22 = tpu.memref_slice %arg3[%add3A_19, %dma_start3A_20, %dma_start3A_21] : memref<2560x2x128xi32, #tpu.memory_space<hbm>> -> memref<1x2x128xi32, #tpu.memory_space<hbm>>
    %dma_start3A_23 = tpu.memref_squeeze %dma_start3A_22 : memref<1x2x128xi32, #tpu.memory_space<hbm>> -> memref<2x128xi32, #tpu.memory_space<hbm>>
    %dma_start3A_24 = arith.constant 0 : i32
    %dma_start3A_25 = arith.constant 0 : i32
    %dma_start3A_26 = tpu.memref_slice %arg3[%add3A_19, %dma_start3A_24, %dma_start3A_25] : memref<2560x2x128xi32, #tpu.memory_space<hbm>> -> memref<1x2x128xi32, #tpu.memory_space<hbm>>
    %dma_start3A_27 = tpu.memref_squeeze %dma_start3A_26 : memref<1x2x128xi32, #tpu.memory_space<hbm>> -> memref<2x128xi32, #tpu.memory_space<hbm>>
    tpu.enqueue_dma source(%dma_start3A_27 : memref<2x128xi32, #tpu.memory_space<hbm>>) target(%arg8 : memref<2x128xi32, #tpu.memory_space<vmem>>) target_semaphore(%arg16 : memref<!tpu.dma_semaphore, #tpu.memory_space<semaphore_mem>>)
    %add3A_28 = arith.constant 2 : i32
    %add3A_29 = arith.addi %add3A, %add3A_28 : i32
    %dma_start3A_30 = arith.constant 0 : i32
    %dma_start3A_31 = arith.constant 0 : i32
    %dma_start3A_32 = tpu.memref_slice %arg3[%add3A_29, %dma_start3A_30, %dma_start3A_31] : memref<2560x2x128xi32, #tpu.memory_space<hbm>> -> memref<1x2x128xi32, #tpu.memory_space<hbm>>
    %dma_start3A_33 = tpu.memref_squeeze %dma_start3A_32 : memref<1x2x128xi32, #tpu.memory_space<hbm>> -> memref<2x128xi32, #tpu.memory_space<hbm>>
    %dma_start3A_34 = arith.constant 0 : i32
    %dma_start3A_35 = arith.constant 0 : i32
    %dma_start3A_36 = tpu.memref_slice %arg3[%add3A_29, %dma_start3A_34, %dma_start3A_35] : memref<2560x2x128xi32, #tpu.memory_space<hbm>> -> memref<1x2x128xi32, #tpu.memory_space<hbm>>
    %dma_start3A_37 = tpu.memref_squeeze %dma_start3A_36 : memref<1x2x128xi32, #tpu.memory_space<hbm>> -> memref<2x128xi32, #tpu.memory_space<hbm>>
    tpu.enqueue_dma source(%dma_start3A_37 : memref<2x128xi32, #tpu.memory_space<hbm>>) target(%arg9 : memref<2x128xi32, #tpu.memory_space<vmem>>) target_semaphore(%arg17 : memref<!tpu.dma_semaphore, #tpu.memory_space<semaphore_mem>>)
    %add3A_38 = arith.constant 3 : i32
    %add3A_39 = arith.addi %add3A, %add3A_38 : i32
    %dma_start3A_40 = arith.constant 0 : i32
    %dma_start3A_41 = arith.constant 0 : i32
    %dma_start3A_42 = tpu.memref_slice %arg3[%add3A_39, %dma_start3A_40, %dma_start3A_41] : memref<2560x2x128xi32, #tpu.memory_space<hbm>> -> memref<1x2x128xi32, #tpu.memory_space<hbm>>
    %dma_start3A_43 = tpu.memref_squeeze %dma_start3A_42 : memref<1x2x128xi32, #tpu.memory_space<hbm>> -> memref<2x128xi32, #tpu.memory_space<hbm>>
    %dma_start3A_44 = arith.constant 0 : i32
    %dma_start3A_45 = arith.constant 0 : i32
    %dma_start3A_46 = tpu.memref_slice %arg3[%add3A_39, %dma_start3A_44, %dma_start3A_45] : memref<2560x2x128xi32, #tpu.memory_space<hbm>> -> memref<1x2x128xi32, #tpu.memory_space<hbm>>
    %dma_start3A_47 = tpu.memref_squeeze %dma_start3A_46 : memref<1x2x128xi32, #tpu.memory_space<hbm>> -> memref<2x128xi32, #tpu.memory_space<hbm>>
    tpu.enqueue_dma source(%dma_start3A_47 : memref<2x128xi32, #tpu.memory_space<hbm>>) target(%arg10 : memref<2x128xi32, #tpu.memory_space<vmem>>) target_semaphore(%arg18 : memref<!tpu.dma_semaphore, #tpu.memory_space<semaphore_mem>>)
    %add3A_48 = arith.constant 0 : i32
    %add3A_49 = arith.addi %add3A, %add3A_48 : i32
    %dma_wait3A = arith.constant 0 : i32
    %dma_wait3A_50 = arith.constant 0 : i32
    %dma_wait3A_51 = tpu.memref_slice %arg3[%add3A_49, %dma_wait3A, %dma_wait3A_50] : memref<2560x2x128xi32, #tpu.memory_space<hbm>> -> memref<1x2x128xi32, #tpu.memory_space<hbm>>
    %dma_wait3A_52 = tpu.memref_squeeze %dma_wait3A_51 : memref<1x2x128xi32, #tpu.memory_space<hbm>> -> memref<2x128xi32, #tpu.memory_space<hbm>>
    %dma_wait3A_53 = arith.constant 0 : i32
    %dma_wait3A_54 = arith.constant 0 : i32
    %dma_wait3A_55 = tpu.memref_slice %arg3[%add3A_49, %dma_wait3A_53, %dma_wait3A_54] : memref<2560x2x128xi32, #tpu.memory_space<hbm>> -> memref<1x2x128xi32, #tpu.memory_space<hbm>>
    %dma_wait3A_56 = tpu.memref_squeeze %dma_wait3A_55 : memref<1x2x128xi32, #tpu.memory_space<hbm>> -> memref<2x128xi32, #tpu.memory_space<hbm>>
    tpu.wait_dma2 semaphore(%arg15 : memref<!tpu.dma_semaphore, #tpu.memory_space<semaphore_mem>>) src(%dma_wait3A_56 : memref<2x128xi32, #tpu.memory_space<hbm>>) dst(%arg7 : memref<2x128xi32, #tpu.memory_space<vmem>>)
    %dma_start3A_57 = arith.constant 0 : i32
    %dma_start3A_58 = arith.constant 0 : i32
    %dma_start3A_59 = tpu.memref_slice %arg7[%dma_start3A_57, %dma_start3A_58] : memref<2x128xi32, #tpu.memory_space<vmem>> -> memref<1x128xi32, #tpu.memory_space<vmem>>
    %dma_start3A_60 = tpu.memref_squeeze %dma_start3A_59 : memref<1x128xi32, #tpu.memory_space<vmem>> -> memref<128xi32, #tpu.memory_space<vmem>>
    %dma_start3A_61 = arith.constant 0 : i32
    %dma_start3A_62 = arith.constant 0 : i32
    %dma_start3A_63 = tpu.memref_slice %arg2[%dma_start3A_61, %dma_start3A_62] : memref<10000x128xf32, #tpu.memory_space<hbm>> -> memref<10000x128xf32, #tpu.memory_space<hbm>>
    tpu.enqueue_indirect_dma source(%dma_start3A_63 : memref<10000x128xf32, #tpu.memory_space<hbm>>) target(%arg11 : memref<128x128xf32, #tpu.memory_space<vmem>>) offsets(%dma_start3A_60 : memref<128xi32, #tpu.memory_space<vmem>>) semaphore(%arg13 : memref<!tpu.dma_semaphore, #tpu.memory_space<semaphore_mem>>)
    %add3A_64 = arith.constant 1 : i32
    %add3A_65 = arith.addi %add3A, %add3A_64 : i32
    %dma_wait3A_66 = arith.constant 0 : i32
    %dma_wait3A_67 = arith.constant 0 : i32
    %dma_wait3A_68 = tpu.memref_slice %arg3[%add3A_65, %dma_wait3A_66, %dma_wait3A_67] : memref<2560x2x128xi32, #tpu.memory_space<hbm>> -> memref<1x2x128xi32, #tpu.memory_space<hbm>>
    %dma_wait3A_69 = tpu.memref_squeeze %dma_wait3A_68 : memref<1x2x128xi32, #tpu.memory_space<hbm>> -> memref<2x128xi32, #tpu.memory_space<hbm>>
    %dma_wait3A_70 = arith.constant 0 : i32
    %dma_wait3A_71 = arith.constant 0 : i32
    %dma_wait3A_72 = tpu.memref_slice %arg3[%add3A_65, %dma_wait3A_70, %dma_wait3A_71] : memref<2560x2x128xi32, #tpu.memory_space<hbm>> -> memref<1x2x128xi32, #tpu.memory_space<hbm>>
    %dma_wait3A_73 = tpu.memref_squeeze %dma_wait3A_72 : memref<1x2x128xi32, #tpu.memory_space<hbm>> -> memref<2x128xi32, #tpu.memory_space<hbm>>
    tpu.wait_dma2 semaphore(%arg16 : memref<!tpu.dma_semaphore, #tpu.memory_space<semaphore_mem>>) src(%dma_wait3A_73 : memref<2x128xi32, #tpu.memory_space<hbm>>) dst(%arg8 : memref<2x128xi32, #tpu.memory_space<vmem>>)
    %dma_start3A_74 = arith.constant 0 : i32
    %dma_start3A_75 = arith.constant 0 : i32
    %dma_start3A_76 = tpu.memref_slice %arg8[%dma_start3A_74, %dma_start3A_75] : memref<2x128xi32, #tpu.memory_space<vmem>> -> memref<1x128xi32, #tpu.memory_space<vmem>>
    %dma_start3A_77 = tpu.memref_squeeze %dma_start3A_76 : memref<1x128xi32, #tpu.memory_space<vmem>> -> memref<128xi32, #tpu.memory_space<vmem>>
    %dma_start3A_78 = arith.constant 0 : i32
    %dma_start3A_79 = arith.constant 0 : i32
    %dma_start3A_80 = tpu.memref_slice %arg2[%dma_start3A_78, %dma_start3A_79] : memref<10000x128xf32, #tpu.memory_space<hbm>> -> memref<10000x128xf32, #tpu.memory_space<hbm>>
    tpu.enqueue_indirect_dma source(%dma_start3A_80 : memref<10000x128xf32, #tpu.memory_space<hbm>>) target(%arg12 : memref<128x128xf32, #tpu.memory_space<vmem>>) offsets(%dma_start3A_77 : memref<128xi32, #tpu.memory_space<vmem>>) semaphore(%arg14 : memref<!tpu.dma_semaphore, #tpu.memory_space<semaphore_mem>>)
    %jit3A_81 = arith.constant 4 : i32
    %div3A = arith.divsi %select_n3A, %jit3A_81 : i32
    %sign3A = arith.constant 0 : i32
    %sign3A_82 = arith.cmpi sgt, %select_n3A, %sign3A : i32
    %sign3A_83 = arith.extui %sign3A_82 : i1 to i32
    %sign3A_84 = arith.constant 0 : i32
    %sign3A_85 = arith.cmpi slt, %select_n3A, %sign3A_84 : i32
    %sign3A_86 = arith.extui %sign3A_85 : i1 to i32
    %sign3A_87 = arith.subi %sign3A_83, %sign3A_86 : i32
    %sign3A_88 = arith.constant 0 : i32
    %sign3A_89 = arith.cmpi sgt, %jit3A_81, %sign3A_88 : i32
    %sign3A_90 = arith.extui %sign3A_89 : i1 to i32
    %sign3A_91 = arith.constant 0 : i32
    %sign3A_92 = arith.cmpi slt, %jit3A_81, %sign3A_91 : i32
    %sign3A_93 = arith.extui %sign3A_92 : i1 to i32
    %sign3A_94 = arith.subi %sign3A_90, %sign3A_93 : i32
    %ne3A = arith.cmpi ne, %sign3A_87, %sign3A_94 : i32
    %rem3A = arith.remsi %select_n3A, %jit3A_81 : i32
    %ne3A_95 = arith.constant 0 : i32
    %ne3A_96 = arith.cmpi ne, %rem3A, %ne3A_95 : i32
    %and3A = arith.andi %ne3A, %ne3A_96 : i1
    %sub3A = arith.constant 1 : i32
    %sub3A_97 = arith.subi %div3A, %sub3A : i32
    %select_n3A_98 = arith.select %and3A, %sub3A_97, %div3A : i32
    %while3A = arith.constant 0 : i32
    %while3A_99 = arith.constant 0 : i32
    %while3A_100 = arith.subi %select_n3A_98, %while3A_99 : i32
    %while3A_101 = arith.addi %while3A_99, %while3A_100 : i32
    %while3A_102 = arith.constant 1 : i32
    %while3A_103 = arith.divsi %while3A_100, %while3A_102 : i32
    %while3A_104 = arith.muli %while3A_103, %while3A_102 : i32
    %while3A_105 = arith.addi %while3A_99, %while3A_104 : i32
    %while3A_106 = arith.constant 1 : i32
    scf.for %while3A_112 = %while3A_99 to %while3A_105 step %while3A_106  : i32 {
      %mul3A_113 = arith.constant 4 : i32
      %mul3A_114 = arith.muli %while3A_112, %mul3A_113 : i32
      %add3A_115 = arith.constant 0 : i32
      %add3A_116 = arith.addi %mul3A_114, %add3A_115 : i32
      %dma_wait3A_117 = arith.constant 0 : i32
      %dma_wait3A_118 = arith.constant 0 : i32
      %dma_wait3A_119 = tpu.memref_slice %arg7[%dma_wait3A_117, %dma_wait3A_118] : memref<2x128xi32, #tpu.memory_space<vmem>> -> memref<1x128xi32, #tpu.memory_space<vmem>>
      %dma_wait3A_120 = tpu.memref_squeeze %dma_wait3A_119 : memref<1x128xi32, #tpu.memory_space<vmem>> -> memref<128xi32, #tpu.memory_space<vmem>>
      %dma_wait3A_121 = arith.constant 0 : i32
      %dma_wait3A_122 = arith.constant 0 : i32
      %dma_wait3A_123 = tpu.memref_slice %arg2[%dma_wait3A_121, %dma_wait3A_122] : memref<10000x128xf32, #tpu.memory_space<hbm>> -> memref<10000x128xf32, #tpu.memory_space<hbm>>
      tpu.wait_indirect_dma semaphore(%arg13 : memref<!tpu.dma_semaphore, #tpu.memory_space<semaphore_mem>>) src(%dma_wait3A_123 : memref<10000x128xf32, #tpu.memory_space<hbm>>) dst(%arg11 : memref<128x128xf32, #tpu.memory_space<vmem>>)
      %run_scoped3A = arith.constant 1 : i32
      "tpu.region"() ({
        %run_scoped3A_205 = tpu.sem_alloc : memref<!tpu.dma_semaphore, #tpu.memory_space<semaphore_mem>>
        %dma_start3A_206 = arith.constant 0 : i32
        %dma_start3A_207 = tpu.memref_slice %arg7[%run_scoped3A, %dma_start3A_206] : memref<2x128xi32, #tpu.memory_space<vmem>> -> memref<1x128xi32, #tpu.memory_space<vmem>>
        %dma_start3A_208 = tpu.memref_squeeze %dma_start3A_207 : memref<1x128xi32, #tpu.memory_space<vmem>> -> memref<128xi32, #tpu.memory_space<vmem>>
        %dma_start3A_209 = arith.constant 0 : i32
        %dma_start3A_210 = arith.constant 0 : i32
        %dma_start3A_211 = tpu.memref_slice %arg6[%dma_start3A_209, %dma_start3A_210] : memref<10112x128xf32, #tpu.memory_space<vmem_shared>> -> memref<10112x128xf32, #tpu.memory_space<vmem_shared>>
        tpu.enqueue_indirect_dma source(%arg11 : memref<128x128xf32, #tpu.memory_space<vmem>>) target(%dma_start3A_211 : memref<10112x128xf32, #tpu.memory_space<vmem_shared>>) offsets(%dma_start3A_208 : memref<128xi32, #tpu.memory_space<vmem>>) semaphore(%run_scoped3A_205 : memref<!tpu.dma_semaphore, #tpu.memory_space<semaphore_mem>>) {add = true}
        %dma_wait3A_212 = arith.constant 0 : i32
        %dma_wait3A_213 = tpu.memref_slice %arg7[%run_scoped3A, %dma_wait3A_212] : memref<2x128xi32, #tpu.memory_space<vmem>> -> memref<1x128xi32, #tpu.memory_space<vmem>>
        %dma_wait3A_214 = tpu.memref_squeeze %dma_wait3A_213 : memref<1x128xi32, #tpu.memory_space<vmem>> -> memref<128xi32, #tpu.memory_space<vmem>>
        %dma_wait3A_215 = arith.constant 0 : i32
        %dma_wait3A_216 = arith.constant 0 : i32
        %dma_wait3A_217 = tpu.memref_slice %arg6[%dma_wait3A_215, %dma_wait3A_216] : memref<10112x128xf32, #tpu.memory_space<vmem_shared>> -> memref<10112x128xf32, #tpu.memory_space<vmem_shared>>
        tpu.wait_indirect_dma semaphore(%run_scoped3A_205 : memref<!tpu.dma_semaphore, #tpu.memory_space<semaphore_mem>>) src(%arg11 : memref<128x128xf32, #tpu.memory_space<vmem>>) dst(%dma_wait3A_217 : memref<10112x128xf32, #tpu.memory_space<vmem_shared>>)
        tpu.yield
      }) : () -> ()
      %add3A_124 = arith.constant 4 : i32
      %add3A_125 = arith.addi %add3A_116, %add3A_124 : i32
      %lt3A = arith.cmpi slt, %add3A_125, %select_n3A : i32
      %convert_element_type3A = arith.extui %lt3A : i1 to i32
      %cond3A = arith.constant 0 : i32
      %cond3A_126 = arith.cmpi ne, %convert_element_type3A, %cond3A : i32
      scf.if %cond3A_126 {
        %add3A_205 = arith.constant 4 : i32
        %add3A_206 = arith.addi %add3A_116, %add3A_205 : i32
        %add3A_207 = arith.addi %add3A, %add3A_206 : i32
        %dma_start3A_208 = arith.constant 0 : i32
        %dma_start3A_209 = arith.constant 0 : i32
        %dma_start3A_210 = tpu.memref_slice %arg3[%add3A_207, %dma_start3A_208, %dma_start3A_209] : memref<2560x2x128xi32, #tpu.memory_space<hbm>> -> memref<1x2x128xi32, #tpu.memory_space<hbm>>
        %dma_start3A_211 = tpu.memref_squeeze %dma_start3A_210 : memref<1x2x128xi32, #tpu.memory_space<hbm>> -> memref<2x128xi32, #tpu.memory_space<hbm>>
        %dma_start3A_212 = arith.constant 0 : i32
        %dma_start3A_213 = arith.constant 0 : i32
        %dma_start3A_214 = tpu.memref_slice %arg3[%add3A_207, %dma_start3A_212, %dma_start3A_213] : memref<2560x2x128xi32, #tpu.memory_space<hbm>> -> memref<1x2x128xi32, #tpu.memory_space<hbm>>
        %dma_start3A_215 = tpu.memref_squeeze %dma_start3A_214 : memref<1x2x128xi32, #tpu.memory_space<hbm>> -> memref<2x128xi32, #tpu.memory_space<hbm>>
        tpu.enqueue_dma source(%dma_start3A_215 : memref<2x128xi32, #tpu.memory_space<hbm>>) target(%arg7 : memref<2x128xi32, #tpu.memory_space<vmem>>) target_semaphore(%arg15 : memref<!tpu.dma_semaphore, #tpu.memory_space<semaphore_mem>>)
      } else {
      }
      %add3A_127 = arith.constant 2 : i32
      %add3A_128 = arith.addi %add3A_116, %add3A_127 : i32
      %lt3A_129 = arith.cmpi slt, %add3A_128, %select_n3A : i32
      %convert_element_type3A_130 = arith.extui %lt3A_129 : i1 to i32
      %cond3A_131 = arith.constant 0 : i32
      %cond3A_132 = arith.cmpi ne, %convert_element_type3A_130, %cond3A_131 : i32
      scf.if %cond3A_132 {
        %add3A_205 = arith.constant 2 : i32
        %add3A_206 = arith.addi %add3A_116, %add3A_205 : i32
        %add3A_207 = arith.addi %add3A, %add3A_206 : i32
        %dma_wait3A_208 = arith.constant 0 : i32
        %dma_wait3A_209 = arith.constant 0 : i32
        %dma_wait3A_210 = tpu.memref_slice %arg3[%add3A_207, %dma_wait3A_208, %dma_wait3A_209] : memref<2560x2x128xi32, #tpu.memory_space<hbm>> -> memref<1x2x128xi32, #tpu.memory_space<hbm>>
        %dma_wait3A_211 = tpu.memref_squeeze %dma_wait3A_210 : memref<1x2x128xi32, #tpu.memory_space<hbm>> -> memref<2x128xi32, #tpu.memory_space<hbm>>
        %dma_wait3A_212 = arith.constant 0 : i32
        %dma_wait3A_213 = arith.constant 0 : i32
        %dma_wait3A_214 = tpu.memref_slice %arg3[%add3A_207, %dma_wait3A_212, %dma_wait3A_213] : memref<2560x2x128xi32, #tpu.memory_space<hbm>> -> memref<1x2x128xi32, #tpu.memory_space<hbm>>
        %dma_wait3A_215 = tpu.memref_squeeze %dma_wait3A_214 : memref<1x2x128xi32, #tpu.memory_space<hbm>> -> memref<2x128xi32, #tpu.memory_space<hbm>>
        tpu.wait_dma2 semaphore(%arg17 : memref<!tpu.dma_semaphore, #tpu.memory_space<semaphore_mem>>) src(%dma_wait3A_215 : memref<2x128xi32, #tpu.memory_space<hbm>>) dst(%arg9 : memref<2x128xi32, #tpu.memory_space<vmem>>)
        %dma_start3A_216 = arith.constant 0 : i32
        %dma_start3A_217 = arith.constant 0 : i32
        %dma_start3A_218 = tpu.memref_slice %arg9[%dma_start3A_216, %dma_start3A_217] : memref<2x128xi32, #tpu.memory_space<vmem>> -> memref<1x128xi32, #tpu.memory_space<vmem>>
        %dma_start3A_219 = tpu.memref_squeeze %dma_start3A_218 : memref<1x128xi32, #tpu.memory_space<vmem>> -> memref<128xi32, #tpu.memory_space<vmem>>
        %dma_start3A_220 = arith.constant 0 : i32
        %dma_start3A_221 = arith.constant 0 : i32
        %dma_start3A_222 = tpu.memref_slice %arg2[%dma_start3A_220, %dma_start3A_221] : memref<10000x128xf32, #tpu.memory_space<hbm>> -> memref<10000x128xf32, #tpu.memory_space<hbm>>
        tpu.enqueue_indirect_dma source(%dma_start3A_222 : memref<10000x128xf32, #tpu.memory_space<hbm>>) target(%arg11 : memref<128x128xf32, #tpu.memory_space<vmem>>) offsets(%dma_start3A_219 : memref<128xi32, #tpu.memory_space<vmem>>) semaphore(%arg13 : memref<!tpu.dma_semaphore, #tpu.memory_space<semaphore_mem>>)
      } else {
      }
      %mul3A_133 = arith.constant 4 : i32
      %mul3A_134 = arith.muli %while3A_112, %mul3A_133 : i32
      %add3A_135 = arith.constant 1 : i32
      %add3A_136 = arith.addi %mul3A_134, %add3A_135 : i32
      %dma_wait3A_137 = arith.constant 0 : i32
      %dma_wait3A_138 = arith.constant 0 : i32
      %dma_wait3A_139 = tpu.memref_slice %arg8[%dma_wait3A_137, %dma_wait3A_138] : memref<2x128xi32, #tpu.memory_space<vmem>> -> memref<1x128xi32, #tpu.memory_space<vmem>>
      %dma_wait3A_140 = tpu.memref_squeeze %dma_wait3A_139 : memref<1x128xi32, #tpu.memory_space<vmem>> -> memref<128xi32, #tpu.memory_space<vmem>>
      %dma_wait3A_141 = arith.constant 0 : i32
      %dma_wait3A_142 = arith.constant 0 : i32
      %dma_wait3A_143 = tpu.memref_slice %arg2[%dma_wait3A_141, %dma_wait3A_142] : memref<10000x128xf32, #tpu.memory_space<hbm>> -> memref<10000x128xf32, #tpu.memory_space<hbm>>
      tpu.wait_indirect_dma semaphore(%arg14 : memref<!tpu.dma_semaphore, #tpu.memory_space<semaphore_mem>>) src(%dma_wait3A_143 : memref<10000x128xf32, #tpu.memory_space<hbm>>) dst(%arg12 : memref<128x128xf32, #tpu.memory_space<vmem>>)
      %run_scoped3A_144 = arith.constant 1 : i32
      "tpu.region"() ({
        %run_scoped3A_205 = tpu.sem_alloc : memref<!tpu.dma_semaphore, #tpu.memory_space<semaphore_mem>>
        %dma_start3A_206 = arith.constant 0 : i32
        %dma_start3A_207 = tpu.memref_slice %arg8[%run_scoped3A_144, %dma_start3A_206] : memref<2x128xi32, #tpu.memory_space<vmem>> -> memref<1x128xi32, #tpu.memory_space<vmem>>
        %dma_start3A_208 = tpu.memref_squeeze %dma_start3A_207 : memref<1x128xi32, #tpu.memory_space<vmem>> -> memref<128xi32, #tpu.memory_space<vmem>>
        %dma_start3A_209 = arith.constant 0 : i32
        %dma_start3A_210 = arith.constant 0 : i32
        %dma_start3A_211 = tpu.memref_slice %arg6[%dma_start3A_209, %dma_start3A_210] : memref<10112x128xf32, #tpu.memory_space<vmem_shared>> -> memref<10112x128xf32, #tpu.memory_space<vmem_shared>>
        tpu.enqueue_indirect_dma source(%arg12 : memref<128x128xf32, #tpu.memory_space<vmem>>) target(%dma_start3A_211 : memref<10112x128xf32, #tpu.memory_space<vmem_shared>>) offsets(%dma_start3A_208 : memref<128xi32, #tpu.memory_space<vmem>>) semaphore(%run_scoped3A_205 : memref<!tpu.dma_semaphore, #tpu.memory_space<semaphore_mem>>) {add = true}
        %dma_wait3A_212 = arith.constant 0 : i32
        %dma_wait3A_213 = tpu.memref_slice %arg8[%run_scoped3A_144, %dma_wait3A_212] : memref<2x128xi32, #tpu.memory_space<vmem>> -> memref<1x128xi32, #tpu.memory_space<vmem>>
        %dma_wait3A_214 = tpu.memref_squeeze %dma_wait3A_213 : memref<1x128xi32, #tpu.memory_space<vmem>> -> memref<128xi32, #tpu.memory_space<vmem>>
        %dma_wait3A_215 = arith.constant 0 : i32
        %dma_wait3A_216 = arith.constant 0 : i32
        %dma_wait3A_217 = tpu.memref_slice %arg6[%dma_wait3A_215, %dma_wait3A_216] : memref<10112x128xf32, #tpu.memory_space<vmem_shared>> -> memref<10112x128xf32, #tpu.memory_space<vmem_shared>>
        tpu.wait_indirect_dma semaphore(%run_scoped3A_205 : memref<!tpu.dma_semaphore, #tpu.memory_space<semaphore_mem>>) src(%arg12 : memref<128x128xf32, #tpu.memory_space<vmem>>) dst(%dma_wait3A_217 : memref<10112x128xf32, #tpu.memory_space<vmem_shared>>)
        tpu.yield
      }) : () -> ()
      %add3A_145 = arith.constant 4 : i32
      %add3A_146 = arith.addi %add3A_136, %add3A_145 : i32
      %lt3A_147 = arith.cmpi slt, %add3A_146, %select_n3A : i32
      %convert_element_type3A_148 = arith.extui %lt3A_147 : i1 to i32
      %cond3A_149 = arith.constant 0 : i32
      %cond3A_150 = arith.cmpi ne, %convert_element_type3A_148, %cond3A_149 : i32
      scf.if %cond3A_150 {
        %add3A_205 = arith.constant 4 : i32
        %add3A_206 = arith.addi %add3A_136, %add3A_205 : i32
        %add3A_207 = arith.addi %add3A, %add3A_206 : i32
        %dma_start3A_208 = arith.constant 0 : i32
        %dma_start3A_209 = arith.constant 0 : i32
        %dma_start3A_210 = tpu.memref_slice %arg3[%add3A_207, %dma_start3A_208, %dma_start3A_209] : memref<2560x2x128xi32, #tpu.memory_space<hbm>> -> memref<1x2x128xi32, #tpu.memory_space<hbm>>
        %dma_start3A_211 = tpu.memref_squeeze %dma_start3A_210 : memref<1x2x128xi32, #tpu.memory_space<hbm>> -> memref<2x128xi32, #tpu.memory_space<hbm>>
        %dma_start3A_212 = arith.constant 0 : i32
        %dma_start3A_213 = arith.constant 0 : i32
        %dma_start3A_214 = tpu.memref_slice %arg3[%add3A_207, %dma_start3A_212, %dma_start3A_213] : memref<2560x2x128xi32, #tpu.memory_space<hbm>> -> memref<1x2x128xi32, #tpu.memory_space<hbm>>
        %dma_start3A_215 = tpu.memref_squeeze %dma_start3A_214 : memref<1x2x128xi32, #tpu.memory_space<hbm>> -> memref<2x128xi32, #tpu.memory_space<hbm>>
        tpu.enqueue_dma source(%dma_start3A_215 : memref<2x128xi32, #tpu.memory_space<hbm>>) target(%arg8 : memref<2x128xi32, #tpu.memory_space<vmem>>) target_semaphore(%arg16 : memref<!tpu.dma_semaphore, #tpu.memory_space<semaphore_mem>>)
      } else {
      }
      %add3A_151 = arith.constant 2 : i32
      %add3A_152 = arith.addi %add3A_136, %add3A_151 : i32
      %lt3A_153 = arith.cmpi slt, %add3A_152, %select_n3A : i32
      %convert_element_type3A_154 = arith.extui %lt3A_153 : i1 to i32
      %cond3A_155 = arith.constant 0 : i32
      %cond3A_156 = arith.cmpi ne, %convert_element_type3A_154, %cond3A_155 : i32
      scf.if %cond3A_156 {
        %add3A_205 = arith.constant 2 : i32
        %add3A_206 = arith.addi %add3A_136, %add3A_205 : i32
        %add3A_207 = arith.addi %add3A, %add3A_206 : i32
        %dma_wait3A_208 = arith.constant 0 : i32
        %dma_wait3A_209 = arith.constant 0 : i32
        %dma_wait3A_210 = tpu.memref_slice %arg3[%add3A_207, %dma_wait3A_208, %dma_wait3A_209] : memref<2560x2x128xi32, #tpu.memory_space<hbm>> -> memref<1x2x128xi32, #tpu.memory_space<hbm>>
        %dma_wait3A_211 = tpu.memref_squeeze %dma_wait3A_210 : memref<1x2x128xi32, #tpu.memory_space<hbm>> -> memref<2x128xi32, #tpu.memory_space<hbm>>
        %dma_wait3A_212 = arith.constant 0 : i32
        %dma_wait3A_213 = arith.constant 0 : i32
        %dma_wait3A_214 = tpu.memref_slice %arg3[%add3A_207, %dma_wait3A_212, %dma_wait3A_213] : memref<2560x2x128xi32, #tpu.memory_space<hbm>> -> memref<1x2x128xi32, #tpu.memory_space<hbm>>
        %dma_wait3A_215 = tpu.memref_squeeze %dma_wait3A_214 : memref<1x2x128xi32, #tpu.memory_space<hbm>> -> memref<2x128xi32, #tpu.memory_space<hbm>>
        tpu.wait_dma2 semaphore(%arg18 : memref<!tpu.dma_semaphore, #tpu.memory_space<semaphore_mem>>) src(%dma_wait3A_215 : memref<2x128xi32, #tpu.memory_space<hbm>>) dst(%arg10 : memref<2x128xi32, #tpu.memory_space<vmem>>)
        %dma_start3A_216 = arith.constant 0 : i32
        %dma_start3A_217 = arith.constant 0 : i32
        %dma_start3A_218 = tpu.memref_slice %arg10[%dma_start3A_216, %dma_start3A_217] : memref<2x128xi32, #tpu.memory_space<vmem>> -> memref<1x128xi32, #tpu.memory_space<vmem>>
        %dma_start3A_219 = tpu.memref_squeeze %dma_start3A_218 : memref<1x128xi32, #tpu.memory_space<vmem>> -> memref<128xi32, #tpu.memory_space<vmem>>
        %dma_start3A_220 = arith.constant 0 : i32
        %dma_start3A_221 = arith.constant 0 : i32
        %dma_start3A_222 = tpu.memref_slice %arg2[%dma_start3A_220, %dma_start3A_221] : memref<10000x128xf32, #tpu.memory_space<hbm>> -> memref<10000x128xf32, #tpu.memory_space<hbm>>
        tpu.enqueue_indirect_dma source(%dma_start3A_222 : memref<10000x128xf32, #tpu.memory_space<hbm>>) target(%arg12 : memref<128x128xf32, #tpu.memory_space<vmem>>) offsets(%dma_start3A_219 : memref<128xi32, #tpu.memory_space<vmem>>) semaphore(%arg14 : memref<!tpu.dma_semaphore, #tpu.memory_space<semaphore_mem>>)
      } else {
      }
      %mul3A_157 = arith.constant 4 : i32
      %mul3A_158 = arith.muli %while3A_112, %mul3A_157 : i32
      %add3A_159 = arith.constant 2 : i32
      %add3A_160 = arith.addi %mul3A_158, %add3A_159 : i32
      %dma_wait3A_161 = arith.constant 0 : i32
      %dma_wait3A_162 = arith.constant 0 : i32
      %dma_wait3A_163 = tpu.memref_slice %arg9[%dma_wait3A_161, %dma_wait3A_162] : memref<2x128xi32, #tpu.memory_space<vmem>> -> memref<1x128xi32, #tpu.memory_space<vmem>>
      %dma_wait3A_164 = tpu.memref_squeeze %dma_wait3A_163 : memref<1x128xi32, #tpu.memory_space<vmem>> -> memref<128xi32, #tpu.memory_space<vmem>>
      %dma_wait3A_165 = arith.constant 0 : i32
      %dma_wait3A_166 = arith.constant 0 : i32
      %dma_wait3A_167 = tpu.memref_slice %arg2[%dma_wait3A_165, %dma_wait3A_166] : memref<10000x128xf32, #tpu.memory_space<hbm>> -> memref<10000x128xf32, #tpu.memory_space<hbm>>
      tpu.wait_indirect_dma semaphore(%arg13 : memref<!tpu.dma_semaphore, #tpu.memory_space<semaphore_mem>>) src(%dma_wait3A_167 : memref<10000x128xf32, #tpu.memory_space<hbm>>) dst(%arg11 : memref<128x128xf32, #tpu.memory_space<vmem>>)
      %run_scoped3A_168 = arith.constant 1 : i32
      "tpu.region"() ({
        %run_scoped3A_205 = tpu.sem_alloc : memref<!tpu.dma_semaphore, #tpu.memory_space<semaphore_mem>>
        %dma_start3A_206 = arith.constant 0 : i32
        %dma_start3A_207 = tpu.memref_slice %arg9[%run_scoped3A_168, %dma_start3A_206] : memref<2x128xi32, #tpu.memory_space<vmem>> -> memref<1x128xi32, #tpu.memory_space<vmem>>
        %dma_start3A_208 = tpu.memref_squeeze %dma_start3A_207 : memref<1x128xi32, #tpu.memory_space<vmem>> -> memref<128xi32, #tpu.memory_space<vmem>>
        %dma_start3A_209 = arith.constant 0 : i32
        %dma_start3A_210 = arith.constant 0 : i32
        %dma_start3A_211 = tpu.memref_slice %arg6[%dma_start3A_209, %dma_start3A_210] : memref<10112x128xf32, #tpu.memory_space<vmem_shared>> -> memref<10112x128xf32, #tpu.memory_space<vmem_shared>>
        tpu.enqueue_indirect_dma source(%arg11 : memref<128x128xf32, #tpu.memory_space<vmem>>) target(%dma_start3A_211 : memref<10112x128xf32, #tpu.memory_space<vmem_shared>>) offsets(%dma_start3A_208 : memref<128xi32, #tpu.memory_space<vmem>>) semaphore(%run_scoped3A_205 : memref<!tpu.dma_semaphore, #tpu.memory_space<semaphore_mem>>) {add = true}
        %dma_wait3A_212 = arith.constant 0 : i32
        %dma_wait3A_213 = tpu.memref_slice %arg9[%run_scoped3A_168, %dma_wait3A_212] : memref<2x128xi32, #tpu.memory_space<vmem>> -> memref<1x128xi32, #tpu.memory_space<vmem>>
        %dma_wait3A_214 = tpu.memref_squeeze %dma_wait3A_213 : memref<1x128xi32, #tpu.memory_space<vmem>> -> memref<128xi32, #tpu.memory_space<vmem>>
        %dma_wait3A_215 = arith.constant 0 : i32
        %dma_wait3A_216 = arith.constant 0 : i32
        %dma_wait3A_217 = tpu.memref_slice %arg6[%dma_wait3A_215, %dma_wait3A_216] : memref<10112x128xf32, #tpu.memory_space<vmem_shared>> -> memref<10112x128xf32, #tpu.memory_space<vmem_shared>>
        tpu.wait_indirect_dma semaphore(%run_scoped3A_205 : memref<!tpu.dma_semaphore, #tpu.memory_space<semaphore_mem>>) src(%arg11 : memref<128x128xf32, #tpu.memory_space<vmem>>) dst(%dma_wait3A_217 : memref<10112x128xf32, #tpu.memory_space<vmem_shared>>)
        tpu.yield
      }) : () -> ()
      %add3A_169 = arith.constant 4 : i32
      %add3A_170 = arith.addi %add3A_160, %add3A_169 : i32
      %lt3A_171 = arith.cmpi slt, %add3A_170, %select_n3A : i32
      %convert_element_type3A_172 = arith.extui %lt3A_171 : i1 to i32
      %cond3A_173 = arith.constant 0 : i32
      %cond3A_174 = arith.cmpi ne, %convert_element_type3A_172, %cond3A_173 : i32
      scf.if %cond3A_174 {
        %add3A_205 = arith.constant 4 : i32
        %add3A_206 = arith.addi %add3A_160, %add3A_205 : i32
        %add3A_207 = arith.addi %add3A, %add3A_206 : i32
        %dma_start3A_208 = arith.constant 0 : i32
        %dma_start3A_209 = arith.constant 0 : i32
        %dma_start3A_210 = tpu.memref_slice %arg3[%add3A_207, %dma_start3A_208, %dma_start3A_209] : memref<2560x2x128xi32, #tpu.memory_space<hbm>> -> memref<1x2x128xi32, #tpu.memory_space<hbm>>
        %dma_start3A_211 = tpu.memref_squeeze %dma_start3A_210 : memref<1x2x128xi32, #tpu.memory_space<hbm>> -> memref<2x128xi32, #tpu.memory_space<hbm>>
        %dma_start3A_212 = arith.constant 0 : i32
        %dma_start3A_213 = arith.constant 0 : i32
        %dma_start3A_214 = tpu.memref_slice %arg3[%add3A_207, %dma_start3A_212, %dma_start3A_213] : memref<2560x2x128xi32, #tpu.memory_space<hbm>> -> memref<1x2x128xi32, #tpu.memory_space<hbm>>
        %dma_start3A_215 = tpu.memref_squeeze %dma_start3A_214 : memref<1x2x128xi32, #tpu.memory_space<hbm>> -> memref<2x128xi32, #tpu.memory_space<hbm>>
        tpu.enqueue_dma source(%dma_start3A_215 : memref<2x128xi32, #tpu.memory_space<hbm>>) target(%arg9 : memref<2x128xi32, #tpu.memory_space<vmem>>) target_semaphore(%arg17 : memref<!tpu.dma_semaphore, #tpu.memory_space<semaphore_mem>>)
      } else {
      }
      %add3A_175 = arith.constant 2 : i32
      %add3A_176 = arith.addi %add3A_160, %add3A_175 : i32
      %lt3A_177 = arith.cmpi slt, %add3A_176, %select_n3A : i32
      %convert_element_type3A_178 = arith.extui %lt3A_177 : i1 to i32
      %cond3A_179 = arith.constant 0 : i32
      %cond3A_180 = arith.cmpi ne, %convert_element_type3A_178, %cond3A_179 : i32
      scf.if %cond3A_180 {
        %add3A_205 = arith.constant 2 : i32
        %add3A_206 = arith.addi %add3A_160, %add3A_205 : i32
        %add3A_207 = arith.addi %add3A, %add3A_206 : i32
        %dma_wait3A_208 = arith.constant 0 : i32
        %dma_wait3A_209 = arith.constant 0 : i32
        %dma_wait3A_210 = tpu.memref_slice %arg3[%add3A_207, %dma_wait3A_208, %dma_wait3A_209] : memref<2560x2x128xi32, #tpu.memory_space<hbm>> -> memref<1x2x128xi32, #tpu.memory_space<hbm>>
        %dma_wait3A_211 = tpu.memref_squeeze %dma_wait3A_210 : memref<1x2x128xi32, #tpu.memory_space<hbm>> -> memref<2x128xi32, #tpu.memory_space<hbm>>
        %dma_wait3A_212 = arith.constant 0 : i32
        %dma_wait3A_213 = arith.constant 0 : i32
        %dma_wait3A_214 = tpu.memref_slice %arg3[%add3A_207, %dma_wait3A_212, %dma_wait3A_213] : memref<2560x2x128xi32, #tpu.memory_space<hbm>> -> memref<1x2x128xi32, #tpu.memory_space<hbm>>
        %dma_wait3A_215 = tpu.memref_squeeze %dma_wait3A_214 : memref<1x2x128xi32, #tpu.memory_space<hbm>> -> memref<2x128xi32, #tpu.memory_space<hbm>>
        tpu.wait_dma2 semaphore(%arg15 : memref<!tpu.dma_semaphore, #tpu.memory_space<semaphore_mem>>) src(%dma_wait3A_215 : memref<2x128xi32, #tpu.memory_space<hbm>>) dst(%arg7 : memref<2x128xi32, #tpu.memory_space<vmem>>)
        %dma_start3A_216 = arith.constant 0 : i32
        %dma_start3A_217 = arith.constant 0 : i32
        %dma_start3A_218 = tpu.memref_slice %arg7[%dma_start3A_216, %dma_start3A_217] : memref<2x128xi32, #tpu.memory_space<vmem>> -> memref<1x128xi32, #tpu.memory_space<vmem>>
        %dma_start3A_219 = tpu.memref_squeeze %dma_start3A_218 : memref<1x128xi32, #tpu.memory_space<vmem>> -> memref<128xi32, #tpu.memory_space<vmem>>
        %dma_start3A_220 = arith.constant 0 : i32
        %dma_start3A_221 = arith.constant 0 : i32
        %dma_start3A_222 = tpu.memref_slice %arg2[%dma_start3A_220, %dma_start3A_221] : memref<10000x128xf32, #tpu.memory_space<hbm>> -> memref<10000x128xf32, #tpu.memory_space<hbm>>
        tpu.enqueue_indirect_dma source(%dma_start3A_222 : memref<10000x128xf32, #tpu.memory_space<hbm>>) target(%arg11 : memref<128x128xf32, #tpu.memory_space<vmem>>) offsets(%dma_start3A_219 : memref<128xi32, #tpu.memory_space<vmem>>) semaphore(%arg13 : memref<!tpu.dma_semaphore, #tpu.memory_space<semaphore_mem>>)
      } else {
      }
      %mul3A_181 = arith.constant 4 : i32
      %mul3A_182 = arith.muli %while3A_112, %mul3A_181 : i32
      %add3A_183 = arith.constant 3 : i32
      %add3A_184 = arith.addi %mul3A_182, %add3A_183 : i32
      %dma_wait3A_185 = arith.constant 0 : i32
      %dma_wait3A_186 = arith.constant 0 : i32
      %dma_wait3A_187 = tpu.memref_slice %arg10[%dma_wait3A_185, %dma_wait3A_186] : memref<2x128xi32, #tpu.memory_space<vmem>> -> memref<1x128xi32, #tpu.memory_space<vmem>>
      %dma_wait3A_188 = tpu.memref_squeeze %dma_wait3A_187 : memref<1x128xi32, #tpu.memory_space<vmem>> -> memref<128xi32, #tpu.memory_space<vmem>>
      %dma_wait3A_189 = arith.constant 0 : i32
      %dma_wait3A_190 = arith.constant 0 : i32
      %dma_wait3A_191 = tpu.memref_slice %arg2[%dma_wait3A_189, %dma_wait3A_190] : memref<10000x128xf32, #tpu.memory_space<hbm>> -> memref<10000x128xf32, #tpu.memory_space<hbm>>
      tpu.wait_indirect_dma semaphore(%arg14 : memref<!tpu.dma_semaphore, #tpu.memory_space<semaphore_mem>>) src(%dma_wait3A_191 : memref<10000x128xf32, #tpu.memory_space<hbm>>) dst(%arg12 : memref<128x128xf32, #tpu.memory_space<vmem>>)
      %run_scoped3A_192 = arith.constant 1 : i32
      "tpu.region"() ({
        %run_scoped3A_205 = tpu.sem_alloc : memref<!tpu.dma_semaphore, #tpu.memory_space<semaphore_mem>>
        %dma_start3A_206 = arith.constant 0 : i32
        %dma_start3A_207 = tpu.memref_slice %arg10[%run_scoped3A_192, %dma_start3A_206] : memref<2x128xi32, #tpu.memory_space<vmem>> -> memref<1x128xi32, #tpu.memory_space<vmem>>
        %dma_start3A_208 = tpu.memref_squeeze %dma_start3A_207 : memref<1x128xi32, #tpu.memory_space<vmem>> -> memref<128xi32, #tpu.memory_space<vmem>>
        %dma_start3A_209 = arith.constant 0 : i32
        %dma_start3A_210 = arith.constant 0 : i32
        %dma_start3A_211 = tpu.memref_slice %arg6[%dma_start3A_209, %dma_start3A_210] : memref<10112x128xf32, #tpu.memory_space<vmem_shared>> -> memref<10112x128xf32, #tpu.memory_space<vmem_shared>>
        tpu.enqueue_indirect_dma source(%arg12 : memref<128x128xf32, #tpu.memory_space<vmem>>) target(%dma_start3A_211 : memref<10112x128xf32, #tpu.memory_space<vmem_shared>>) offsets(%dma_start3A_208 : memref<128xi32, #tpu.memory_space<vmem>>) semaphore(%run_scoped3A_205 : memref<!tpu.dma_semaphore, #tpu.memory_space<semaphore_mem>>) {add = true}
        %dma_wait3A_212 = arith.constant 0 : i32
        %dma_wait3A_213 = tpu.memref_slice %arg10[%run_scoped3A_192, %dma_wait3A_212] : memref<2x128xi32, #tpu.memory_space<vmem>> -> memref<1x128xi32, #tpu.memory_space<vmem>>
        %dma_wait3A_214 = tpu.memref_squeeze %dma_wait3A_213 : memref<1x128xi32, #tpu.memory_space<vmem>> -> memref<128xi32, #tpu.memory_space<vmem>>
        %dma_wait3A_215 = arith.constant 0 : i32
        %dma_wait3A_216 = arith.constant 0 : i32
        %dma_wait3A_217 = tpu.memref_slice %arg6[%dma_wait3A_215, %dma_wait3A_216] : memref<10112x128xf32, #tpu.memory_space<vmem_shared>> -> memref<10112x128xf32, #tpu.memory_space<vmem_shared>>
        tpu.wait_indirect_dma semaphore(%run_scoped3A_205 : memref<!tpu.dma_semaphore, #tpu.memory_space<semaphore_mem>>) src(%arg12 : memref<128x128xf32, #tpu.memory_space<vmem>>) dst(%dma_wait3A_217 : memref<10112x128xf32, #tpu.memory_space<vmem_shared>>)
        tpu.yield
      }) : () -> ()
      %add3A_193 = arith.constant 4 : i32
      %add3A_194 = arith.addi %add3A_184, %add3A_193 : i32
      %lt3A_195 = arith.cmpi slt, %add3A_194, %select_n3A : i32
      %convert_element_type3A_196 = arith.extui %lt3A_195 : i1 to i32
      %cond3A_197 = arith.constant 0 : i32
      %cond3A_198 = arith.cmpi ne, %convert_element_type3A_196, %cond3A_197 : i32
      scf.if %cond3A_198 {
        %add3A_205 = arith.constant 4 : i32
        %add3A_206 = arith.addi %add3A_184, %add3A_205 : i32
        %add3A_207 = arith.addi %add3A, %add3A_206 : i32
        %dma_start3A_208 = arith.constant 0 : i32
        %dma_start3A_209 = arith.constant 0 : i32
        %dma_start3A_210 = tpu.memref_slice %arg3[%add3A_207, %dma_start3A_208, %dma_start3A_209] : memref<2560x2x128xi32, #tpu.memory_space<hbm>> -> memref<1x2x128xi32, #tpu.memory_space<hbm>>
        %dma_start3A_211 = tpu.memref_squeeze %dma_start3A_210 : memref<1x2x128xi32, #tpu.memory_space<hbm>> -> memref<2x128xi32, #tpu.memory_space<hbm>>
        %dma_start3A_212 = arith.constant 0 : i32
        %dma_start3A_213 = arith.constant 0 : i32
        %dma_start3A_214 = tpu.memref_slice %arg3[%add3A_207, %dma_start3A_212, %dma_start3A_213] : memref<2560x2x128xi32, #tpu.memory_space<hbm>> -> memref<1x2x128xi32, #tpu.memory_space<hbm>>
        %dma_start3A_215 = tpu.memref_squeeze %dma_start3A_214 : memref<1x2x128xi32, #tpu.memory_space<hbm>> -> memref<2x128xi32, #tpu.memory_space<hbm>>
        tpu.enqueue_dma source(%dma_start3A_215 : memref<2x128xi32, #tpu.memory_space<hbm>>) target(%arg10 : memref<2x128xi32, #tpu.memory_space<vmem>>) target_semaphore(%arg18 : memref<!tpu.dma_semaphore, #tpu.memory_space<semaphore_mem>>)
      } else {
      }
      %add3A_199 = arith.constant 2 : i32
      %add3A_200 = arith.addi %add3A_184, %add3A_199 : i32
      %lt3A_201 = arith.cmpi slt, %add3A_200, %select_n3A : i32
      %convert_element_type3A_202 = arith.extui %lt3A_201 : i1 to i32
      %cond3A_203 = arith.constant 0 : i32
      %cond3A_204 = arith.cmpi ne, %convert_element_type3A_202, %cond3A_203 : i32
      scf.if %cond3A_204 {
        %add3A_205 = arith.constant 2 : i32
        %add3A_206 = arith.addi %add3A_184, %add3A_205 : i32
        %add3A_207 = arith.addi %add3A, %add3A_206 : i32
        %dma_wait3A_208 = arith.constant 0 : i32
        %dma_wait3A_209 = arith.constant 0 : i32
        %dma_wait3A_210 = tpu.memref_slice %arg3[%add3A_207, %dma_wait3A_208, %dma_wait3A_209] : memref<2560x2x128xi32, #tpu.memory_space<hbm>> -> memref<1x2x128xi32, #tpu.memory_space<hbm>>
        %dma_wait3A_211 = tpu.memref_squeeze %dma_wait3A_210 : memref<1x2x128xi32, #tpu.memory_space<hbm>> -> memref<2x128xi32, #tpu.memory_space<hbm>>
        %dma_wait3A_212 = arith.constant 0 : i32
        %dma_wait3A_213 = arith.constant 0 : i32
        %dma_wait3A_214 = tpu.memref_slice %arg3[%add3A_207, %dma_wait3A_212, %dma_wait3A_213] : memref<2560x2x128xi32, #tpu.memory_space<hbm>> -> memref<1x2x128xi32, #tpu.memory_space<hbm>>
        %dma_wait3A_215 = tpu.memref_squeeze %dma_wait3A_214 : memref<1x2x128xi32, #tpu.memory_space<hbm>> -> memref<2x128xi32, #tpu.memory_space<hbm>>
        tpu.wait_dma2 semaphore(%arg16 : memref<!tpu.dma_semaphore, #tpu.memory_space<semaphore_mem>>) src(%dma_wait3A_215 : memref<2x128xi32, #tpu.memory_space<hbm>>) dst(%arg8 : memref<2x128xi32, #tpu.memory_space<vmem>>)
        %dma_start3A_216 = arith.constant 0 : i32
        %dma_start3A_217 = arith.constant 0 : i32
        %dma_start3A_218 = tpu.memref_slice %arg8[%dma_start3A_216, %dma_start3A_217] : memref<2x128xi32, #tpu.memory_space<vmem>> -> memref<1x128xi32, #tpu.memory_space<vmem>>
        %dma_start3A_219 = tpu.memref_squeeze %dma_start3A_218 : memref<1x128xi32, #tpu.memory_space<vmem>> -> memref<128xi32, #tpu.memory_space<vmem>>
        %dma_start3A_220 = arith.constant 0 : i32
        %dma_start3A_221 = arith.constant 0 : i32
        %dma_start3A_222 = tpu.memref_slice %arg2[%dma_start3A_220, %dma_start3A_221] : memref<10000x128xf32, #tpu.memory_space<hbm>> -> memref<10000x128xf32, #tpu.memory_space<hbm>>
        tpu.enqueue_indirect_dma source(%dma_start3A_222 : memref<10000x128xf32, #tpu.memory_space<hbm>>) target(%arg12 : memref<128x128xf32, #tpu.memory_space<vmem>>) offsets(%dma_start3A_219 : memref<128xi32, #tpu.memory_space<vmem>>) semaphore(%arg14 : memref<!tpu.dma_semaphore, #tpu.memory_space<semaphore_mem>>)
      } else {
      }
    }
    %while3A_107 = arith.constant 1 : i32
    scf.for %while3A_112 = %while3A_105 to %while3A_101 step %while3A_107  : i32 {
      %mul3A_113 = arith.constant 4 : i32
      %mul3A_114 = arith.muli %while3A_112, %mul3A_113 : i32
      %add3A_115 = arith.constant 0 : i32
      %add3A_116 = arith.addi %mul3A_114, %add3A_115 : i32
      %dma_wait3A_117 = arith.constant 0 : i32
      %dma_wait3A_118 = arith.constant 0 : i32
      %dma_wait3A_119 = tpu.memref_slice %arg7[%dma_wait3A_117, %dma_wait3A_118] : memref<2x128xi32, #tpu.memory_space<vmem>> -> memref<1x128xi32, #tpu.memory_space<vmem>>
      %dma_wait3A_120 = tpu.memref_squeeze %dma_wait3A_119 : memref<1x128xi32, #tpu.memory_space<vmem>> -> memref<128xi32, #tpu.memory_space<vmem>>
      %dma_wait3A_121 = arith.constant 0 : i32
      %dma_wait3A_122 = arith.constant 0 : i32
      %dma_wait3A_123 = tpu.memref_slice %arg2[%dma_wait3A_121, %dma_wait3A_122] : memref<10000x128xf32, #tpu.memory_space<hbm>> -> memref<10000x128xf32, #tpu.memory_space<hbm>>
      tpu.wait_indirect_dma semaphore(%arg13 : memref<!tpu.dma_semaphore, #tpu.memory_space<semaphore_mem>>) src(%dma_wait3A_123 : memref<10000x128xf32, #tpu.memory_space<hbm>>) dst(%arg11 : memref<128x128xf32, #tpu.memory_space<vmem>>)
      %run_scoped3A = arith.constant 1 : i32
      "tpu.region"() ({
        %run_scoped3A_205 = tpu.sem_alloc : memref<!tpu.dma_semaphore, #tpu.memory_space<semaphore_mem>>
        %dma_start3A_206 = arith.constant 0 : i32
        %dma_start3A_207 = tpu.memref_slice %arg7[%run_scoped3A, %dma_start3A_206] : memref<2x128xi32, #tpu.memory_space<vmem>> -> memref<1x128xi32, #tpu.memory_space<vmem>>
        %dma_start3A_208 = tpu.memref_squeeze %dma_start3A_207 : memref<1x128xi32, #tpu.memory_space<vmem>> -> memref<128xi32, #tpu.memory_space<vmem>>
        %dma_start3A_209 = arith.constant 0 : i32
        %dma_start3A_210 = arith.constant 0 : i32
        %dma_start3A_211 = tpu.memref_slice %arg6[%dma_start3A_209, %dma_start3A_210] : memref<10112x128xf32, #tpu.memory_space<vmem_shared>> -> memref<10112x128xf32, #tpu.memory_space<vmem_shared>>
        tpu.enqueue_indirect_dma source(%arg11 : memref<128x128xf32, #tpu.memory_space<vmem>>) target(%dma_start3A_211 : memref<10112x128xf32, #tpu.memory_space<vmem_shared>>) offsets(%dma_start3A_208 : memref<128xi32, #tpu.memory_space<vmem>>) semaphore(%run_scoped3A_205 : memref<!tpu.dma_semaphore, #tpu.memory_space<semaphore_mem>>) {add = true}
        %dma_wait3A_212 = arith.constant 0 : i32
        %dma_wait3A_213 = tpu.memref_slice %arg7[%run_scoped3A, %dma_wait3A_212] : memref<2x128xi32, #tpu.memory_space<vmem>> -> memref<1x128xi32, #tpu.memory_space<vmem>>
        %dma_wait3A_214 = tpu.memref_squeeze %dma_wait3A_213 : memref<1x128xi32, #tpu.memory_space<vmem>> -> memref<128xi32, #tpu.memory_space<vmem>>
        %dma_wait3A_215 = arith.constant 0 : i32
        %dma_wait3A_216 = arith.constant 0 : i32
        %dma_wait3A_217 = tpu.memref_slice %arg6[%dma_wait3A_215, %dma_wait3A_216] : memref<10112x128xf32, #tpu.memory_space<vmem_shared>> -> memref<10112x128xf32, #tpu.memory_space<vmem_shared>>
        tpu.wait_indirect_dma semaphore(%run_scoped3A_205 : memref<!tpu.dma_semaphore, #tpu.memory_space<semaphore_mem>>) src(%arg11 : memref<128x128xf32, #tpu.memory_space<vmem>>) dst(%dma_wait3A_217 : memref<10112x128xf32, #tpu.memory_space<vmem_shared>>)
        tpu.yield
      }) : () -> ()
      %add3A_124 = arith.constant 4 : i32
      %add3A_125 = arith.addi %add3A_116, %add3A_124 : i32
      %lt3A = arith.cmpi slt, %add3A_125, %select_n3A : i32
      %convert_element_type3A = arith.extui %lt3A : i1 to i32
      %cond3A = arith.constant 0 : i32
      %cond3A_126 = arith.cmpi ne, %convert_element_type3A, %cond3A : i32
      scf.if %cond3A_126 {
        %add3A_205 = arith.constant 4 : i32
        %add3A_206 = arith.addi %add3A_116, %add3A_205 : i32
        %add3A_207 = arith.addi %add3A, %add3A_206 : i32
        %dma_start3A_208 = arith.constant 0 : i32
        %dma_start3A_209 = arith.constant 0 : i32
        %dma_start3A_210 = tpu.memref_slice %arg3[%add3A_207, %dma_start3A_208, %dma_start3A_209] : memref<2560x2x128xi32, #tpu.memory_space<hbm>> -> memref<1x2x128xi32, #tpu.memory_space<hbm>>
        %dma_start3A_211 = tpu.memref_squeeze %dma_start3A_210 : memref<1x2x128xi32, #tpu.memory_space<hbm>> -> memref<2x128xi32, #tpu.memory_space<hbm>>
        %dma_start3A_212 = arith.constant 0 : i32
        %dma_start3A_213 = arith.constant 0 : i32
        %dma_start3A_214 = tpu.memref_slice %arg3[%add3A_207, %dma_start3A_212, %dma_start3A_213] : memref<2560x2x128xi32, #tpu.memory_space<hbm>> -> memref<1x2x128xi32, #tpu.memory_space<hbm>>
        %dma_start3A_215 = tpu.memref_squeeze %dma_start3A_214 : memref<1x2x128xi32, #tpu.memory_space<hbm>> -> memref<2x128xi32, #tpu.memory_space<hbm>>
        tpu.enqueue_dma source(%dma_start3A_215 : memref<2x128xi32, #tpu.memory_space<hbm>>) target(%arg7 : memref<2x128xi32, #tpu.memory_space<vmem>>) target_semaphore(%arg15 : memref<!tpu.dma_semaphore, #tpu.memory_space<semaphore_mem>>)
      } else {
      }
      %add3A_127 = arith.constant 2 : i32
      %add3A_128 = arith.addi %add3A_116, %add3A_127 : i32
      %lt3A_129 = arith.cmpi slt, %add3A_128, %select_n3A : i32
      %convert_element_type3A_130 = arith.extui %lt3A_129 : i1 to i32
      %cond3A_131 = arith.constant 0 : i32
      %cond3A_132 = arith.cmpi ne, %convert_element_type3A_130, %cond3A_131 : i32
      scf.if %cond3A_132 {
        %add3A_205 = arith.constant 2 : i32
        %add3A_206 = arith.addi %add3A_116, %add3A_205 : i32
        %add3A_207 = arith.addi %add3A, %add3A_206 : i32
        %dma_wait3A_208 = arith.constant 0 : i32
        %dma_wait3A_209 = arith.constant 0 : i32
        %dma_wait3A_210 = tpu.memref_slice %arg3[%add3A_207, %dma_wait3A_208, %dma_wait3A_209] : memref<2560x2x128xi32, #tpu.memory_space<hbm>> -> memref<1x2x128xi32, #tpu.memory_space<hbm>>
        %dma_wait3A_211 = tpu.memref_squeeze %dma_wait3A_210 : memref<1x2x128xi32, #tpu.memory_space<hbm>> -> memref<2x128xi32, #tpu.memory_space<hbm>>
        %dma_wait3A_212 = arith.constant 0 : i32
        %dma_wait3A_213 = arith.constant 0 : i32
        %dma_wait3A_214 = tpu.memref_slice %arg3[%add3A_207, %dma_wait3A_212, %dma_wait3A_213] : memref<2560x2x128xi32, #tpu.memory_space<hbm>> -> memref<1x2x128xi32, #tpu.memory_space<hbm>>
        %dma_wait3A_215 = tpu.memref_squeeze %dma_wait3A_214 : memref<1x2x128xi32, #tpu.memory_space<hbm>> -> memref<2x128xi32, #tpu.memory_space<hbm>>
        tpu.wait_dma2 semaphore(%arg17 : memref<!tpu.dma_semaphore, #tpu.memory_space<semaphore_mem>>) src(%dma_wait3A_215 : memref<2x128xi32, #tpu.memory_space<hbm>>) dst(%arg9 : memref<2x128xi32, #tpu.memory_space<vmem>>)
        %dma_start3A_216 = arith.constant 0 : i32
        %dma_start3A_217 = arith.constant 0 : i32
        %dma_start3A_218 = tpu.memref_slice %arg9[%dma_start3A_216, %dma_start3A_217] : memref<2x128xi32, #tpu.memory_space<vmem>> -> memref<1x128xi32, #tpu.memory_space<vmem>>
        %dma_start3A_219 = tpu.memref_squeeze %dma_start3A_218 : memref<1x128xi32, #tpu.memory_space<vmem>> -> memref<128xi32, #tpu.memory_space<vmem>>
        %dma_start3A_220 = arith.constant 0 : i32
        %dma_start3A_221 = arith.constant 0 : i32
        %dma_start3A_222 = tpu.memref_slice %arg2[%dma_start3A_220, %dma_start3A_221] : memref<10000x128xf32, #tpu.memory_space<hbm>> -> memref<10000x128xf32, #tpu.memory_space<hbm>>
        tpu.enqueue_indirect_dma source(%dma_start3A_222 : memref<10000x128xf32, #tpu.memory_space<hbm>>) target(%arg11 : memref<128x128xf32, #tpu.memory_space<vmem>>) offsets(%dma_start3A_219 : memref<128xi32, #tpu.memory_space<vmem>>) semaphore(%arg13 : memref<!tpu.dma_semaphore, #tpu.memory_space<semaphore_mem>>)
      } else {
      }
      %mul3A_133 = arith.constant 4 : i32
      %mul3A_134 = arith.muli %while3A_112, %mul3A_133 : i32
      %add3A_135 = arith.constant 1 : i32
      %add3A_136 = arith.addi %mul3A_134, %add3A_135 : i32
      %dma_wait3A_137 = arith.constant 0 : i32
      %dma_wait3A_138 = arith.constant 0 : i32
      %dma_wait3A_139 = tpu.memref_slice %arg8[%dma_wait3A_137, %dma_wait3A_138] : memref<2x128xi32, #tpu.memory_space<vmem>> -> memref<1x128xi32, #tpu.memory_space<vmem>>
      %dma_wait3A_140 = tpu.memref_squeeze %dma_wait3A_139 : memref<1x128xi32, #tpu.memory_space<vmem>> -> memref<128xi32, #tpu.memory_space<vmem>>
      %dma_wait3A_141 = arith.constant 0 : i32
      %dma_wait3A_142 = arith.constant 0 : i32
      %dma_wait3A_143 = tpu.memref_slice %arg2[%dma_wait3A_141, %dma_wait3A_142] : memref<10000x128xf32, #tpu.memory_space<hbm>> -> memref<10000x128xf32, #tpu.memory_space<hbm>>
      tpu.wait_indirect_dma semaphore(%arg14 : memref<!tpu.dma_semaphore, #tpu.memory_space<semaphore_mem>>) src(%dma_wait3A_143 : memref<10000x128xf32, #tpu.memory_space<hbm>>) dst(%arg12 : memref<128x128xf32, #tpu.memory_space<vmem>>)
      %run_scoped3A_144 = arith.constant 1 : i32
      "tpu.region"() ({
        %run_scoped3A_205 = tpu.sem_alloc : memref<!tpu.dma_semaphore, #tpu.memory_space<semaphore_mem>>
        %dma_start3A_206 = arith.constant 0 : i32
        %dma_start3A_207 = tpu.memref_slice %arg8[%run_scoped3A_144, %dma_start3A_206] : memref<2x128xi32, #tpu.memory_space<vmem>> -> memref<1x128xi32, #tpu.memory_space<vmem>>
        %dma_start3A_208 = tpu.memref_squeeze %dma_start3A_207 : memref<1x128xi32, #tpu.memory_space<vmem>> -> memref<128xi32, #tpu.memory_space<vmem>>
        %dma_start3A_209 = arith.constant 0 : i32
        %dma_start3A_210 = arith.constant 0 : i32
        %dma_start3A_211 = tpu.memref_slice %arg6[%dma_start3A_209, %dma_start3A_210] : memref<10112x128xf32, #tpu.memory_space<vmem_shared>> -> memref<10112x128xf32, #tpu.memory_space<vmem_shared>>
        tpu.enqueue_indirect_dma source(%arg12 : memref<128x128xf32, #tpu.memory_space<vmem>>) target(%dma_start3A_211 : memref<10112x128xf32, #tpu.memory_space<vmem_shared>>) offsets(%dma_start3A_208 : memref<128xi32, #tpu.memory_space<vmem>>) semaphore(%run_scoped3A_205 : memref<!tpu.dma_semaphore, #tpu.memory_space<semaphore_mem>>) {add = true}
        %dma_wait3A_212 = arith.constant 0 : i32
        %dma_wait3A_213 = tpu.memref_slice %arg8[%run_scoped3A_144, %dma_wait3A_212] : memref<2x128xi32, #tpu.memory_space<vmem>> -> memref<1x128xi32, #tpu.memory_space<vmem>>
        %dma_wait3A_214 = tpu.memref_squeeze %dma_wait3A_213 : memref<1x128xi32, #tpu.memory_space<vmem>> -> memref<128xi32, #tpu.memory_space<vmem>>
        %dma_wait3A_215 = arith.constant 0 : i32
        %dma_wait3A_216 = arith.constant 0 : i32
        %dma_wait3A_217 = tpu.memref_slice %arg6[%dma_wait3A_215, %dma_wait3A_216] : memref<10112x128xf32, #tpu.memory_space<vmem_shared>> -> memref<10112x128xf32, #tpu.memory_space<vmem_shared>>
        tpu.wait_indirect_dma semaphore(%run_scoped3A_205 : memref<!tpu.dma_semaphore, #tpu.memory_space<semaphore_mem>>) src(%arg12 : memref<128x128xf32, #tpu.memory_space<vmem>>) dst(%dma_wait3A_217 : memref<10112x128xf32, #tpu.memory_space<vmem_shared>>)
        tpu.yield
      }) : () -> ()
      %add3A_145 = arith.constant 4 : i32
      %add3A_146 = arith.addi %add3A_136, %add3A_145 : i32
      %lt3A_147 = arith.cmpi slt, %add3A_146, %select_n3A : i32
      %convert_element_type3A_148 = arith.extui %lt3A_147 : i1 to i32
      %cond3A_149 = arith.constant 0 : i32
      %cond3A_150 = arith.cmpi ne, %convert_element_type3A_148, %cond3A_149 : i32
      scf.if %cond3A_150 {
        %add3A_205 = arith.constant 4 : i32
        %add3A_206 = arith.addi %add3A_136, %add3A_205 : i32
        %add3A_207 = arith.addi %add3A, %add3A_206 : i32
        %dma_start3A_208 = arith.constant 0 : i32
        %dma_start3A_209 = arith.constant 0 : i32
        %dma_start3A_210 = tpu.memref_slice %arg3[%add3A_207, %dma_start3A_208, %dma_start3A_209] : memref<2560x2x128xi32, #tpu.memory_space<hbm>> -> memref<1x2x128xi32, #tpu.memory_space<hbm>>
        %dma_start3A_211 = tpu.memref_squeeze %dma_start3A_210 : memref<1x2x128xi32, #tpu.memory_space<hbm>> -> memref<2x128xi32, #tpu.memory_space<hbm>>
        %dma_start3A_212 = arith.constant 0 : i32
        %dma_start3A_213 = arith.constant 0 : i32
        %dma_start3A_214 = tpu.memref_slice %arg3[%add3A_207, %dma_start3A_212, %dma_start3A_213] : memref<2560x2x128xi32, #tpu.memory_space<hbm>> -> memref<1x2x128xi32, #tpu.memory_space<hbm>>
        %dma_start3A_215 = tpu.memref_squeeze %dma_start3A_214 : memref<1x2x128xi32, #tpu.memory_space<hbm>> -> memref<2x128xi32, #tpu.memory_space<hbm>>
        tpu.enqueue_dma source(%dma_start3A_215 : memref<2x128xi32, #tpu.memory_space<hbm>>) target(%arg8 : memref<2x128xi32, #tpu.memory_space<vmem>>) target_semaphore(%arg16 : memref<!tpu.dma_semaphore, #tpu.memory_space<semaphore_mem>>)
      } else {
      }
      %add3A_151 = arith.constant 2 : i32
      %add3A_152 = arith.addi %add3A_136, %add3A_151 : i32
      %lt3A_153 = arith.cmpi slt, %add3A_152, %select_n3A : i32
      %convert_element_type3A_154 = arith.extui %lt3A_153 : i1 to i32
      %cond3A_155 = arith.constant 0 : i32
      %cond3A_156 = arith.cmpi ne, %convert_element_type3A_154, %cond3A_155 : i32
      scf.if %cond3A_156 {
        %add3A_205 = arith.constant 2 : i32
        %add3A_206 = arith.addi %add3A_136, %add3A_205 : i32
        %add3A_207 = arith.addi %add3A, %add3A_206 : i32
        %dma_wait3A_208 = arith.constant 0 : i32
        %dma_wait3A_209 = arith.constant 0 : i32
        %dma_wait3A_210 = tpu.memref_slice %arg3[%add3A_207, %dma_wait3A_208, %dma_wait3A_209] : memref<2560x2x128xi32, #tpu.memory_space<hbm>> -> memref<1x2x128xi32, #tpu.memory_space<hbm>>
        %dma_wait3A_211 = tpu.memref_squeeze %dma_wait3A_210 : memref<1x2x128xi32, #tpu.memory_space<hbm>> -> memref<2x128xi32, #tpu.memory_space<hbm>>
        %dma_wait3A_212 = arith.constant 0 : i32
        %dma_wait3A_213 = arith.constant 0 : i32
        %dma_wait3A_214 = tpu.memref_slice %arg3[%add3A_207, %dma_wait3A_212, %dma_wait3A_213] : memref<2560x2x128xi32, #tpu.memory_space<hbm>> -> memref<1x2x128xi32, #tpu.memory_space<hbm>>
        %dma_wait3A_215 = tpu.memref_squeeze %dma_wait3A_214 : memref<1x2x128xi32, #tpu.memory_space<hbm>> -> memref<2x128xi32, #tpu.memory_space<hbm>>
        tpu.wait_dma2 semaphore(%arg18 : memref<!tpu.dma_semaphore, #tpu.memory_space<semaphore_mem>>) src(%dma_wait3A_215 : memref<2x128xi32, #tpu.memory_space<hbm>>) dst(%arg10 : memref<2x128xi32, #tpu.memory_space<vmem>>)
        %dma_start3A_216 = arith.constant 0 : i32
        %dma_start3A_217 = arith.constant 0 : i32
        %dma_start3A_218 = tpu.memref_slice %arg10[%dma_start3A_216, %dma_start3A_217] : memref<2x128xi32, #tpu.memory_space<vmem>> -> memref<1x128xi32, #tpu.memory_space<vmem>>
        %dma_start3A_219 = tpu.memref_squeeze %dma_start3A_218 : memref<1x128xi32, #tpu.memory_space<vmem>> -> memref<128xi32, #tpu.memory_space<vmem>>
        %dma_start3A_220 = arith.constant 0 : i32
        %dma_start3A_221 = arith.constant 0 : i32
        %dma_start3A_222 = tpu.memref_slice %arg2[%dma_start3A_220, %dma_start3A_221] : memref<10000x128xf32, #tpu.memory_space<hbm>> -> memref<10000x128xf32, #tpu.memory_space<hbm>>
        tpu.enqueue_indirect_dma source(%dma_start3A_222 : memref<10000x128xf32, #tpu.memory_space<hbm>>) target(%arg12 : memref<128x128xf32, #tpu.memory_space<vmem>>) offsets(%dma_start3A_219 : memref<128xi32, #tpu.memory_space<vmem>>) semaphore(%arg14 : memref<!tpu.dma_semaphore, #tpu.memory_space<semaphore_mem>>)
      } else {
      }
      %mul3A_157 = arith.constant 4 : i32
      %mul3A_158 = arith.muli %while3A_112, %mul3A_157 : i32
      %add3A_159 = arith.constant 2 : i32
      %add3A_160 = arith.addi %mul3A_158, %add3A_159 : i32
      %dma_wait3A_161 = arith.constant 0 : i32
      %dma_wait3A_162 = arith.constant 0 : i32
      %dma_wait3A_163 = tpu.memref_slice %arg9[%dma_wait3A_161, %dma_wait3A_162] : memref<2x128xi32, #tpu.memory_space<vmem>> -> memref<1x128xi32, #tpu.memory_space<vmem>>
      %dma_wait3A_164 = tpu.memref_squeeze %dma_wait3A_163 : memref<1x128xi32, #tpu.memory_space<vmem>> -> memref<128xi32, #tpu.memory_space<vmem>>
      %dma_wait3A_165 = arith.constant 0 : i32
      %dma_wait3A_166 = arith.constant 0 : i32
      %dma_wait3A_167 = tpu.memref_slice %arg2[%dma_wait3A_165, %dma_wait3A_166] : memref<10000x128xf32, #tpu.memory_space<hbm>> -> memref<10000x128xf32, #tpu.memory_space<hbm>>
      tpu.wait_indirect_dma semaphore(%arg13 : memref<!tpu.dma_semaphore, #tpu.memory_space<semaphore_mem>>) src(%dma_wait3A_167 : memref<10000x128xf32, #tpu.memory_space<hbm>>) dst(%arg11 : memref<128x128xf32, #tpu.memory_space<vmem>>)
      %run_scoped3A_168 = arith.constant 1 : i32
      "tpu.region"() ({
        %run_scoped3A_205 = tpu.sem_alloc : memref<!tpu.dma_semaphore, #tpu.memory_space<semaphore_mem>>
        %dma_start3A_206 = arith.constant 0 : i32
        %dma_start3A_207 = tpu.memref_slice %arg9[%run_scoped3A_168, %dma_start3A_206] : memref<2x128xi32, #tpu.memory_space<vmem>> -> memref<1x128xi32, #tpu.memory_space<vmem>>
        %dma_start3A_208 = tpu.memref_squeeze %dma_start3A_207 : memref<1x128xi32, #tpu.memory_space<vmem>> -> memref<128xi32, #tpu.memory_space<vmem>>
        %dma_start3A_209 = arith.constant 0 : i32
        %dma_start3A_210 = arith.constant 0 : i32
        %dma_start3A_211 = tpu.memref_slice %arg6[%dma_start3A_209, %dma_start3A_210] : memref<10112x128xf32, #tpu.memory_space<vmem_shared>> -> memref<10112x128xf32, #tpu.memory_space<vmem_shared>>
        tpu.enqueue_indirect_dma source(%arg11 : memref<128x128xf32, #tpu.memory_space<vmem>>) target(%dma_start3A_211 : memref<10112x128xf32, #tpu.memory_space<vmem_shared>>) offsets(%dma_start3A_208 : memref<128xi32, #tpu.memory_space<vmem>>) semaphore(%run_scoped3A_205 : memref<!tpu.dma_semaphore, #tpu.memory_space<semaphore_mem>>) {add = true}
        %dma_wait3A_212 = arith.constant 0 : i32
        %dma_wait3A_213 = tpu.memref_slice %arg9[%run_scoped3A_168, %dma_wait3A_212] : memref<2x128xi32, #tpu.memory_space<vmem>> -> memref<1x128xi32, #tpu.memory_space<vmem>>
        %dma_wait3A_214 = tpu.memref_squeeze %dma_wait3A_213 : memref<1x128xi32, #tpu.memory_space<vmem>> -> memref<128xi32, #tpu.memory_space<vmem>>
        %dma_wait3A_215 = arith.constant 0 : i32
        %dma_wait3A_216 = arith.constant 0 : i32
        %dma_wait3A_217 = tpu.memref_slice %arg6[%dma_wait3A_215, %dma_wait3A_216] : memref<10112x128xf32, #tpu.memory_space<vmem_shared>> -> memref<10112x128xf32, #tpu.memory_space<vmem_shared>>
        tpu.wait_indirect_dma semaphore(%run_scoped3A_205 : memref<!tpu.dma_semaphore, #tpu.memory_space<semaphore_mem>>) src(%arg11 : memref<128x128xf32, #tpu.memory_space<vmem>>) dst(%dma_wait3A_217 : memref<10112x128xf32, #tpu.memory_space<vmem_shared>>)
        tpu.yield
      }) : () -> ()
      %add3A_169 = arith.constant 4 : i32
      %add3A_170 = arith.addi %add3A_160, %add3A_169 : i32
      %lt3A_171 = arith.cmpi slt, %add3A_170, %select_n3A : i32
      %convert_element_type3A_172 = arith.extui %lt3A_171 : i1 to i32
      %cond3A_173 = arith.constant 0 : i32
      %cond3A_174 = arith.cmpi ne, %convert_element_type3A_172, %cond3A_173 : i32
      scf.if %cond3A_174 {
        %add3A_205 = arith.constant 4 : i32
        %add3A_206 = arith.addi %add3A_160, %add3A_205 : i32
        %add3A_207 = arith.addi %add3A, %add3A_206 : i32
        %dma_start3A_208 = arith.constant 0 : i32
        %dma_start3A_209 = arith.constant 0 : i32
        %dma_start3A_210 = tpu.memref_slice %arg3[%add3A_207, %dma_start3A_208, %dma_start3A_209] : memref<2560x2x128xi32, #tpu.memory_space<hbm>> -> memref<1x2x128xi32, #tpu.memory_space<hbm>>
        %dma_start3A_211 = tpu.memref_squeeze %dma_start3A_210 : memref<1x2x128xi32, #tpu.memory_space<hbm>> -> memref<2x128xi32, #tpu.memory_space<hbm>>
        %dma_start3A_212 = arith.constant 0 : i32
        %dma_start3A_213 = arith.constant 0 : i32
        %dma_start3A_214 = tpu.memref_slice %arg3[%add3A_207, %dma_start3A_212, %dma_start3A_213] : memref<2560x2x128xi32, #tpu.memory_space<hbm>> -> memref<1x2x128xi32, #tpu.memory_space<hbm>>
        %dma_start3A_215 = tpu.memref_squeeze %dma_start3A_214 : memref<1x2x128xi32, #tpu.memory_space<hbm>> -> memref<2x128xi32, #tpu.memory_space<hbm>>
        tpu.enqueue_dma source(%dma_start3A_215 : memref<2x128xi32, #tpu.memory_space<hbm>>) target(%arg9 : memref<2x128xi32, #tpu.memory_space<vmem>>) target_semaphore(%arg17 : memref<!tpu.dma_semaphore, #tpu.memory_space<semaphore_mem>>)
      } else {
      }
      %add3A_175 = arith.constant 2 : i32
      %add3A_176 = arith.addi %add3A_160, %add3A_175 : i32
      %lt3A_177 = arith.cmpi slt, %add3A_176, %select_n3A : i32
      %convert_element_type3A_178 = arith.extui %lt3A_177 : i1 to i32
      %cond3A_179 = arith.constant 0 : i32
      %cond3A_180 = arith.cmpi ne, %convert_element_type3A_178, %cond3A_179 : i32
      scf.if %cond3A_180 {
        %add3A_205 = arith.constant 2 : i32
        %add3A_206 = arith.addi %add3A_160, %add3A_205 : i32
        %add3A_207 = arith.addi %add3A, %add3A_206 : i32
        %dma_wait3A_208 = arith.constant 0 : i32
        %dma_wait3A_209 = arith.constant 0 : i32
        %dma_wait3A_210 = tpu.memref_slice %arg3[%add3A_207, %dma_wait3A_208, %dma_wait3A_209] : memref<2560x2x128xi32, #tpu.memory_space<hbm>> -> memref<1x2x128xi32, #tpu.memory_space<hbm>>
        %dma_wait3A_211 = tpu.memref_squeeze %dma_wait3A_210 : memref<1x2x128xi32, #tpu.memory_space<hbm>> -> memref<2x128xi32, #tpu.memory_space<hbm>>
        %dma_wait3A_212 = arith.constant 0 : i32
        %dma_wait3A_213 = arith.constant 0 : i32
        %dma_wait3A_214 = tpu.memref_slice %arg3[%add3A_207, %dma_wait3A_212, %dma_wait3A_213] : memref<2560x2x128xi32, #tpu.memory_space<hbm>> -> memref<1x2x128xi32, #tpu.memory_space<hbm>>
        %dma_wait3A_215 = tpu.memref_squeeze %dma_wait3A_214 : memref<1x2x128xi32, #tpu.memory_space<hbm>> -> memref<2x128xi32, #tpu.memory_space<hbm>>
        tpu.wait_dma2 semaphore(%arg15 : memref<!tpu.dma_semaphore, #tpu.memory_space<semaphore_mem>>) src(%dma_wait3A_215 : memref<2x128xi32, #tpu.memory_space<hbm>>) dst(%arg7 : memref<2x128xi32, #tpu.memory_space<vmem>>)
        %dma_start3A_216 = arith.constant 0 : i32
        %dma_start3A_217 = arith.constant 0 : i32
        %dma_start3A_218 = tpu.memref_slice %arg7[%dma_start3A_216, %dma_start3A_217] : memref<2x128xi32, #tpu.memory_space<vmem>> -> memref<1x128xi32, #tpu.memory_space<vmem>>
        %dma_start3A_219 = tpu.memref_squeeze %dma_start3A_218 : memref<1x128xi32, #tpu.memory_space<vmem>> -> memref<128xi32, #tpu.memory_space<vmem>>
        %dma_start3A_220 = arith.constant 0 : i32
        %dma_start3A_221 = arith.constant 0 : i32
        %dma_start3A_222 = tpu.memref_slice %arg2[%dma_start3A_220, %dma_start3A_221] : memref<10000x128xf32, #tpu.memory_space<hbm>> -> memref<10000x128xf32, #tpu.memory_space<hbm>>
        tpu.enqueue_indirect_dma source(%dma_start3A_222 : memref<10000x128xf32, #tpu.memory_space<hbm>>) target(%arg11 : memref<128x128xf32, #tpu.memory_space<vmem>>) offsets(%dma_start3A_219 : memref<128xi32, #tpu.memory_space<vmem>>) semaphore(%arg13 : memref<!tpu.dma_semaphore, #tpu.memory_space<semaphore_mem>>)
      } else {
      }
      %mul3A_181 = arith.constant 4 : i32
      %mul3A_182 = arith.muli %while3A_112, %mul3A_181 : i32
      %add3A_183 = arith.constant 3 : i32
      %add3A_184 = arith.addi %mul3A_182, %add3A_183 : i32
      %dma_wait3A_185 = arith.constant 0 : i32
      %dma_wait3A_186 = arith.constant 0 : i32
      %dma_wait3A_187 = tpu.memref_slice %arg10[%dma_wait3A_185, %dma_wait3A_186] : memref<2x128xi32, #tpu.memory_space<vmem>> -> memref<1x128xi32, #tpu.memory_space<vmem>>
      %dma_wait3A_188 = tpu.memref_squeeze %dma_wait3A_187 : memref<1x128xi32, #tpu.memory_space<vmem>> -> memref<128xi32, #tpu.memory_space<vmem>>
      %dma_wait3A_189 = arith.constant 0 : i32
      %dma_wait3A_190 = arith.constant 0 : i32
      %dma_wait3A_191 = tpu.memref_slice %arg2[%dma_wait3A_189, %dma_wait3A_190] : memref<10000x128xf32, #tpu.memory_space<hbm>> -> memref<10000x128xf32, #tpu.memory_space<hbm>>
      tpu.wait_indirect_dma semaphore(%arg14 : memref<!tpu.dma_semaphore, #tpu.memory_space<semaphore_mem>>) src(%dma_wait3A_191 : memref<10000x128xf32, #tpu.memory_space<hbm>>) dst(%arg12 : memref<128x128xf32, #tpu.memory_space<vmem>>)
      %run_scoped3A_192 = arith.constant 1 : i32
      "tpu.region"() ({
        %run_scoped3A_205 = tpu.sem_alloc : memref<!tpu.dma_semaphore, #tpu.memory_space<semaphore_mem>>
        %dma_start3A_206 = arith.constant 0 : i32
        %dma_start3A_207 = tpu.memref_slice %arg10[%run_scoped3A_192, %dma_start3A_206] : memref<2x128xi32, #tpu.memory_space<vmem>> -> memref<1x128xi32, #tpu.memory_space<vmem>>
        %dma_start3A_208 = tpu.memref_squeeze %dma_start3A_207 : memref<1x128xi32, #tpu.memory_space<vmem>> -> memref<128xi32, #tpu.memory_space<vmem>>
        %dma_start3A_209 = arith.constant 0 : i32
        %dma_start3A_210 = arith.constant 0 : i32
        %dma_start3A_211 = tpu.memref_slice %arg6[%dma_start3A_209, %dma_start3A_210] : memref<10112x128xf32, #tpu.memory_space<vmem_shared>> -> memref<10112x128xf32, #tpu.memory_space<vmem_shared>>
        tpu.enqueue_indirect_dma source(%arg12 : memref<128x128xf32, #tpu.memory_space<vmem>>) target(%dma_start3A_211 : memref<10112x128xf32, #tpu.memory_space<vmem_shared>>) offsets(%dma_start3A_208 : memref<128xi32, #tpu.memory_space<vmem>>) semaphore(%run_scoped3A_205 : memref<!tpu.dma_semaphore, #tpu.memory_space<semaphore_mem>>) {add = true}
        %dma_wait3A_212 = arith.constant 0 : i32
        %dma_wait3A_213 = tpu.memref_slice %arg10[%run_scoped3A_192, %dma_wait3A_212] : memref<2x128xi32, #tpu.memory_space<vmem>> -> memref<1x128xi32, #tpu.memory_space<vmem>>
        %dma_wait3A_214 = tpu.memref_squeeze %dma_wait3A_213 : memref<1x128xi32, #tpu.memory_space<vmem>> -> memref<128xi32, #tpu.memory_space<vmem>>
        %dma_wait3A_215 = arith.constant 0 : i32
        %dma_wait3A_216 = arith.constant 0 : i32
        %dma_wait3A_217 = tpu.memref_slice %arg6[%dma_wait3A_215, %dma_wait3A_216] : memref<10112x128xf32, #tpu.memory_space<vmem_shared>> -> memref<10112x128xf32, #tpu.memory_space<vmem_shared>>
        tpu.wait_indirect_dma semaphore(%run_scoped3A_205 : memref<!tpu.dma_semaphore, #tpu.memory_space<semaphore_mem>>) src(%arg12 : memref<128x128xf32, #tpu.memory_space<vmem>>) dst(%dma_wait3A_217 : memref<10112x128xf32, #tpu.memory_space<vmem_shared>>)
        tpu.yield
      }) : () -> ()
      %add3A_193 = arith.constant 4 : i32
      %add3A_194 = arith.addi %add3A_184, %add3A_193 : i32
      %lt3A_195 = arith.cmpi slt, %add3A_194, %select_n3A : i32
      %convert_element_type3A_196 = arith.extui %lt3A_195 : i1 to i32
      %cond3A_197 = arith.constant 0 : i32
      %cond3A_198 = arith.cmpi ne, %convert_element_type3A_196, %cond3A_197 : i32
      scf.if %cond3A_198 {
        %add3A_205 = arith.constant 4 : i32
        %add3A_206 = arith.addi %add3A_184, %add3A_205 : i32
        %add3A_207 = arith.addi %add3A, %add3A_206 : i32
        %dma_start3A_208 = arith.constant 0 : i32
        %dma_start3A_209 = arith.constant 0 : i32
        %dma_start3A_210 = tpu.memref_slice %arg3[%add3A_207, %dma_start3A_208, %dma_start3A_209] : memref<2560x2x128xi32, #tpu.memory_space<hbm>> -> memref<1x2x128xi32, #tpu.memory_space<hbm>>
        %dma_start3A_211 = tpu.memref_squeeze %dma_start3A_210 : memref<1x2x128xi32, #tpu.memory_space<hbm>> -> memref<2x128xi32, #tpu.memory_space<hbm>>
        %dma_start3A_212 = arith.constant 0 : i32
        %dma_start3A_213 = arith.constant 0 : i32
        %dma_start3A_214 = tpu.memref_slice %arg3[%add3A_207, %dma_start3A_212, %dma_start3A_213] : memref<2560x2x128xi32, #tpu.memory_space<hbm>> -> memref<1x2x128xi32, #tpu.memory_space<hbm>>
        %dma_start3A_215 = tpu.memref_squeeze %dma_start3A_214 : memref<1x2x128xi32, #tpu.memory_space<hbm>> -> memref<2x128xi32, #tpu.memory_space<hbm>>
        tpu.enqueue_dma source(%dma_start3A_215 : memref<2x128xi32, #tpu.memory_space<hbm>>) target(%arg10 : memref<2x128xi32, #tpu.memory_space<vmem>>) target_semaphore(%arg18 : memref<!tpu.dma_semaphore, #tpu.memory_space<semaphore_mem>>)
      } else {
      }
      %add3A_199 = arith.constant 2 : i32
      %add3A_200 = arith.addi %add3A_184, %add3A_199 : i32
      %lt3A_201 = arith.cmpi slt, %add3A_200, %select_n3A : i32
      %convert_element_type3A_202 = arith.extui %lt3A_201 : i1 to i32
      %cond3A_203 = arith.constant 0 : i32
      %cond3A_204 = arith.cmpi ne, %convert_element_type3A_202, %cond3A_203 : i32
      scf.if %cond3A_204 {
        %add3A_205 = arith.constant 2 : i32
        %add3A_206 = arith.addi %add3A_184, %add3A_205 : i32
        %add3A_207 = arith.addi %add3A, %add3A_206 : i32
        %dma_wait3A_208 = arith.constant 0 : i32
        %dma_wait3A_209 = arith.constant 0 : i32
        %dma_wait3A_210 = tpu.memref_slice %arg3[%add3A_207, %dma_wait3A_208, %dma_wait3A_209] : memref<2560x2x128xi32, #tpu.memory_space<hbm>> -> memref<1x2x128xi32, #tpu.memory_space<hbm>>
        %dma_wait3A_211 = tpu.memref_squeeze %dma_wait3A_210 : memref<1x2x128xi32, #tpu.memory_space<hbm>> -> memref<2x128xi32, #tpu.memory_space<hbm>>
        %dma_wait3A_212 = arith.constant 0 : i32
        %dma_wait3A_213 = arith.constant 0 : i32
        %dma_wait3A_214 = tpu.memref_slice %arg3[%add3A_207, %dma_wait3A_212, %dma_wait3A_213] : memref<2560x2x128xi32, #tpu.memory_space<hbm>> -> memref<1x2x128xi32, #tpu.memory_space<hbm>>
        %dma_wait3A_215 = tpu.memref_squeeze %dma_wait3A_214 : memref<1x2x128xi32, #tpu.memory_space<hbm>> -> memref<2x128xi32, #tpu.memory_space<hbm>>
        tpu.wait_dma2 semaphore(%arg16 : memref<!tpu.dma_semaphore, #tpu.memory_space<semaphore_mem>>) src(%dma_wait3A_215 : memref<2x128xi32, #tpu.memory_space<hbm>>) dst(%arg8 : memref<2x128xi32, #tpu.memory_space<vmem>>)
        %dma_start3A_216 = arith.constant 0 : i32
        %dma_start3A_217 = arith.constant 0 : i32
        %dma_start3A_218 = tpu.memref_slice %arg8[%dma_start3A_216, %dma_start3A_217] : memref<2x128xi32, #tpu.memory_space<vmem>> -> memref<1x128xi32, #tpu.memory_space<vmem>>
        %dma_start3A_219 = tpu.memref_squeeze %dma_start3A_218 : memref<1x128xi32, #tpu.memory_space<vmem>> -> memref<128xi32, #tpu.memory_space<vmem>>
        %dma_start3A_220 = arith.constant 0 : i32
        %dma_start3A_221 = arith.constant 0 : i32
        %dma_start3A_222 = tpu.memref_slice %arg2[%dma_start3A_220, %dma_start3A_221] : memref<10000x128xf32, #tpu.memory_space<hbm>> -> memref<10000x128xf32, #tpu.memory_space<hbm>>
        tpu.enqueue_indirect_dma source(%dma_start3A_222 : memref<10000x128xf32, #tpu.memory_space<hbm>>) target(%arg12 : memref<128x128xf32, #tpu.memory_space<vmem>>) offsets(%dma_start3A_219 : memref<128xi32, #tpu.memory_space<vmem>>) semaphore(%arg14 : memref<!tpu.dma_semaphore, #tpu.memory_space<semaphore_mem>>)
      } else {
      }
    }
    %barrier3A = arith.constant 0 : index
    tpu.barrier barrier_id(%barrier3A)
    %mul3A_108 = arith.constant 632 : i32
    %mul3A_109 = arith.muli %arg1, %mul3A_108 : i32
    %mul3A_110 = arith.constant 632 : i32
    %mul3A_111 = arith.muli %arg1, %mul3A_110 : i32
    "tpu.region"() ({
      %run_scoped3A = tpu.sem_alloc : memref<!tpu.dma_semaphore, #tpu.memory_space<semaphore_mem>>
      %dma_start3A_112 = arith.constant 0 : i32
      %dma_start3A_113 = tpu.memref_slice %arg5[%arg0, %mul3A_111, %dma_start3A_112] : memref<2x10112x128xf32, #tpu.memory_space<hbm>> -> memref<1x632x128xf32, #tpu.memory_space<hbm>>
      %dma_start3A_114 = tpu.memref_squeeze %dma_start3A_113 : memref<1x632x128xf32, #tpu.memory_space<hbm>> -> memref<632x128xf32, #tpu.memory_space<hbm>>
      %dma_start3A_115 = arith.constant 0 : i32
      %dma_start3A_116 = tpu.memref_slice %arg6[%mul3A_109, %dma_start3A_115] : memref<10112x128xf32, #tpu.memory_space<vmem_shared>> -> memref<632x128xf32, #tpu.memory_space<vmem_shared>>
      tpu.enqueue_dma source(%dma_start3A_116 : memref<632x128xf32, #tpu.memory_space<vmem_shared>>) target(%dma_start3A_114 : memref<632x128xf32, #tpu.memory_space<hbm>>) target_semaphore(%run_scoped3A : memref<!tpu.dma_semaphore, #tpu.memory_space<semaphore_mem>>)
      %dma_wait3A_117 = arith.constant 0 : i32
      %dma_wait3A_118 = tpu.memref_slice %arg5[%arg0, %mul3A_111, %dma_wait3A_117] : memref<2x10112x128xf32, #tpu.memory_space<hbm>> -> memref<1x632x128xf32, #tpu.memory_space<hbm>>
      %dma_wait3A_119 = tpu.memref_squeeze %dma_wait3A_118 : memref<1x632x128xf32, #tpu.memory_space<hbm>> -> memref<632x128xf32, #tpu.memory_space<hbm>>
      %dma_wait3A_120 = arith.constant 0 : i32
      %dma_wait3A_121 = tpu.memref_slice %arg6[%mul3A_109, %dma_wait3A_120] : memref<10112x128xf32, #tpu.memory_space<vmem_shared>> -> memref<632x128xf32, #tpu.memory_space<vmem_shared>>
      tpu.wait_dma2 semaphore(%run_scoped3A : memref<!tpu.dma_semaphore, #tpu.memory_space<semaphore_mem>>) src(%dma_wait3A_121 : memref<632x128xf32, #tpu.memory_space<vmem_shared>>) dst(%dma_wait3A_119 : memref<632x128xf32, #tpu.memory_space<hbm>>)
      tpu.yield
    }) : () -> ()
    return
  }
}

module attributes {stable_mosaic.version = 14 : i64} {
  func.func @_y1_body(%arg0: i32, %arg1: memref<1000x128xf32, #tpu.memory_space<vmem>>, %arg2: memref<1000x128xf32, #tpu.memory_space<vmem>>, %arg3: memref<1000x128xf32, #tpu.memory_space<vmem>>, %arg4: memref<128x128xf32, #tpu.memory_space<vmem>>, %arg5: memref<1000x128xf32, #tpu.memory_space<vmem>>) attributes {dimension_semantics = [#tpu.dimension_semantics<arbitrary>], iteration_bounds = array<i64: 10>, scalar_prefetch = 0 : i64, scratch_operands = 0 : i64, tpu.core_type = #tpu.core_type<tc>, window_params = [{transform_indices = @transform_0, window_bounds = array<i64: 1000, 128>}, {transform_indices = @transform_1, window_bounds = array<i64: 1000, 128>}, {transform_indices = @transform_2, window_bounds = array<i64: 1000, 128>}, {pipeline_mode = #tpu.pipeline_mode<synchronous>, transform_indices = @transform_3, window_bounds = array<i64: 128, 128>}, {transform_indices = @transform_4, window_bounds = array<i64: 1000, 128>}]} {
    %get3A = arith.constant 0 : index
    %get3A_0 = arith.constant 0 : index
    %get3A_1 = vector.load %arg1[%get3A, %get3A_0] : memref<1000x128xf32, #tpu.memory_space<vmem>>, vector<1000x1xf32>
    %get3A_2 = arith.constant 0 : index
    %get3A_3 = arith.constant 0 : index
    %get3A_4 = vector.load %arg2[%get3A_2, %get3A_3] : memref<1000x128xf32, #tpu.memory_space<vmem>>, vector<1000x1xf32>
    %add3A = arith.addf %get3A_1, %get3A_4 : vector<1000x1xf32>
    %add3A_5 = arith.constant 1.000000e+00 : f32
    %add3A_6 = vector.broadcast %add3A_5 : f32 to vector<1000x1xf32>
    %add3A_7 = arith.addf %add3A, %add3A_6 : vector<1000x1xf32>
    %rsqrt3A = math.rsqrt %add3A_7 : vector<1000x1xf32>
    %get3A_8 = arith.constant 0 : index
    %get3A_9 = arith.constant 0 : index
    %get3A_10 = vector.load %arg3[%get3A_8, %get3A_9] : memref<1000x128xf32, #tpu.memory_space<vmem>>, vector<1000x128xf32>
    %get3A_11 = arith.constant 0 : index
    %get3A_12 = arith.constant 0 : index
    %get3A_13 = vector.load %arg4[%get3A_11, %get3A_12] : memref<128x128xf32, #tpu.memory_space<vmem>>, vector<128x128xf32>
    %dot_general3A = arith.constant dense<0.000000e+00> : vector<1000x128xf32>
    %dot_general3A_14 = tpu.matmul %get3A_10, %get3A_13, %dot_general3A {dimension_numbers = #tpu.dot_dimension_numbers<[1], [0], [0], [1], [0, 0, 1, 1], [], []>, transpose_lhs_hint = false} : vector<1000x128xf32>, vector<128x128xf32>, vector<1000x128xf32> -> vector<1000x128xf32>
    %mul3A = vector.broadcast %rsqrt3A : vector<1000x1xf32> to vector<1000x128xf32>
    %mul3A_15 = arith.mulf %dot_general3A_14, %mul3A : vector<1000x128xf32>
    %swap3A = arith.constant 0 : index
    %swap3A_16 = arith.constant 0 : index
    %swap3A_17 = vector.load %arg5[%swap3A, %swap3A_16] : memref<1000x128xf32, #tpu.memory_space<vmem>>, vector<1000x128xf32>
    tpu.vector_store %arg5[%swap3A, %swap3A_16], %mul3A_15 {strides = array<i32>} : memref<1000x128xf32, #tpu.memory_space<vmem>>, vector<1000x128xf32>,
    return
  }
  func.func @transform_0(%arg0: i32) -> (i32, i32) {
    %c0_i32 = arith.constant 0 : i32
    %c0_i32_0 = arith.constant 0 : i32
    return %arg0, %c0_i32 : i32, i32
  }
  func.func @transform_1(%arg0: i32) -> (i32, i32) {
    %c0_i32 = arith.constant 0 : i32
    %c0_i32_0 = arith.constant 0 : i32
    return %arg0, %c0_i32 : i32, i32
  }
  func.func @transform_2(%arg0: i32) -> (i32, i32) {
    %c0_i32 = arith.constant 0 : i32
    %c0_i32_0 = arith.constant 0 : i32
    return %arg0, %c0_i32 : i32, i32
  }
  func.func @transform_3(%arg0: i32) -> (i32, i32) {
    %c0_i32 = arith.constant 0 : i32
    %c0_i32_0 = arith.constant 0 : i32
    %c0_i32_1 = arith.constant 0 : i32
    return %c0_i32, %c0_i32_0 : i32, i32
  }
  func.func @transform_4(%arg0: i32) -> (i32, i32) {
    %c0_i32 = arith.constant 0 : i32
    %c0_i32_0 = arith.constant 0 : i32
    return %arg0, %c0_i32 : i32, i32
  }
}

module attributes {stable_mosaic.version = 14 : i64} {
  func.func @_y2_body(%arg0: i32, %arg1: memref<1000x128xf32, #tpu.memory_space<vmem>>, %arg2: memref<1000x128xf32, #tpu.memory_space<vmem>>, %arg3: memref<1000x128xf32, #tpu.memory_space<vmem>>, %arg4: memref<1000x128xf32, #tpu.memory_space<vmem>>, %arg5: memref<1000x128xf32, #tpu.memory_space<vmem>>, %arg6: memref<128x128xf32, #tpu.memory_space<vmem>>, %arg7: memref<1x128xf32, #tpu.memory_space<vmem>>, %arg8: memref<1000x128xf32, #tpu.memory_space<vmem>>) attributes {dimension_semantics = [#tpu.dimension_semantics<arbitrary>], iteration_bounds = array<i64: 10>, scalar_prefetch = 0 : i64, scratch_operands = 0 : i64, tpu.core_type = #tpu.core_type<tc>, window_params = [{transform_indices = @transform_0, window_bounds = array<i64: 1000, 128>}, {transform_indices = @transform_1, window_bounds = array<i64: 1000, 128>}, {transform_indices = @transform_2, window_bounds = array<i64: 1000, 128>}, {transform_indices = @transform_3, window_bounds = array<i64: 1000, 128>}, {transform_indices = @transform_4, window_bounds = array<i64: 1000, 128>}, {pipeline_mode = #tpu.pipeline_mode<synchronous>, transform_indices = @transform_5, window_bounds = array<i64: 128, 128>}, {pipeline_mode = #tpu.pipeline_mode<synchronous>, transform_indices = @transform_6, window_bounds = array<i64: 1, 128>}, {transform_indices = @transform_7, window_bounds = array<i64: 1000, 128>}]} {
    %get3A = arith.constant 0 : index
    %get3A_0 = arith.constant 0 : index
    %get3A_1 = vector.load %arg1[%get3A, %get3A_0] : memref<1000x128xf32, #tpu.memory_space<vmem>>, vector<1000x1xf32>
    %get3A_2 = arith.constant 0 : index
    %get3A_3 = arith.constant 0 : index
    %get3A_4 = vector.load %arg2[%get3A_2, %get3A_3] : memref<1000x128xf32, #tpu.memory_space<vmem>>, vector<1000x1xf32>
    %add3A = arith.addf %get3A_1, %get3A_4 : vector<1000x1xf32>
    %add3A_5 = arith.constant 1.000000e+00 : f32
    %add3A_6 = vector.broadcast %add3A_5 : f32 to vector<1000x1xf32>
    %add3A_7 = arith.addf %add3A, %add3A_6 : vector<1000x1xf32>
    %rsqrt3A = math.rsqrt %add3A_7 : vector<1000x1xf32>
    %get3A_8 = arith.constant 0 : index
    %get3A_9 = arith.constant 0 : index
    %get3A_10 = vector.load %arg3[%get3A_8, %get3A_9] : memref<1000x128xf32, #tpu.memory_space<vmem>>, vector<1000x128xf32>
    %get3A_11 = arith.constant 0 : index
    %get3A_12 = arith.constant 0 : index
    %get3A_13 = vector.load %arg4[%get3A_11, %get3A_12] : memref<1000x128xf32, #tpu.memory_space<vmem>>, vector<1000x128xf32>
    %add3A_14 = arith.addf %get3A_10, %get3A_13 : vector<1000x128xf32>
    %get3A_15 = arith.constant 0 : index
    %get3A_16 = arith.constant 0 : index
    %get3A_17 = vector.load %arg5[%get3A_15, %get3A_16] : memref<1000x128xf32, #tpu.memory_space<vmem>>, vector<1000x128xf32>
    %add3A_18 = arith.addf %add3A_14, %get3A_17 : vector<1000x128xf32>
    %mul3A = vector.broadcast %rsqrt3A : vector<1000x1xf32> to vector<1000x128xf32>
    %mul3A_19 = arith.mulf %mul3A, %add3A_18 : vector<1000x128xf32>
    %get3A_20 = arith.constant 0 : index
    %get3A_21 = arith.constant 0 : index
    %get3A_22 = vector.load %arg7[%get3A_20, %get3A_21] : memref<1x128xf32, #tpu.memory_space<vmem>>, vector<1x128xf32>
    %add3A_23 = vector.broadcast %get3A_22 : vector<1x128xf32> to vector<1000x128xf32>
    %add3A_24 = arith.addf %mul3A_19, %add3A_23 : vector<1000x128xf32>
    %max3A = arith.constant 0.000000e+00 : f32
    %max3A_25 = vector.broadcast %max3A : f32 to vector<1000x128xf32>
    %max3A_26 = arith.maximumf %add3A_24, %max3A_25 : vector<1000x128xf32>
    %get3A_27 = arith.constant 0 : index
    %get3A_28 = arith.constant 0 : index
    %get3A_29 = vector.load %arg6[%get3A_27, %get3A_28] : memref<128x128xf32, #tpu.memory_space<vmem>>, vector<128x128xf32>
    %dot_general3A = arith.constant dense<0.000000e+00> : vector<1000x128xf32>
    %dot_general3A_30 = tpu.matmul %max3A_26, %get3A_29, %dot_general3A {dimension_numbers = #tpu.dot_dimension_numbers<[1], [0], [0], [1], [0, 0, 1, 1], [], []>, transpose_lhs_hint = false} : vector<1000x128xf32>, vector<128x128xf32>, vector<1000x128xf32> -> vector<1000x128xf32>
    %mul3A_31 = vector.broadcast %rsqrt3A : vector<1000x1xf32> to vector<1000x128xf32>
    %mul3A_32 = arith.mulf %dot_general3A_30, %mul3A_31 : vector<1000x128xf32>
    %swap3A = arith.constant 0 : index
    %swap3A_33 = arith.constant 0 : index
    %swap3A_34 = vector.load %arg8[%swap3A, %swap3A_33] : memref<1000x128xf32, #tpu.memory_space<vmem>>, vector<1000x128xf32>
    tpu.vector_store %arg8[%swap3A, %swap3A_33], %mul3A_32 {strides = array<i32>} : memref<1000x128xf32, #tpu.memory_space<vmem>>, vector<1000x128xf32>,
    return
  }
  func.func @transform_0(%arg0: i32) -> (i32, i32) {
    %c0_i32 = arith.constant 0 : i32
    %c0_i32_0 = arith.constant 0 : i32
    return %arg0, %c0_i32 : i32, i32
  }
  func.func @transform_1(%arg0: i32) -> (i32, i32) {
    %c0_i32 = arith.constant 0 : i32
    %c0_i32_0 = arith.constant 0 : i32
    return %arg0, %c0_i32 : i32, i32
  }
  func.func @transform_2(%arg0: i32) -> (i32, i32) {
    %c0_i32 = arith.constant 0 : i32
    %c0_i32_0 = arith.constant 0 : i32
    return %arg0, %c0_i32 : i32, i32
  }
  func.func @transform_3(%arg0: i32) -> (i32, i32) {
    %c0_i32 = arith.constant 0 : i32
    %c0_i32_0 = arith.constant 0 : i32
    return %arg0, %c0_i32 : i32, i32
  }
  func.func @transform_4(%arg0: i32) -> (i32, i32) {
    %c0_i32 = arith.constant 0 : i32
    %c0_i32_0 = arith.constant 0 : i32
    return %arg0, %c0_i32 : i32, i32
  }
  func.func @transform_5(%arg0: i32) -> (i32, i32) {
    %c0_i32 = arith.constant 0 : i32
    %c0_i32_0 = arith.constant 0 : i32
    %c0_i32_1 = arith.constant 0 : i32
    return %c0_i32, %c0_i32_0 : i32, i32
  }
  func.func @transform_6(%arg0: i32) -> (i32, i32) {
    %c0_i32 = arith.constant 0 : i32
    %c0_i32_0 = arith.constant 0 : i32
    %c0_i32_1 = arith.constant 0 : i32
    return %c0_i32, %c0_i32_0 : i32, i32
  }
  func.func @transform_7(%arg0: i32) -> (i32, i32) {
    %c0_i32 = arith.constant 0 : i32
    %c0_i32_0 = arith.constant 0 : i32
    return %arg0, %c0_i32 : i32, i32
  }
}

module attributes {stable_mosaic.version = 14 : i64} {
  func.func @_head_body(%arg0: i32, %arg1: memref<1000x128xf32, #tpu.memory_space<vmem>>, %arg2: memref<1000x128xf32, #tpu.memory_space<vmem>>, %arg3: memref<1000x128xf32, #tpu.memory_space<vmem>>, %arg4: memref<1000x128xf32, #tpu.memory_space<vmem>>, %arg5: memref<1000x128xf32, #tpu.memory_space<vmem>>, %arg6: memref<1x128xf32, #tpu.memory_space<vmem>>, %arg7: memref<1x1x1000xi32, #tpu.memory_space<vmem>>, %arg8: memref<128x128xf32, #tpu.memory_space<vmem>>, %arg9: memref<1x128xf32, #tpu.memory_space<vmem>>, %arg10: memref<64x128xf32, #tpu.memory_space<vmem>>, %arg11: memref<64x128xf32, #tpu.memory_space<vmem>>, %arg12: memref<64x128xf32, #tpu.memory_space<vmem>>) attributes {dimension_semantics = [#tpu.dimension_semantics<arbitrary>], iteration_bounds = array<i64: 10>, scalar_prefetch = 0 : i64, scratch_operands = 2 : i64, tpu.core_type = #tpu.core_type<tc>, window_params = [{transform_indices = @transform_0, window_bounds = array<i64: 1000, 128>}, {transform_indices = @transform_1, window_bounds = array<i64: 1000, 128>}, {transform_indices = @transform_2, window_bounds = array<i64: 1000, 128>}, {transform_indices = @transform_3, window_bounds = array<i64: 1000, 128>}, {transform_indices = @transform_4, window_bounds = array<i64: 1000, 128>}, {pipeline_mode = #tpu.pipeline_mode<synchronous>, transform_indices = @transform_5, window_bounds = array<i64: 1, 128>}, {transform_indices = @transform_6, window_bounds = array<i64: 1, 1, 1000>}, {pipeline_mode = #tpu.pipeline_mode<synchronous>, transform_indices = @transform_7, window_bounds = array<i64: 128, 128>}, {pipeline_mode = #tpu.pipeline_mode<synchronous>, transform_indices = @transform_8, window_bounds = array<i64: 1, 128>}, {pipeline_mode = #tpu.pipeline_mode<synchronous>, transform_indices = @transform_9, window_bounds = array<i64: 64, 128>}]} {
    %eq3A = arith.constant 0 : i32
    %eq3A_0 = arith.cmpi eq, %arg0, %eq3A : i32
    %convert_element_type3A = arith.extui %eq3A_0 : i1 to i32
    %cond3A = arith.constant 0 : i32
    %cond3A_1 = arith.cmpi ne, %convert_element_type3A, %cond3A : i32
    scf.if %cond3A_1 {
      %broadcast_in_dim3A_62 = arith.constant 0.000000e+00 : f32
      %broadcast_in_dim3A_63 = vector.broadcast %broadcast_in_dim3A_62 : f32 to vector<64x128xf32>
      %swap3A_64 = arith.constant 0 : index
      %swap3A_65 = arith.constant 0 : index
      %swap3A_66 = vector.load %arg11[%swap3A_64, %swap3A_65] : memref<64x128xf32, #tpu.memory_space<vmem>>, vector<64x128xf32>
      tpu.vector_store %arg11[%swap3A_64, %swap3A_65], %broadcast_in_dim3A_63 {strides = array<i32>} : memref<64x128xf32, #tpu.memory_space<vmem>>, vector<64x128xf32>,
      %broadcast_in_dim3A_67 = arith.constant 0.000000e+00 : f32
      %broadcast_in_dim3A_68 = vector.broadcast %broadcast_in_dim3A_67 : f32 to vector<64x128xf32>
      %swap3A_69 = arith.constant 0 : index
      %swap3A_70 = arith.constant 0 : index
      %swap3A_71 = vector.load %arg12[%swap3A_69, %swap3A_70] : memref<64x128xf32, #tpu.memory_space<vmem>>, vector<64x128xf32>
      tpu.vector_store %arg12[%swap3A_69, %swap3A_70], %broadcast_in_dim3A_68 {strides = array<i32>} : memref<64x128xf32, #tpu.memory_space<vmem>>, vector<64x128xf32>,
    } else {
    }
    %get3A = arith.constant 0 : index
    %get3A_2 = arith.constant 0 : index
    %get3A_3 = vector.load %arg1[%get3A, %get3A_2] : memref<1000x128xf32, #tpu.memory_space<vmem>>, vector<1000x1xf32>
    %get3A_4 = arith.constant 0 : index
    %get3A_5 = arith.constant 0 : index
    %get3A_6 = vector.load %arg2[%get3A_4, %get3A_5] : memref<1000x128xf32, #tpu.memory_space<vmem>>, vector<1000x1xf32>
    %add3A = arith.addf %get3A_3, %get3A_6 : vector<1000x1xf32>
    %add3A_7 = arith.constant 1.000000e+00 : f32
    %add3A_8 = vector.broadcast %add3A_7 : f32 to vector<1000x1xf32>
    %add3A_9 = arith.addf %add3A, %add3A_8 : vector<1000x1xf32>
    %rsqrt3A = math.rsqrt %add3A_9 : vector<1000x1xf32>
    %get3A_10 = arith.constant 0 : index
    %get3A_11 = arith.constant 0 : index
    %get3A_12 = vector.load %arg3[%get3A_10, %get3A_11] : memref<1000x128xf32, #tpu.memory_space<vmem>>, vector<1000x128xf32>
    %get3A_13 = arith.constant 0 : index
    %get3A_14 = arith.constant 0 : index
    %get3A_15 = vector.load %arg4[%get3A_13, %get3A_14] : memref<1000x128xf32, #tpu.memory_space<vmem>>, vector<1000x128xf32>
    %add3A_16 = arith.addf %get3A_12, %get3A_15 : vector<1000x128xf32>
    %get3A_17 = arith.constant 0 : index
    %get3A_18 = arith.constant 0 : index
    %get3A_19 = vector.load %arg5[%get3A_17, %get3A_18] : memref<1000x128xf32, #tpu.memory_space<vmem>>, vector<1000x128xf32>
    %add3A_20 = arith.addf %add3A_16, %get3A_19 : vector<1000x128xf32>
    %mul3A = vector.broadcast %rsqrt3A : vector<1000x1xf32> to vector<1000x128xf32>
    %mul3A_21 = arith.mulf %mul3A, %add3A_20 : vector<1000x128xf32>
    %get3A_22 = arith.constant 0 : index
    %get3A_23 = arith.constant 0 : index
    %get3A_24 = vector.load %arg6[%get3A_22, %get3A_23] : memref<1x128xf32, #tpu.memory_space<vmem>>, vector<1x128xf32>
    %add3A_25 = vector.broadcast %get3A_24 : vector<1x128xf32> to vector<1000x128xf32>
    %add3A_26 = arith.addf %mul3A_21, %add3A_25 : vector<1000x128xf32>
    %max3A = arith.constant 0.000000e+00 : f32
    %max3A_27 = vector.broadcast %max3A : f32 to vector<1000x128xf32>
    %max3A_28 = arith.maximumf %add3A_26, %max3A_27 : vector<1000x128xf32>
    %get3A_29 = arith.constant 0 : index
    %get3A_30 = arith.constant 0 : index
    %get3A_31 = arith.constant 0 : index
    %get3A_32 = vector.load %arg7[%get3A_29, %get3A_30, %get3A_31] : memref<1x1x1000xi32, #tpu.memory_space<vmem>>, vector<1x1x1000xi32>
    %get3A_33 = vector.shape_cast %get3A_32 : vector<1x1x1000xi32> to vector<1000xi32>
    %iota3A = tpu.iota {dimensions = array<i32: 0>} : vector<64x1000xi32>
    %broadcast_in_dim3A = vector.shape_cast %get3A_33 : vector<1000xi32> to vector<1x1000xi32>
    %eq3A_34 = vector.broadcast %broadcast_in_dim3A : vector<1x1000xi32> to vector<64x1000xi32>
    %eq3A_35 = arith.cmpi eq, %eq3A_34, %iota3A : vector<64x1000xi32>
    %jit3A = arith.constant 1.000000e+00 : f32
    %jit3A_36 = arith.constant 0.000000e+00 : f32
    %broadcast_in_dim3A_37 = vector.broadcast %jit3A : f32 to vector<64x1000xf32>
    %broadcast_in_dim3A_38 = vector.broadcast %jit3A_36 : f32 to vector<64x1000xf32>
    %select_n3A = arith.select %eq3A_35, %broadcast_in_dim3A_37, %broadcast_in_dim3A_38 : vector<64x1000xi1>, vector<64x1000xf32>
    %get3A_39 = arith.constant 0 : index
    %get3A_40 = arith.constant 0 : index
    %get3A_41 = vector.load %arg11[%get3A_39, %get3A_40] : memref<64x128xf32, #tpu.memory_space<vmem>>, vector<64x128xf32>
    %dot_general3A = arith.constant dense<0.000000e+00> : vector<64x128xf32>
    %dot_general3A_42 = tpu.matmul %select_n3A, %max3A_28, %dot_general3A {dimension_numbers = #tpu.dot_dimension_numbers<[1], [0], [0], [1], [0, 0, 1, 1], [], []>, transpose_lhs_hint = false} : vector<64x1000xf32>, vector<1000x128xf32>, vector<64x128xf32> -> vector<64x128xf32>
    %add3A_43 = arith.addf %get3A_41, %dot_general3A_42 : vector<64x128xf32>
    %swap3A = arith.constant 0 : index
    %swap3A_44 = arith.constant 0 : index
    %swap3A_45 = vector.load %arg11[%swap3A, %swap3A_44] : memref<64x128xf32, #tpu.memory_space<vmem>>, vector<64x128xf32>
    tpu.vector_store %arg11[%swap3A, %swap3A_44], %add3A_43 {strides = array<i32>} : memref<64x128xf32, #tpu.memory_space<vmem>>, vector<64x128xf32>,
    %get3A_46 = arith.constant 0 : index
    %get3A_47 = arith.constant 0 : index
    %get3A_48 = vector.load %arg12[%get3A_46, %get3A_47] : memref<64x128xf32, #tpu.memory_space<vmem>>, vector<64x128xf32>
    %reduce_sum3A = arith.constant dense<0.000000e+00> : vector<64xf32>
    %reduce_sum3A_49 = vector.multi_reduction <add>, %select_n3A, %reduce_sum3A [1] : vector<64x1000xf32> to vector<64xf32>
    %broadcast_in_dim3A_50 = vector.shape_cast %reduce_sum3A_49 : vector<64xf32> to vector<64x1xf32>
    %broadcast_in_dim3A_51 = vector.shape_cast %broadcast_in_dim3A_50 : vector<64x1xf32> to vector<64x1xf32>
    %broadcast_in_dim3A_52 = vector.broadcast %broadcast_in_dim3A_51 : vector<64x1xf32> to vector<64x128xf32>
    %add3A_53 = arith.addf %get3A_48, %broadcast_in_dim3A_52 : vector<64x128xf32>
    %swap3A_54 = arith.constant 0 : index
    %swap3A_55 = arith.constant 0 : index
    %swap3A_56 = vector.load %arg12[%swap3A_54, %swap3A_55] : memref<64x128xf32, #tpu.memory_space<vmem>>, vector<64x128xf32>
    tpu.vector_store %arg12[%swap3A_54, %swap3A_55], %add3A_53 {strides = array<i32>} : memref<64x128xf32, #tpu.memory_space<vmem>>, vector<64x128xf32>,
    %eq3A_57 = arith.constant 9 : i32
    %eq3A_58 = arith.cmpi eq, %arg0, %eq3A_57 : i32
    %convert_element_type3A_59 = arith.extui %eq3A_58 : i1 to i32
    %cond3A_60 = arith.constant 0 : i32
    %cond3A_61 = arith.cmpi ne, %convert_element_type3A_59, %cond3A_60 : i32
    scf.if %cond3A_61 {
      %get3A_62 = arith.constant 0 : index
      %get3A_63 = arith.constant 0 : index
      %get3A_64 = vector.load %arg11[%get3A_62, %get3A_63] : memref<64x128xf32, #tpu.memory_space<vmem>>, vector<64x128xf32>
      %get3A_65 = arith.constant 0 : index
      %get3A_66 = arith.constant 0 : index
      %get3A_67 = vector.load %arg12[%get3A_65, %get3A_66] : memref<64x128xf32, #tpu.memory_space<vmem>>, vector<64x128xf32>
      %max3A_68 = arith.constant 1.000000e+00 : f32
      %max3A_69 = vector.broadcast %max3A_68 : f32 to vector<64x128xf32>
      %max3A_70 = arith.maximumf %get3A_67, %max3A_69 : vector<64x128xf32>
      %div3A = arith.divf %get3A_64, %max3A_70 : vector<64x128xf32>
      %get3A_71 = arith.constant 0 : index
      %get3A_72 = arith.constant 0 : index
      %get3A_73 = vector.load %arg8[%get3A_71, %get3A_72] : memref<128x128xf32, #tpu.memory_space<vmem>>, vector<128x128xf32>
      %dot_general3A_74 = arith.constant dense<0.000000e+00> : vector<64x128xf32>
      %dot_general3A_75 = tpu.matmul %div3A, %get3A_73, %dot_general3A_74 {dimension_numbers = #tpu.dot_dimension_numbers<[1], [0], [0], [1], [0, 0, 1, 1], [], []>, transpose_lhs_hint = false} : vector<64x128xf32>, vector<128x128xf32>, vector<64x128xf32> -> vector<64x128xf32>
      %get3A_76 = arith.constant 0 : index
      %get3A_77 = arith.constant 0 : index
      %get3A_78 = vector.load %arg9[%get3A_76, %get3A_77] : memref<1x128xf32, #tpu.memory_space<vmem>>, vector<1x128xf32>
      %add3A_79 = vector.broadcast %get3A_78 : vector<1x128xf32> to vector<64x128xf32>
      %add3A_80 = arith.addf %dot_general3A_75, %add3A_79 : vector<64x128xf32>
      %swap3A_81 = arith.constant 0 : index
      %swap3A_82 = arith.constant 0 : index
      %swap3A_83 = vector.load %arg10[%swap3A_81, %swap3A_82] : memref<64x128xf32, #tpu.memory_space<vmem>>, vector<64x128xf32>
      tpu.vector_store %arg10[%swap3A_81, %swap3A_82], %add3A_80 {strides = array<i32>} : memref<64x128xf32, #tpu.memory_space<vmem>>, vector<64x128xf32>,
    } else {
    }
    return
  }
  func.func @transform_0(%arg0: i32) -> (i32, i32) {
    %c0_i32 = arith.constant 0 : i32
    %c0_i32_0 = arith.constant 0 : i32
    return %arg0, %c0_i32 : i32, i32
  }
  func.func @transform_1(%arg0: i32) -> (i32, i32) {
    %c0_i32 = arith.constant 0 : i32
    %c0_i32_0 = arith.constant 0 : i32
    return %arg0, %c0_i32 : i32, i32
  }
  func.func @transform_2(%arg0: i32) -> (i32, i32) {
    %c0_i32 = arith.constant 0 : i32
    %c0_i32_0 = arith.constant 0 : i32
    return %arg0, %c0_i32 : i32, i32
  }
  func.func @transform_3(%arg0: i32) -> (i32, i32) {
    %c0_i32 = arith.constant 0 : i32
    %c0_i32_0 = arith.constant 0 : i32
    return %arg0, %c0_i32 : i32, i32
  }
  func.func @transform_4(%arg0: i32) -> (i32, i32) {
    %c0_i32 = arith.constant 0 : i32
    %c0_i32_0 = arith.constant 0 : i32
    return %arg0, %c0_i32 : i32, i32
  }
  func.func @transform_5(%arg0: i32) -> (i32, i32) {
    %c0_i32 = arith.constant 0 : i32
    %c0_i32_0 = arith.constant 0 : i32
    %c0_i32_1 = arith.constant 0 : i32
    return %c0_i32, %c0_i32_0 : i32, i32
  }
  func.func @transform_6(%arg0: i32) -> (i32, i32, i32) {
    %c0_i32 = arith.constant 0 : i32
    %c0_i32_0 = arith.constant 0 : i32
    %c0_i32_1 = arith.constant 0 : i32
    return %arg0, %c0_i32, %c0_i32_0 : i32, i32, i32
  }
  func.func @transform_7(%arg0: i32) -> (i32, i32) {
    %c0_i32 = arith.constant 0 : i32
    %c0_i32_0 = arith.constant 0 : i32
    %c0_i32_1 = arith.constant 0 : i32
    return %c0_i32, %c0_i32_0 : i32, i32
  }
  func.func @transform_8(%arg0: i32) -> (i32, i32) {
    %c0_i32 = arith.constant 0 : i32
    %c0_i32_0 = arith.constant 0 : i32
    %c0_i32_1 = arith.constant 0 : i32
    return %c0_i32, %c0_i32_0 : i32, i32
  }
  func.func @transform_9(%arg0: i32) -> (i32, i32) {
    %c0_i32 = arith.constant 0 : i32
    %c0_i32_0 = arith.constant 0 : i32
    %c0_i32_1 = arith.constant 0 : i32
    return %c0_i32, %c0_i32_0 : i32, i32
  }
}

</mosaic_0001>

<sc_bundles>
// kernel: kernel.11.cloned.1.call-start
scs
__scs_entry_jumppad:
0x0: {  	(pc) =	sbr.rel $0x88, $3  }
0x1: {  	(tag) =	ssettag $0x0;
	lr =	simm.s32 $0x1  }
0x2: {  	[smem:$0x3F98] =	sst lr;
	_ =	strace $0xD0000000  }
0x3: {  	_ = 	snop  }
0x4: {  	_ = 	snop  }
0x5: {  	_ = 	snop  }
0x6: {  	_ = 	snop  }
0x7: {  	_ = 	snop  }
__scs_overlays_trampoline_lowered:
0x8: {  	[smem:$0x3FA7] =	sst s0  }
0x9: {  	[smem:$0x3FA8] =	sst s1  }
0xa: {  	[smem:$0x3FA9] =	sst s2  }
0xb: {  	[smem:$0x3FAA] =	sst s3  }
0xc: {  	[smem:$0x3FAB] =	sst s4  }
0xd: {  	[smem:$0x3FAC] =	sst s5  }
0xe: {  	[smem:$0x3FAD] =	sst s6  }
0xf: {  	[smem:$0x3FAE] =	sst s7  }
0x10: {  	[smem:$0x3FAF] =	sst s8  }
0x11: {  	[smem:$0x3FB0] =	sst s9;
	s0 =	simm.s32 @!p0 $0x0  }
0x12: {  	s1 =	sld [smem:$0x3F96];
	s0 =	simm.s32 @p0 $0x1  }
0x13: {  	[smem:$0x3FB1] =	sst s0;
	s0 =	simm.s32 @!p1 $0x0  }
0x14: {  	s2 =	sld [smem:$0x3F95];
	s0 =	simm.s32 @p1 $0x1  }
0x15: {  	[smem:$0x3FB2] =	sst s0;
	s0 =	simm.s32 @!p2 $0x0  }
0x16: {  	s3 =	sld [smem:$0x3FDB];
	s0 =	simm.s32 @p2 $0x1  }
0x17: {  	s4 =	simm.s32 $0x1BF5;
	[smem:$0x3FB4] =	sst s0  }
0x18: {  	s0 =	sld [smem:$0x3F97];
	_ =	swait.ge [sflag:s4], $0x0  }
0x19: {  	s7 =	sld [smem:$0x3F98]  }
0x1a: {  	s8 =	sadd.s32 $0xFFFFE003, lr  }
0x1b: {  	s9 =	sadd.s32 $0xFFFFFEF7, lr;
	s5 =	simm.s32 $0xFFFFFFFF;
	p2 =	slt.u32 s8, $0xFFFFF086  }
0x1c: {  	p1 =	slt.u32 s9, $0xF7A;
	s5 =	simm.s32 @!p2 $0x0  }
0x1d: {  	s5 =	simm.s32 @p1 $0x1;
	p0 =	seq.s32 s7, s2  }
0x1e: {  	s7 =	smul.u32 @!p0 $0xF7A, s2;
	p2 =	seq.s32 @!p0 s5, $0x0  }
0x1f: {  	s9 =	smul.u32 $0xF7A, s1;
	s8 =	simm.s32 @!p0 $0x1BF5;
	p2 =	por !p2, p0  }
0x20: {  	[sflag:s8] =	ssyncset.s32 @!p0 $0xFFFFF086;
	s6 =	sadd.s32 @!p0 s3, s7;
	s7 =	simm.s32 @!p0 $0x108  }
0x21: {  	s3 =	sadd.s32 s3, s9;
	s6 =	sadd.s32 @!p0 $0x88, s6;
	s7 =	simm.s32 @p2 $0x1082  }
0x22: {  	[simem:s7], [sflag:s8] =	dma.local @!p0 [hbm:s6], $0xF7A  }
0x23: {  	s9 =	sor.u32 $0xD0000000, s2;
	s6 =	simm.s32 $0x108;
	_ =	swait.ge @!p0 [sflag:s8], $0x0  }
0x24: {  	s3 =	sadd.s32 $0x88, s3;
	s6 =	simm.s32 @!p1 $0x1082;
	[sflag:s4] =	ssyncset.s32 $0xFFFFF086  }
0x25: {  	[simem:s6], [sflag:s4] =	dma.local [hbm:s3], $0xF7A  }
0x26: {  	[smem:$0x3F98] =	sst s1;
	(tag) =	ssettag s2;
	_ =	strace s9  }
0x27: {  	s1 =	sld [smem:$0x3FA8]  }
0x28: {  	s2 =	sld [smem:$0x3FA9]  }
0x29: {  	s4 =	sld [smem:$0x3FAB]  }
0x2a: {  	p0 =	seq.s32 s5, $0x0;
	s5 =	sld [smem:$0x3FAC]  }
0x2b: {  	s6 =	sld [smem:$0x3FAD]  }
0x2c: {  	s7 =	sld [smem:$0x3FAE]  }
0x2d: {  	s3 =	simm.s32 $0x108;
	s8 =	sld [smem:$0x3FAF]  }
0x2e: {  	s3 =	simm.s32 @!p0 $0x1082;
	s9 =	sld [smem:$0x3FB0]  }
0x2f: {  	lr =	sadd.s32 s0, s3;
	s0 =	sld [smem:$0x3FA7]  }
0x30: {  	s3 =	sld [smem:$0x3FAA]  }
0x31: {  	[smem:$0x3FB3] =	sst s10  }
0x32: {  	s10 =	sld [smem:$0x3FB1];
	_ =	sdelay $0x3  }
0x33: {  	p0 =	seq.s32 s10, $0x1;
	s10 =	sld [smem:$0x3FB3];
	_ =	sdelay $0x3  }
0x34: {  	[smem:$0x3FB3] =	sst s10  }
0x35: {  	s10 =	sld [smem:$0x3FB2];
	_ =	sdelay $0x3  }
0x36: {  	p1 =	seq.s32 s10, $0x1;
	s10 =	sld [smem:$0x3FB3];
	_ =	sdelay $0x3  }
0x37: {  	[smem:$0x3FB3] =	sst s10  }
0x38: {  	s10 =	sld [smem:$0x3FB4]  }
0x39: {  	_ = 	snop;
	(pc) =	sbr.ind lr, $3  }
0x3a: {  	_ = 	snop  }
0x3b: {  	_ = 	snop  }
0x3c: {  	p2 =	seq.s32 s10, $0x1;
	s10 =	sld [smem:$0x3FB3]  }
0x3d: {  	_ =	shalt  }
0x3e: {  	_ =	shalt  }
0x3f: {  	_ =	shalt  }
0x40: {  	_ =	shalt  }
0x41: {  	_ =	shalt  }
0x42: {  	_ =	shalt  }
0x43: {  	_ =	shalt  }
0x44: {  	_ =	shalt  }
0x45: {  	_ =	shalt  }
0x46: {  	_ =	shalt  }
0x47: {  	_ =	shalt  }
0x48: {  	_ =	shalt  }
0x49: {  	_ =	shalt  }
0x4a: {  	_ =	shalt  }
0x4b: {  	_ =	shalt  }
0x4c: {  	_ =	shalt  }
0x4d: {  	_ =	shalt  }
0x4e: {  	_ =	shalt  }
0x4f: {  	_ =	shalt  }
0x50: {  	_ =	shalt  }
0x51: {  	_ =	shalt  }
0x52: {  	_ =	shalt  }
0x53: {  	_ =	shalt  }
0x54: {  	_ =	shalt  }
0x55: {  	_ =	shalt  }
0x56: {  	_ =	shalt  }
0x57: {  	_ =	shalt  }
0x58: {  	_ =	shalt  }
0x59: {  	_ =	shalt  }
0x5a: {  	_ =	shalt  }
0x5b: {  	_ =	shalt  }
0x5c: {  	_ =	shalt  }
0x5d: {  	_ =	shalt  }
0x5e: {  	_ =	shalt  }
0x5f: {  	_ =	shalt  }
0x60: {  	_ =	shalt  }
0x61: {  	_ =	shalt  }
0x62: {  	_ =	shalt  }
0x63: {  	_ =	shalt  }
0x64: {  	_ =	shalt  }
0x65: {  	_ =	shalt  }
0x66: {  	_ =	shalt  }
0x67: {  	_ =	shalt  }
0x68: {  	_ =	shalt  }
0x69: {  	_ =	shalt  }
0x6a: {  	_ =	shalt  }
0x6b: {  	_ =	shalt  }
0x6c: {  	_ =	shalt  }
0x6d: {  	_ =	shalt  }
0x6e: {  	_ =	shalt  }
0x6f: {  	_ =	shalt  }
0x70: {  	_ =	shalt  }
0x71: {  	_ =	shalt  }
0x72: {  	_ =	shalt  }
0x73: {  	_ =	shalt  }
0x74: {  	_ =	shalt  }
0x75: {  	_ =	shalt  }
0x76: {  	_ =	shalt  }
0x77: {  	_ =	shalt  }
0x78: {  	_ =	shalt  }
0x79: {  	_ =	shalt  }
0x7a: {  	_ =	shalt  }
0x7b: {  	_ =	shalt  }
0x7c: {  	_ =	shalt  }
0x7d: {  	_ =	shalt  }
0x7e: {  	_ =	shalt  }
0x7f: {  	_ =	shalt  }
0x80: {  	_ =	shalt  }
0x81: {  	_ =	shalt  }
0x82: {  	_ =	shalt  }
0x83: {  	_ =	shalt  }
0x84: {  	_ =	shalt  }
0x85: {  	_ =	shalt  }
0x86: {  	_ =	shalt  }
0x87: {  	_ =	shalt  }
.Lfunc_end0:
.L_simem_size_0:
called_computation.1_lowered:
.L_overlay_start_0:
0x88: {  	s2 =	sld [smem:$0x3FD9]  }
0x89: {  	s3 =	sld [smem:$0x3FFE];
	_ =	sdelay $0x1  }
0x8a: {  	s1 =	srdreg.scid  }
0x8b: {  	s0 =	sand.u32 $0x1, s1  }
0x8c: {  	s16 =	sshll.u32 s0, $0xA;
	s2 =	sadd.s32 s3, s2  }
0x8d: {  	s2 =	sadd.s32 s2, s16  }
0x8e: {  	[smem:$0x3FBF] =	sst s2  }
0x8f: {  	_ = 	snop  }
0x90: {  	(tm) =	ssettm $0x1  }
0x91: {  	s17 =	sld [smem:$0x3FFB];
	_ =	sdelay $0x3  }
0x92: {  	_ =	strace s17  }
0x93: {  	s2 =	sld [smem:$0x3FFC];
	_ =	sdelay $0x3  }
0x94: {  	_ =	strace s2  }
0x95: {  	s2 =	sld [smem:$0x3FFD];
	_ =	sdelay $0x3  }
0x96: {  	_ =	strace s2  }
0x97: {  	_ =	strace $0x8FFFFFFF  }
0x98: {  	s18 =	sld [smem:$0x3FDB];
	_ =	sdelay $0x1  }
0x99: {  	s19 =	simm.s32 $_scs_section_size  }
0x9a: {  	s4 =	simm.s32 $_size__tile_overlayer_lowered;
	s5 =	simm.s32 $_tile_overlayer_lowered  }
0x9b: {  	s22 =	simm.s32 $0x1BFF;
	s21 =	sshll.u32 s5, $0x1;
	s2 =	sadd.s32 s19, s18  }
0x9c: {  	s6 =	simm.s32 $0x0;
	s20 =	sshll.u32 s4, $0x1;
	s4 =	sadd.s32 s21, s2  }
0x9d: {  	[timem:s6], [sflag:s22] =	dma.local [hbm:s4], s20  }
0x9e: {  	_ =	swait.ge [sflag:s22], s20  }
0x9f: {  	s3 =	ssub.s32 $0x0, s20;
	[sflag:s22] =	ssyncset.done $0x0  }
0xa0: {  	[sflag:s22] =	ssyncadd.s32 s3;
	_ =	sdelay $0x1  }
0xa1: {  	s23 =	simm.s32 $0x1B8B  }
0xa2: {  	_ =	swait.ge [sflag:s23], $0x1  }
0xa3: {  	[sflag:s23] =	ssyncset.done $0x0  }
0xa4: {  	s25 =	simm.s32 $0x1B8E;
	s24 =	sld [smem:$0x3FFE];
	[sflag:s23] =	ssyncadd.s32 $0xFFFFFFFF  }
0xa5: {  	s26 =	simm.s32 $execute0_lowered;
	[smem:$0x3FD2] =	sst s25  }
0xa6: {  	s4 =	sshll.u32 s26, $0x1;
	_ =	strace $0x80000049;
	[dreg:$0x1] =	wrdreg $0xFFFFFFFF  }
0xa7: {  	s28 =	simm.s32 $_size_execute0_lowered;
	s2 =	sadd.s32 s2, s4;
	[dreg:$0x0] =	wrdreg $0x0  }
0xa8: {  	s4 =	sshll.u32 s28, $0x1;
	[dreg:$0x2] =	wrdreg s2  }
0xa9: {  	[dreg:$0x3] =	wrdreg s4  }
0xaa: {  	[dreg:$0x4] =	wrdreg $0xC0  }
0xab: {  	_ =	task [dreg:s6], $0x5FFFF  }
0xac: {  	[dreg:$0x1] =	wrdreg $0xFFFFFFFF  }
0xad: {  	[dreg:$0x0] =	wrdreg $0x60  }
0xae: {  	[dreg:$0x2] =	wrdreg s24  }
0xaf: {  	[dreg:$0x3] =	wrdreg $0x0  }
0xb0: {  	[dreg:$0x4] =	wrdreg $0x9  }
0xb1: {  	_ =	task.clear_ibuf [dreg:s6], $0x5FFFF;
	_ =	strace $0x90000049  }
0xb2: {  	s29 =	simm.s32 $0x9;
	_ =	strace $0x8000004B  }
0xb3: {  	_ =	swait.ge [sflag:s29], $0x1  }
0xb4: {  	[sflag:s29] =	ssyncadd.s32 $0xFFFFFFFF  }
0xb5: {  	_ =	strace $0x9000004B  }
0xb6: {  	_ =	sfence  }
0xb7: {  	s30 =	sld [smem:$0x0];
	_ =	sdelay $0x2  }
0xb8: {  	s31 =	sshll.u32 s1, $0xD;
	s1 =	sshrl.u32 s1, $0x2  }
0xb9: {  	s3 =	sand.u32 $0x4000, s31;
	s1 =	sadd.s32 s1, s30  }
0xba: {  	s0 =	sor.u32 s3, s0;
	s1 =	sshll.u32 s1, $0x11  }
0xbb: {  	s0 =	sor.u32 s1, s0  }
0xbc: {  	s0 =	sadd.s32 $0x8F2B, s0  }
0xbd: {  	[sflag:s0] =	ssyncadd.remote.s32 $0x1  }
0xbe: {  	_ =	sfence.sel $0xFFFF  }
0xbf: {  	[dreg:$0x0] =	wrdreg $0xFFFFFFFF;
	(pc) =	sbr.abs _section_cstart, $3  }
0xc0: {  	[dreg:$0x1] =	wrdreg $0xFFFFFFFF  }
0xc1: {  	_ =	task.clear_ibuf [dreg:s6], $0x2FFFF;
	_ =	strace $0x9FFFFFFF  }
0xc2: {  	(tm) =	ssettm $0x7FFFFFFF  }
0xc3: {  	_ =	shalt  }
tec
execute0_lowered:
.L_overlay_start_1:
0x0: {  	(tag) =	ssettag $0x1  }
0x1: {  	s0 =	rddreg [dreg:$0x0]  }
0x2: {  	s2 =	rddreg [dreg:$0x1]  }
0x3: {  	s13 =	stileid.u32;
	s1 =	srdreg.scid  }
0x4: {  	s3 =	simm.s32 $0x0;
	s23 =	simm.s32 $0x13C80;
	s24 =	simm.s32 $0x13D80  }
0x5: {  	s25 =	simm.s32 $0x13E80;
	s26 =	simm.s32 $0x13F80;
	s28 =	simm.s32 $0x18000  }
0x6: {  	s29 =	simm.s32 $0x1;
	s30 =	simm.s32 $0x2;
	s6 =	smul.u32 $0x13C00, s13  }
0x7: {  	s31 =	simm.s32 $0x0;
	s1 =	sand.u32 $0x1, s1;
	s14 =	smul.u32 $0xA0, s13  }
0x8: {  	[smem:$0x7FF] =	sst s3;
	s4 =	sadd.s32 $0x34E00, s0;
	s16 =	smul.u32 $0x4F000, s13  }
0x9: {  	s5 =	sadd.s32 $0x84600, s0;
	s17 =	sshll.u32 s13, $0x6;
	s13 =	smul.u32 $0x1400, s13  }
0xa: {  	s7 =	smul.u32 $0x13C000, s1;
	_ =	strace $0x8000004A;
	[dreg:$0x3] =	wrdreg s23  }
0xb: {  	s12 =	ssub.s32 $0x2, s1;
	s10 =	sshll.u32 s1, $0x7;
	[dreg:$0x5] =	wrdreg s24  }
0xc: {  	p0 =	seq.s32 s1, $0x0;
	s1 =	sshll.u32 s1, $0xC;
	[dreg:$0x7] =	wrdreg s25  }
0xd: {  	s24 =	simm.s32 $0x3;
	[dreg:$0x8] =	wrdreg s26;
	s25 =	simm.s32 $0x14000  }
0xe: {  	s26 =	simm.s32 $0x4;
	s8 =	sshrl.u32 s6, $0x3;
	s15 =	sshrl.u32 s12, $0x1  }
0xf: {  	s9 =	sadd.s32 s8, s0;
	s6 =	sadd.s32 s6, s7;
	s11 =	ssub.s32 s12, s15  }
0x10: {  	s8 =	sadd.s32 s10, s14;
	s7 =	simm.s32 $0x80;
	s10 =	sshrl.u32 s16, $0x2  }
0x11: {  	s6 =	sshrl.u32 s6, $0x3;
	s7 =	simm.s32 @!p0 $0x20;
	s9 =	sadd.s32 $0xD600, s9  }
0x12: {  	s8 =	sshll.u32 s8, $0x5;
	[dreg:$0x9] =	wrdreg s9;
	s21 =	sadd.s32 $0xFFFFFFFE, s7  }
0x13: {  	s12 =	sadd.s32 s10, s2;
	s14 =	sshrl.u32 s7, $0x2;
	[dreg:$0x4] =	wrdreg s21  }
0x14: {  	s8 =	sadd.s32 s5, s8;
	s22 =	sadd.s32 $0xFFFFFFFD, s7;
	[dreg:$0xd] =	wrdreg s14  }
0x15: {  	s10 =	sor.u32 $0x1C07, s17;
	s18 =	sadd.s32 $0x20, s8;
	[dreg:$0x6] =	wrdreg s22  }
0x16: {  	s16 =	smax.u32 s11, $0x1;
	s19 =	sadd.s32 $0x40, s8;
	[dreg:$0xa] =	wrdreg s18  }
0x17: {  	s0 =	sadd.s32 s6, s0;
	s20 =	sadd.s32 $0x60, s8;
	[dreg:$0xb] =	wrdreg s19  }
0x18: {  	s6 =	simm.s32 $0x80;
	s0 =	sadd.s32 $0x98600, s0;
	[dreg:$0xc] =	wrdreg s20  }
0x19: {  	s22 =	sadd.s32 s1, s13;
	s21 =	simm.s32 $0x13D00;
	[dreg:$0xe] =	wrdreg s0  }
0x1a: {  	s18 =	sshrl.u32 s12, $0x3;
	s19 =	simm.s32 $0x7;
	s20 =	simm.s32 $0x13C00  }
.LBB2_1:
0x1b: {  	s0 =	rddreg [dreg:$0x9]  }
0x1c: {  	[spmem:s18], [sflag:s10] =	dma.local [hbm:s0], $0x2780  }
0x1d: {  	_ =	swait.ge [sflag:s19], $0x2780  }
0x1e: {  	[sflag:s19] =	ssyncset.done $0x0  }
0x1f: {  	[sflag:s19] =	ssyncadd.s32 $0xFFFFD880  }
0x20: {  	[tilespmem:s20], [sflag:$0x3] =	stream.linear.gather [hbm4b:s8+s3], $0x100, $0x38;
	[tilespmem:$0x1C000] =	vst v63  }
0x21: {  	s12 =	rddreg [dreg:$0xa]  }
0x22: {  	[tilespmem:s21], [sflag:$0x4] =	stream.linear.gather [hbm4b:s12+s3], $0x100, $0x38;
	[tilespmem:$0x1C000] =	vst v63  }
0x23: {  	s1 =	simm.s32 $0x13E00;
	s13 =	rddreg [dreg:$0xb]  }
0x24: {  	[tilespmem:s1], [sflag:$0x5] =	stream.linear.gather [hbm4b:s13+s3], $0x100, $0x38;
	[tilespmem:$0x1C000] =	vst v63  }
0x25: {  	s15 =	simm.s32 $0x13F00;
	s14 =	rddreg [dreg:$0xc]  }
0x26: {  	[tilespmem:s15], [sflag:$0x6] =	stream.linear.gather [hbm4b:s14+s3], $0x100, $0x38;
	[tilespmem:$0x1C000] =	vst v63  }
0x27: {  	_ =	swait.ge [sflag:s24], $0x100  }
0x28: {  	[sflag:s24] =	ssyncset.done $0x0  }
0x29: {  	[sflag:s24] =	ssyncadd.s32 $0xFFFFFF00  }
0x2a: {  	[tilespmem:s25], [sflag:$0x1] =	stream.indirect.gather [hbm4b:s4+s6], $0x80, s20, s6, $0xb8;
	[tilespmem:$0x1C000] =	vst v63  }
0x2b: {  	_ =	swait.ge [sflag:s26], $0x100  }
0x2c: {  	[sflag:s26] =	ssyncset.done $0x0  }
0x2d: {  	[sflag:s26] =	ssyncadd.s32 $0xFFFFFF00  }
0x2e: {  	[tilespmem:s28], [sflag:$0x2] =	stream.indirect.gather [hbm4b:s4+s6], $0x80, s21, s6, $0xb8;
	[tilespmem:$0x1C000] =	vst v63  }
0x2f: {  	_ =	swait.ge [sflag:s29], $0x4000  }
0x30: {  	p1 =	sle.u32 s7, $0x4;
	[sflag:s29] =	ssyncset.done $0x0  }
0x31: {  	s9 =	simm.s32 @!p1 $0x0;
	s17 =	rddreg [dreg:$0x3];
	[sflag:s29] =	ssyncadd.s32 $0xFFFFC000  }
0x32: {  	[spmem:s2] =	stream.indirect.scatter.add.f32 [tilespmem:s25], [sflag:$0x7], $0x80, s17, s6, $0xb8;
	[tilespmem:$0x1C000] =	vst v63  }
0x33: {  	s11 =	simm.s32 @!p1 $0x13C00;
	s1 =	sadd.s32 @!p1 $0x80, s22;
	_ =	swait.ge [sflag:s19], $0x4000  }
0x34: {  	s0 =	sand.u32 @!p1 $0x1FFFFF80, s1;
	[sflag:s19] =	ssyncset.done $0x0;
	s23 =	rddreg [dreg:$0x4]  }
0x35: {  	s0 =	sadd.s32 @!p1 s5, s0;
	[sflag:s19] =	ssyncadd.s32 $0xFFFFC000;
	p0 =	sle.s32 s23, $0x0  }
0x36: {  	[tilespmem:s11], [sflag:$0x3] =	stream.linear.gather @!p1 [hbm4b:s0+s9], $0x100, $0x38;
	[tilespmem:$0x1C000] =	vst v63  }
0x37: {  	s0 =	simm.s32 @!p0 $0x5  }
0x38: {  	_ =	swait.ge @!p0 [sflag:s0], $0x100  }
0x39: {  	s1 =	simm.s32 @!p0 $0x14000;
	[sflag:s0] =	ssyncset.done @!p0 $0x0  }
0x3a: {  	s9 =	simm.s32 @!p0 $0x13E00;
	[sflag:s0] =	ssyncadd.s32 @!p0 $0xFFFFFF00;
	s0 =	simm.s32 @!p0 $0x80  }
0x3b: {  	[tilespmem:s1], [sflag:$0x1] =	stream.indirect.gather @!p0 [hbm4b:s4+s0], $0x80, s9, s0, $0xb8;
	[tilespmem:$0x1C000] =	vst v63  }
0x3c: {  	_ =	swait.ge [sflag:s30], $0x4000  }
0x3d: {  	p0 =	sle.u32 s7, $0x5;
	[sflag:s30] =	ssyncset.done $0x0  }
0x3e: {  	s1 =	sadd.s32 @!p0 $0xA0, s22;
	s12 =	rddreg [dreg:$0x5];
	[sflag:s30] =	ssyncadd.s32 $0xFFFFC000  }
0x3f: {  	[spmem:s2] =	stream.indirect.scatter.add.f32 [tilespmem:s28], [sflag:$0x7], $0x80, s12, s6, $0xb8;
	[tilespmem:$0x1C000] =	vst v63  }
0x40: {  	s9 =	simm.s32 @!p0 $0x0;
	s23 =	simm.s32 @!p0 $0x13D00;
	_ =	swait.ge [sflag:s19], $0x4000  }
0x41: {  	s0 =	sand.u32 @!p0 $0x1FFFFFA0, s1;
	[sflag:s19] =	ssyncset.done $0x0;
	s13 =	rddreg [dreg:$0x6]  }
0x42: {  	s0 =	sadd.s32 @!p0 s5, s0;
	[sflag:s19] =	ssyncadd.s32 $0xFFFFC000;
	p2 =	sle.s32 s13, $0x0  }
0x43: {  	[tilespmem:s23], [sflag:$0x4] =	stream.linear.gather @!p0 [hbm4b:s0+s9], $0x100, $0x38;
	[tilespmem:$0x1C000] =	vst v63  }
0x44: {  	s0 =	simm.s32 @!p2 $0x6  }
0x45: {  	_ =	swait.ge @!p2 [sflag:s0], $0x100  }
0x46: {  	s1 =	simm.s32 @!p2 $0x18000;
	[sflag:s0] =	ssyncset.done @!p2 $0x0  }
0x47: {  	s9 =	simm.s32 @!p2 $0x13F00;
	[sflag:s0] =	ssyncadd.s32 @!p2 $0xFFFFFF00;
	s0 =	simm.s32 @!p2 $0x80  }
0x48: {  	[tilespmem:s1], [sflag:$0x2] =	stream.indirect.gather @!p2 [hbm4b:s4+s0], $0x80, s9, s0, $0xb8;
	[tilespmem:$0x1C000] =	vst v63  }
0x49: {  	_ =	swait.ge [sflag:s29], $0x4000  }
0x4a: {  	[sflag:s29] =	ssyncset.done $0x0  }
0x4b: {  	p2 =	sle.u32 s7, $0x6;
	s14 =	rddreg [dreg:$0x7];
	[sflag:s29] =	ssyncadd.s32 $0xFFFFC000  }
0x4c: {  	[spmem:s2] =	stream.indirect.scatter.add.f32 [tilespmem:s25], [sflag:$0x7], $0x80, s14, s6, $0xb8;
	[tilespmem:$0x1C000] =	vst v63  }
0x4d: {  	s1 =	sadd.s32 @!p2 $0xC0, s22;
	s9 =	simm.s32 @!p2 $0x0;
	_ =	swait.ge [sflag:s19], $0x4000  }
0x4e: {  	s12 =	simm.s32 @!p2 $0x13E00;
	s0 =	sand.u32 @!p2 $0x1FFFFFC0, s1;
	[sflag:s19] =	ssyncset.done $0x0  }
0x4f: {  	s1 =	simm.s32 @!p1 $0x3;
	s0 =	sadd.s32 @!p2 s5, s0;
	[sflag:s19] =	ssyncadd.s32 $0xFFFFC000  }
0x50: {  	[tilespmem:s12], [sflag:$0x5] =	stream.linear.gather @!p2 [hbm4b:s0+s9], $0x100, $0x38;
	[tilespmem:$0x1C000] =	vst v63  }
0x51: {  	_ =	swait.ge @!p1 [sflag:s1], $0x100  }
0x52: {  	[sflag:s1] =	ssyncset.done @!p1 $0x0  }
0x53: {  	s0 =	simm.s32 @!p1 $0x80;
	[sflag:s1] =	ssyncadd.s32 @!p1 $0xFFFFFF00;
	s1 =	simm.s32 @!p1 $0x14000  }
0x54: {  	[tilespmem:s1], [sflag:$0x1] =	stream.indirect.gather @!p1 [hbm4b:s4+s0], $0x80, s11, s0, $0xb8;
	[tilespmem:$0x1C000] =	vst v63  }
0x55: {  	_ =	swait.ge [sflag:s30], $0x4000  }
0x56: {  	s17 =	rddreg [dreg:$0xd]  }
0x57: {  	p2 =	sle.u32 s7, $0x7;
	s0 =	sadd.s32 $0xFFFFFFFF, s17  }
0x58: {  	s12 =	sadd.s32 @!p2 $0xE0, s22;
	[sflag:s30] =	ssyncset.done $0x0;
	p1 =	sne.s32 s0, $0x0  }
.Ltmp0:
0x59: {  	s15 =	rddreg [dreg:$0x8];
	[sflag:s30] =	ssyncadd.s32 $0xFFFFC000;
	(pc) =	sbr.rel @!p1 .LBB2_3-.Ltmp0, $4  }
0x5a: {  	[spmem:s2] =	stream.indirect.scatter.add.f32 [tilespmem:s28], [sflag:$0x7], $0x80, s15, s6, $0xb8;
	[tilespmem:$0x1C000] =	vst v63  }
0x5b: {  	s9 =	simm.s32 @!p2 $0x13F00;
	s13 =	sand.u32 @!p2 $0x1FFFFFE0, s12;
	_ =	swait.ge [sflag:s19], $0x4000  }
0x5c: {  	s12 =	simm.s32 @!p2 $0x0;
	s1 =	simm.s32 $0x4;
	[sflag:s19] =	ssyncset.done $0x0  }
0x5d: {  	s11 =	simm.s32 @!p0 $0x4;
	s17 =	smov.u32 s22;
	[sflag:s19] =	ssyncadd.s32 $0xFFFFC000  }
.LBB2_2:
0x5e: {  	s13 =	sadd.s32 @!p2 s5, s13  }
0x5f: {  	[tilespmem:s9], [sflag:$0x6] =	stream.linear.gather @!p2 [hbm4b:s13+s12], $0x100, $0x38;
	[tilespmem:$0x1C000] =	vst v63  }
0x60: {  	_ =	swait.ge @!p0 [sflag:s11], $0x100  }
0x61: {  	[sflag:s11] =	ssyncset.done @!p0 $0x0  }
0x62: {  	s12 =	simm.s32 @!p0 $0x18000;
	[sflag:s11] =	ssyncadd.s32 @!p0 $0xFFFFFF00;
	s11 =	simm.s32 @!p0 $0x80  }
0x63: {  	[tilespmem:s12], [sflag:$0x2] =	stream.indirect.gather @!p0 [hbm4b:s4+s11], $0x80, s23, s11, $0xb8;
	[tilespmem:$0x1C000] =	vst v63  }
0x64: {  	s9 =	smov.u32 s1;
	s1 =	sadd.s32 $0x4, s1;
	_ =	swait.ge [sflag:s29], $0x4000  }
0x65: {  	s17 =	sadd.s32 $0x80, s17;
	p2 =	sge.u32 s1, s7;
	[sflag:s29] =	ssyncset.done $0x0  }
0x66: {  	s13 =	simm.s32 @!p2 $0x0;
	s14 =	rddreg [dreg:$0x3];
	[sflag:s29] =	ssyncadd.s32 $0xFFFFC000  }
0x67: {  	[spmem:s2] =	stream.indirect.scatter.add.f32 [tilespmem:s25], [sflag:$0x7], $0x80, s14, s6, $0xb8;
	[tilespmem:$0x1C000] =	vst v63  }
0x68: {  	s12 =	sadd.s32 @!p2 $0x80, s17;
	s11 =	simm.s32 @!p2 $0x13C00;
	_ =	swait.ge [sflag:s19], $0x4000  }
0x69: {  	s12 =	sand.u32 @!p2 $0x1FFFFF80, s12;
	[sflag:s19] =	ssyncset.done $0x0;
	s15 =	rddreg [dreg:$0x4]  }
0x6a: {  	s12 =	sadd.s32 @!p2 s5, s12;
	[sflag:s19] =	ssyncadd.s32 $0xFFFFC000;
	p0 =	sge.s32 s9, s15  }
0x6b: {  	[tilespmem:s11], [sflag:$0x3] =	stream.linear.gather @!p2 [hbm4b:s12+s13], $0x100, $0x38;
	[tilespmem:$0x1C000] =	vst v63  }
0x6c: {  	s12 =	simm.s32 @!p0 $0x5  }
0x6d: {  	_ =	swait.ge @!p0 [sflag:s12], $0x100  }
0x6e: {  	s13 =	simm.s32 @!p0 $0x14000;
	[sflag:s12] =	ssyncset.done @!p0 $0x0  }
0x6f: {  	s23 =	simm.s32 @!p0 $0x13E00;
	[sflag:s12] =	ssyncadd.s32 @!p0 $0xFFFFFF00;
	s12 =	simm.s32 @!p0 $0x80  }
0x70: {  	[tilespmem:s13], [sflag:$0x1] =	stream.indirect.gather @!p0 [hbm4b:s4+s12], $0x80, s23, s12, $0xb8;
	[tilespmem:$0x1C000] =	vst v63  }
0x71: {  	s13 =	sadd.s32 $0x5, s9;
	_ =	swait.ge [sflag:s30], $0x4000  }
0x72: {  	p0 =	sge.u32 s13, s7;
	[sflag:s30] =	ssyncset.done $0x0  }
0x73: {  	s14 =	rddreg [dreg:$0x5];
	s12 =	sadd.s32 @!p0 $0xA0, s17;
	[sflag:s30] =	ssyncadd.s32 $0xFFFFC000  }
0x74: {  	[spmem:s2] =	stream.indirect.scatter.add.f32 [tilespmem:s28], [sflag:$0x7], $0x80, s14, s6, $0xb8;
	[tilespmem:$0x1C000] =	vst v63  }
0x75: {  	s13 =	simm.s32 @!p0 $0x0;
	s23 =	simm.s32 @!p0 $0x13D00;
	_ =	swait.ge [sflag:s19], $0x4000  }
0x76: {  	s12 =	sand.u32 @!p0 $0x1FFFFFA0, s12;
	[sflag:s19] =	ssyncset.done $0x0;
	s14 =	rddreg [dreg:$0x6]  }
0x77: {  	s12 =	sadd.s32 @!p0 s5, s12;
	[sflag:s19] =	ssyncadd.s32 $0xFFFFC000;
	p3 =	sge.s32 s9, s14  }
0x78: {  	[tilespmem:s23], [sflag:$0x4] =	stream.linear.gather @!p0 [hbm4b:s12+s13], $0x100, $0x38;
	[tilespmem:$0x1C000] =	vst v63  }
0x79: {  	s12 =	simm.s32 @!p3 $0x6  }
0x7a: {  	_ =	swait.ge @!p3 [sflag:s12], $0x100  }
0x7b: {  	s13 =	simm.s32 @!p3 $0x18000;
	[sflag:s12] =	ssyncset.done @!p3 $0x0  }
0x7c: {  	s14 =	simm.s32 @!p3 $0x13F00;
	[sflag:s12] =	ssyncadd.s32 @!p3 $0xFFFFFF00;
	s12 =	simm.s32 @!p3 $0x80  }
0x7d: {  	[tilespmem:s13], [sflag:$0x2] =	stream.indirect.gather @!p3 [hbm4b:s4+s12], $0x80, s14, s12, $0xb8;
	[tilespmem:$0x1C000] =	vst v63  }
0x7e: {  	_ =	swait.ge [sflag:s29], $0x4000  }
0x7f: {  	s14 =	sadd.s32 $0x6, s9;
	[sflag:s29] =	ssyncset.done $0x0  }
0x80: {  	p3 =	sge.u32 s14, s7;
	s15 =	rddreg [dreg:$0x7];
	[sflag:s29] =	ssyncadd.s32 $0xFFFFC000  }
0x81: {  	[spmem:s2] =	stream.indirect.scatter.add.f32 [tilespmem:s25], [sflag:$0x7], $0x80, s15, s6, $0xb8;
	[tilespmem:$0x1C000] =	vst v63  }
0x82: {  	s13 =	sadd.s32 @!p3 $0xC0, s17;
	s14 =	simm.s32 @!p3 $0x0;
	_ =	swait.ge [sflag:s19], $0x4000  }
0x83: {  	s12 =	sand.u32 @!p3 $0x1FFFFFC0, s13;
	s13 =	simm.s32 @!p2 $0x3;
	[sflag:s19] =	ssyncset.done $0x0  }
0x84: {  	s12 =	sadd.s32 @!p3 s5, s12;
	s15 =	simm.s32 @!p3 $0x13E00;
	[sflag:s19] =	ssyncadd.s32 $0xFFFFC000  }
0x85: {  	[tilespmem:s15], [sflag:$0x5] =	stream.linear.gather @!p3 [hbm4b:s12+s14], $0x100, $0x38;
	[tilespmem:$0x1C000] =	vst v63  }
0x86: {  	_ =	swait.ge @!p2 [sflag:s13], $0x100  }
0x87: {  	[sflag:s13] =	ssyncset.done @!p2 $0x0  }
0x88: {  	s12 =	simm.s32 @!p2 $0x80;
	[sflag:s13] =	ssyncadd.s32 @!p2 $0xFFFFFF00;
	s13 =	simm.s32 @!p2 $0x14000  }
0x89: {  	[tilespmem:s13], [sflag:$0x1] =	stream.indirect.gather @!p2 [hbm4b:s4+s12], $0x80, s11, s12, $0xb8;
	[tilespmem:$0x1C000] =	vst v63  }
0x8a: {  	s0 =	sadd.s32 $0xFFFFFFFF, s0;
	_ =	swait.ge [sflag:s30], $0x4000  }
0x8b: {  	p1 =	sne.s32 s0, $0x0;
	s9 =	sadd.s32 $0x7, s9;
	[sflag:s30] =	ssyncset.done $0x0  }
.Ltmp1:
0x8c: {  	s15 =	rddreg [dreg:$0x8];
	[sflag:s30] =	ssyncadd.s32 $0xFFFFC000;
	(pc) =	sbr.rel @p1 .LBB2_2-.Ltmp1, $4  }
0x8d: {  	[spmem:s2] =	stream.indirect.scatter.add.f32 [tilespmem:s28], [sflag:$0x7], $0x80, s15, s6, $0xb8;
	[tilespmem:$0x1C000] =	vst v63  }
0x8e: {  	p2 =	sge.u32 s9, s7;
	s11 =	simm.s32 @!p0 $0x4;
	_ =	swait.ge [sflag:s19], $0x4000  }
0x8f: {  	s12 =	sadd.s32 @!p2 $0xE0, s17;
	s9 =	simm.s32 @!p2 $0x13F00;
	[sflag:s19] =	ssyncset.done $0x0  }
0x90: {  	s13 =	sand.u32 @!p2 $0x1FFFFFE0, s12;
	s12 =	simm.s32 @!p2 $0x0;
	[sflag:s19] =	ssyncadd.s32 $0xFFFFC000  }
.LBB2_3:
0x91: {  	s0 =	sadd.s32 @!p2 s5, s13  }
0x92: {  	[tilespmem:s9], [sflag:$0x6] =	stream.linear.gather @!p2 [hbm4b:s0+s12], $0x100, $0x38;
	[tilespmem:$0x1C000] =	vst v63  }
0x93: {  	_ =	swait.ge @!p0 [sflag:s11], $0x100  }
0x94: {  	s1 =	simm.s32 @!p0 $0x80;
	[sflag:s11] =	ssyncset.done @!p0 $0x0  }
0x95: {  	s31 =	sadd.s32 $0x1, s31;
	s0 =	simm.s32 @!p0 $0x18000;
	[sflag:s11] =	ssyncadd.s32 @!p0 $0xFFFFFF00  }
0x96: {  	[tilespmem:s0], [sflag:$0x2] =	stream.indirect.gather @!p0 [hbm4b:s4+s1], $0x80, s23, s1, $0xb8;
	[tilespmem:$0x1C000] =	vst v63  }
0x97: {  	p0 =	sne.s32 s31, s16;
	[bflag:$0x0] =	sbarrier.arrive $0xFFFF  }
.Ltmp2:
0x98: {  	s23 =	rddreg [dreg:$0xe];
	(pc) =	sbr.rel @p0 .LBB2_1-.Ltmp2, $4  }
0x99: {  	[hbm:s23], [sflag:s10] =	dma.local [spmem:s18], $0x2780  }
0x9a: {  	_ =	swait.ge [sflag:s19], $0x2780  }
0x9b: {  	[sflag:s19] =	ssyncset.done $0x0  }
0x9c: {  	[sflag:s19] =	ssyncadd.s32 $0xFFFFD880  }
0x9d: {  	_ =	sfence.sel $0x180000  }
0x9e: {  	[bflag:$0x0] =	sbarrier.arrive $0xFFFF  }
0x9f: {  	_ =	strace $0x9000004A  }
0xa0: {  	s0 =	stileid.u32;
	[bflag:$0x2] =	sbarrier.arrive $0xFFFF  }
0xa1: {  	p0 =	sne.s32 s0, $0x0;
	s0 =	rddreg [dreg:$0x2]  }
0xa2: {  	s0 =	sadd.s32 @!p0 $0x100000, s0  }
0xa3: {  	[sflag:s0] =	ssyncadd.tile.s32 @!p0 $0x1;
	_ =	shalt  }
.Lfunc_end2:
_tile_overlayer_lowered:
.L_overlay_start_2:
0xa4: {  	(tag) =	ssettag $0x2  }
0xa5: {  	s0 =	rddreg [dreg:$0x0];
	s2 =	stileid.u32  }
0xa6: {  	s1 =	rddreg [dreg:$0x1];
	p0 =	sne.s32 s2, $0x0  }
0xa7: {  	s3 =	rddreg [dreg:$0x2];
	[bflag:$0x3] =	sbarrier.arrive $0xFFFF;
	s2 =	simm.s32 @!p0 $0x1C07  }
0xa8: {  	[timem:s3], [sflag:s2] =	dma.local @!p0 [hbm:s0], s1  }
0xa9: {  	s0 =	simm.s32 @!p0 $0x7  }
0xaa: {  	_ =	swait.ge @!p0 [sflag:s0], s1  }
0xab: {  	s1 =	ssub.s32 @!p0 $0x0, s1;
	[sflag:s0] =	ssyncset.done @!p0 $0x0  }
0xac: {  	[sflag:s0] =	ssyncadd.s32 @!p0 s1  }
0xad: {  	[bflag:$0x3] =	sbarrier.arrive $0xFFFF  }
0xae: {  	_ =	shalt  }

// kernel: kernel.14.cloned.1.call-start
scs
__scs_entry_jumppad:
0x0: {  	(pc) =	sbr.rel $0x88, $3  }
0x1: {  	(tag) =	ssettag $0x0;
	lr =	simm.s32 $0x1  }
0x2: {  	[smem:$0x3F98] =	sst lr;
	_ =	strace $0xD0000000  }
0x3: {  	_ = 	snop  }
0x4: {  	_ = 	snop  }
0x5: {  	_ = 	snop  }
0x6: {  	_ = 	snop  }
0x7: {  	_ = 	snop  }
__scs_overlays_trampoline_lowered:
0x8: {  	[smem:$0x3FA7] =	sst s0  }
0x9: {  	[smem:$0x3FA8] =	sst s1  }
0xa: {  	[smem:$0x3FA9] =	sst s2  }
0xb: {  	[smem:$0x3FAA] =	sst s3  }
0xc: {  	[smem:$0x3FAB] =	sst s4  }
0xd: {  	[smem:$0x3FAC] =	sst s5  }
0xe: {  	[smem:$0x3FAD] =	sst s6  }
0xf: {  	[smem:$0x3FAE] =	sst s7  }
0x10: {  	[smem:$0x3FAF] =	sst s8  }
0x11: {  	[smem:$0x3FB0] =	sst s9;
	s0 =	simm.s32 @!p0 $0x0  }
0x12: {  	s1 =	sld [smem:$0x3F96];
	s0 =	simm.s32 @p0 $0x1  }
0x13: {  	[smem:$0x3FB1] =	sst s0;
	s0 =	simm.s32 @!p1 $0x0  }
0x14: {  	s2 =	sld [smem:$0x3F95];
	s0 =	simm.s32 @p1 $0x1  }
0x15: {  	[smem:$0x3FB2] =	sst s0;
	s0 =	simm.s32 @!p2 $0x0  }
0x16: {  	s3 =	sld [smem:$0x3FDB];
	s0 =	simm.s32 @p2 $0x1  }
0x17: {  	s4 =	simm.s32 $0x1BF5;
	[smem:$0x3FB4] =	sst s0  }
0x18: {  	s0 =	sld [smem:$0x3F97];
	_ =	swait.ge [sflag:s4], $0x0  }
0x19: {  	s7 =	sld [smem:$0x3F98]  }
0x1a: {  	s8 =	sadd.s32 $0xFFFFE003, lr  }
0x1b: {  	s9 =	sadd.s32 $0xFFFFFEF7, lr;
	s5 =	simm.s32 $0xFFFFFFFF;
	p2 =	slt.u32 s8, $0xFFFFF086  }
0x1c: {  	p1 =	slt.u32 s9, $0xF7A;
	s5 =	simm.s32 @!p2 $0x0  }
0x1d: {  	s5 =	simm.s32 @p1 $0x1;
	p0 =	seq.s32 s7, s2  }
0x1e: {  	s7 =	smul.u32 @!p0 $0xF7A, s2;
	p2 =	seq.s32 @!p0 s5, $0x0  }
0x1f: {  	s9 =	smul.u32 $0xF7A, s1;
	s8 =	simm.s32 @!p0 $0x1BF5;
	p2 =	por !p2, p0  }
0x20: {  	[sflag:s8] =	ssyncset.s32 @!p0 $0xFFFFF086;
	s6 =	sadd.s32 @!p0 s3, s7;
	s7 =	simm.s32 @!p0 $0x108  }
0x21: {  	s3 =	sadd.s32 s3, s9;
	s6 =	sadd.s32 @!p0 $0x88, s6;
	s7 =	simm.s32 @p2 $0x1082  }
0x22: {  	[simem:s7], [sflag:s8] =	dma.local @!p0 [hbm:s6], $0xF7A  }
0x23: {  	s9 =	sor.u32 $0xD0000000, s2;
	s6 =	simm.s32 $0x108;
	_ =	swait.ge @!p0 [sflag:s8], $0x0  }
0x24: {  	s3 =	sadd.s32 $0x88, s3;
	s6 =	simm.s32 @!p1 $0x1082;
	[sflag:s4] =	ssyncset.s32 $0xFFFFF086  }
0x25: {  	[simem:s6], [sflag:s4] =	dma.local [hbm:s3], $0xF7A  }
0x26: {  	[smem:$0x3F98] =	sst s1;
	(tag) =	ssettag s2;
	_ =	strace s9  }
0x27: {  	s1 =	sld [smem:$0x3FA8]  }
0x28: {  	s2 =	sld [smem:$0x3FA9]  }
0x29: {  	s4 =	sld [smem:$0x3FAB]  }
0x2a: {  	p0 =	seq.s32 s5, $0x0;
	s5 =	sld [smem:$0x3FAC]  }
0x2b: {  	s6 =	sld [smem:$0x3FAD]  }
0x2c: {  	s7 =	sld [smem:$0x3FAE]  }
0x2d: {  	s3 =	simm.s32 $0x108;
	s8 =	sld [smem:$0x3FAF]  }
0x2e: {  	s3 =	simm.s32 @!p0 $0x1082;
	s9 =	sld [smem:$0x3FB0]  }
0x2f: {  	lr =	sadd.s32 s0, s3;
	s0 =	sld [smem:$0x3FA7]  }
0x30: {  	s3 =	sld [smem:$0x3FAA]  }
0x31: {  	[smem:$0x3FB3] =	sst s10  }
0x32: {  	s10 =	sld [smem:$0x3FB1];
	_ =	sdelay $0x3  }
0x33: {  	p0 =	seq.s32 s10, $0x1;
	s10 =	sld [smem:$0x3FB3];
	_ =	sdelay $0x3  }
0x34: {  	[smem:$0x3FB3] =	sst s10  }
0x35: {  	s10 =	sld [smem:$0x3FB2];
	_ =	sdelay $0x3  }
0x36: {  	p1 =	seq.s32 s10, $0x1;
	s10 =	sld [smem:$0x3FB3];
	_ =	sdelay $0x3  }
0x37: {  	[smem:$0x3FB3] =	sst s10  }
0x38: {  	s10 =	sld [smem:$0x3FB4]  }
0x39: {  	_ = 	snop;
	(pc) =	sbr.ind lr, $3  }
0x3a: {  	_ = 	snop  }
0x3b: {  	_ = 	snop  }
0x3c: {  	p2 =	seq.s32 s10, $0x1;
	s10 =	sld [smem:$0x3FB3]  }
0x3d: {  	_ =	shalt  }
0x3e: {  	_ =	shalt  }
0x3f: {  	_ =	shalt  }
0x40: {  	_ =	shalt  }
0x41: {  	_ =	shalt  }
0x42: {  	_ =	shalt  }
0x43: {  	_ =	shalt  }
0x44: {  	_ =	shalt  }
0x45: {  	_ =	shalt  }
0x46: {  	_ =	shalt  }
0x47: {  	_ =	shalt  }
0x48: {  	_ =	shalt  }
0x49: {  	_ =	shalt  }
0x4a: {  	_ =	shalt  }
0x4b: {  	_ =	shalt  }
0x4c: {  	_ =	shalt  }
0x4d: {  	_ =	shalt  }
0x4e: {  	_ =	shalt  }
0x4f: {  	_ =	shalt  }
0x50: {  	_ =	shalt  }
0x51: {  	_ =	shalt  }
0x52: {  	_ =	shalt  }
0x53: {  	_ =	shalt  }
0x54: {  	_ =	shalt  }
0x55: {  	_ =	shalt  }
0x56: {  	_ =	shalt  }
0x57: {  	_ =	shalt  }
0x58: {  	_ =	shalt  }
0x59: {  	_ =	shalt  }
0x5a: {  	_ =	shalt  }
0x5b: {  	_ =	shalt  }
0x5c: {  	_ =	shalt  }
0x5d: {  	_ =	shalt  }
0x5e: {  	_ =	shalt  }
0x5f: {  	_ =	shalt  }
0x60: {  	_ =	shalt  }
0x61: {  	_ =	shalt  }
0x62: {  	_ =	shalt  }
0x63: {  	_ =	shalt  }
0x64: {  	_ =	shalt  }
0x65: {  	_ =	shalt  }
0x66: {  	_ =	shalt  }
0x67: {  	_ =	shalt  }
0x68: {  	_ =	shalt  }
0x69: {  	_ =	shalt  }
0x6a: {  	_ =	shalt  }
0x6b: {  	_ =	shalt  }
0x6c: {  	_ =	shalt  }
0x6d: {  	_ =	shalt  }
0x6e: {  	_ =	shalt  }
0x6f: {  	_ =	shalt  }
0x70: {  	_ =	shalt  }
0x71: {  	_ =	shalt  }
0x72: {  	_ =	shalt  }
0x73: {  	_ =	shalt  }
0x74: {  	_ =	shalt  }
0x75: {  	_ =	shalt  }
0x76: {  	_ =	shalt  }
0x77: {  	_ =	shalt  }
0x78: {  	_ =	shalt  }
0x79: {  	_ =	shalt  }
0x7a: {  	_ =	shalt  }
0x7b: {  	_ =	shalt  }
0x7c: {  	_ =	shalt  }
0x7d: {  	_ =	shalt  }
0x7e: {  	_ =	shalt  }
0x7f: {  	_ =	shalt  }
0x80: {  	_ =	shalt  }
0x81: {  	_ =	shalt  }
0x82: {  	_ =	shalt  }
0x83: {  	_ =	shalt  }
0x84: {  	_ =	shalt  }
0x85: {  	_ =	shalt  }
0x86: {  	_ =	shalt  }
0x87: {  	_ =	shalt  }
.Lfunc_end0:
.L_simem_size_0:
called_computation.2_lowered:
.L_overlay_start_0:
0x88: {  	s2 =	sld [smem:$0x3FD9]  }
0x89: {  	s3 =	sld [smem:$0x3FFE];
	_ =	sdelay $0x1  }
0x8a: {  	s1 =	srdreg.scid  }
0x8b: {  	s0 =	sand.u32 $0x1, s1  }
0x8c: {  	s16 =	sshll.u32 s0, $0xA;
	s2 =	sadd.s32 s3, s2  }
0x8d: {  	s2 =	sadd.s32 s2, s16  }
0x8e: {  	[smem:$0x3FBF] =	sst s2  }
0x8f: {  	_ = 	snop  }
0x90: {  	(tm) =	ssettm $0x1  }
0x91: {  	s17 =	sld [smem:$0x3FFB];
	_ =	sdelay $0x3  }
0x92: {  	_ =	strace s17  }
0x93: {  	s2 =	sld [smem:$0x3FFC];
	_ =	sdelay $0x3  }
0x94: {  	_ =	strace s2  }
0x95: {  	s2 =	sld [smem:$0x3FFD];
	_ =	sdelay $0x3  }
0x96: {  	_ =	strace s2  }
0x97: {  	_ =	strace $0x8FFFFFFF  }
0x98: {  	s18 =	sld [smem:$0x3FDB];
	_ =	sdelay $0x1  }
0x99: {  	s19 =	simm.s32 $_scs_section_size  }
0x9a: {  	s4 =	simm.s32 $_size__tile_overlayer_lowered;
	s5 =	simm.s32 $_tile_overlayer_lowered  }
0x9b: {  	s22 =	simm.s32 $0x1BFF;
	s21 =	sshll.u32 s5, $0x1;
	s2 =	sadd.s32 s19, s18  }
0x9c: {  	s6 =	simm.s32 $0x0;
	s20 =	sshll.u32 s4, $0x1;
	s4 =	sadd.s32 s21, s2  }
0x9d: {  	[timem:s6], [sflag:s22] =	dma.local [hbm:s4], s20  }
0x9e: {  	_ =	swait.ge [sflag:s22], s20  }
0x9f: {  	s3 =	ssub.s32 $0x0, s20;
	[sflag:s22] =	ssyncset.done $0x0  }
0xa0: {  	[sflag:s22] =	ssyncadd.s32 s3;
	_ =	sdelay $0x1  }
0xa1: {  	s23 =	simm.s32 $0x1B8B  }
0xa2: {  	_ =	swait.ge [sflag:s23], $0x1  }
0xa3: {  	[sflag:s23] =	ssyncset.done $0x0  }
0xa4: {  	s25 =	simm.s32 $0x1B8E;
	s24 =	sld [smem:$0x3FFE];
	[sflag:s23] =	ssyncadd.s32 $0xFFFFFFFF  }
0xa5: {  	s26 =	simm.s32 $execute0_lowered;
	[smem:$0x3FD2] =	sst s25  }
0xa6: {  	s4 =	sshll.u32 s26, $0x1;
	_ =	strace $0x8000004C;
	[dreg:$0x1] =	wrdreg $0xFFFFFFFF  }
0xa7: {  	s28 =	simm.s32 $_size_execute0_lowered;
	s2 =	sadd.s32 s2, s4;
	[dreg:$0x0] =	wrdreg $0x0  }
0xa8: {  	s4 =	sshll.u32 s28, $0x1;
	[dreg:$0x2] =	wrdreg s2  }
0xa9: {  	[dreg:$0x3] =	wrdreg s4  }
0xaa: {  	[dreg:$0x4] =	wrdreg $0xC0  }
0xab: {  	_ =	task [dreg:s6], $0x5FFFF  }
0xac: {  	[dreg:$0x1] =	wrdreg $0xFFFFFFFF  }
0xad: {  	[dreg:$0x0] =	wrdreg $0x60  }
0xae: {  	[dreg:$0x2] =	wrdreg s24  }
0xaf: {  	[dreg:$0x3] =	wrdreg $0x0  }
0xb0: {  	[dreg:$0x4] =	wrdreg $0x9  }
0xb1: {  	_ =	task.clear_ibuf [dreg:s6], $0x5FFFF;
	_ =	strace $0x9000004C  }
0xb2: {  	s29 =	simm.s32 $0x9;
	_ =	strace $0x8000004E  }
0xb3: {  	_ =	swait.ge [sflag:s29], $0x1  }
0xb4: {  	[sflag:s29] =	ssyncadd.s32 $0xFFFFFFFF  }
0xb5: {  	_ =	strace $0x9000004E  }
0xb6: {  	_ =	sfence  }
0xb7: {  	s30 =	sld [smem:$0x0];
	_ =	sdelay $0x2  }
0xb8: {  	s31 =	sshll.u32 s1, $0xD;
	s1 =	sshrl.u32 s1, $0x2  }
0xb9: {  	s3 =	sand.u32 $0x4000, s31;
	s1 =	sadd.s32 s1, s30  }
0xba: {  	s0 =	sor.u32 s3, s0;
	s1 =	sshll.u32 s1, $0x11  }
0xbb: {  	s0 =	sor.u32 s1, s0  }
0xbc: {  	s0 =	sadd.s32 $0x8F2B, s0  }
0xbd: {  	[sflag:s0] =	ssyncadd.remote.s32 $0x1  }
0xbe: {  	_ =	sfence.sel $0xFFFF  }
0xbf: {  	[dreg:$0x0] =	wrdreg $0xFFFFFFFF;
	(pc) =	sbr.abs _section_cstart, $3  }
0xc0: {  	[dreg:$0x1] =	wrdreg $0xFFFFFFFF  }
0xc1: {  	_ =	task.clear_ibuf [dreg:s6], $0x2FFFF;
	_ =	strace $0x9FFFFFFF  }
0xc2: {  	(tm) =	ssettm $0x7FFFFFFF  }
0xc3: {  	_ =	shalt  }
tec
execute0_lowered:
.L_overlay_start_1:
0x0: {  	(tag) =	ssettag $0x1  }
0x1: {  	s0 =	rddreg [dreg:$0x0]  }
0x2: {  	s2 =	rddreg [dreg:$0x1]  }
0x3: {  	s13 =	stileid.u32;
	s1 =	srdreg.scid  }
0x4: {  	s3 =	simm.s32 $0x0;
	s23 =	simm.s32 $0x13C80;
	s24 =	simm.s32 $0x13D80  }
0x5: {  	s25 =	simm.s32 $0x13E80;
	s26 =	simm.s32 $0x13F80;
	s28 =	simm.s32 $0x18000  }
0x6: {  	s29 =	simm.s32 $0x1;
	s30 =	simm.s32 $0x2;
	s6 =	smul.u32 $0x13C00, s13  }
0x7: {  	s31 =	simm.s32 $0x0;
	s1 =	sand.u32 $0x1, s1;
	s14 =	smul.u32 $0xA0, s13  }
0x8: {  	[smem:$0x7FF] =	sst s3;
	s4 =	sadd.s32 $0x34E00, s0;
	s16 =	smul.u32 $0x4F000, s13  }
0x9: {  	s5 =	sadd.s32 $0x84600, s0;
	s17 =	sshll.u32 s13, $0x6;
	s13 =	smul.u32 $0x1400, s13  }
0xa: {  	s7 =	smul.u32 $0x13C000, s1;
	_ =	strace $0x8000004D;
	[dreg:$0x3] =	wrdreg s23  }
0xb: {  	s12 =	ssub.s32 $0x2, s1;
	s10 =	sshll.u32 s1, $0x7;
	[dreg:$0x5] =	wrdreg s24  }
0xc: {  	p0 =	seq.s32 s1, $0x0;
	s1 =	sshll.u32 s1, $0xC;
	[dreg:$0x7] =	wrdreg s25  }
0xd: {  	s24 =	simm.s32 $0x3;
	[dreg:$0x8] =	wrdreg s26;
	s25 =	simm.s32 $0x14000  }
0xe: {  	s26 =	simm.s32 $0x4;
	s8 =	sshrl.u32 s6, $0x3;
	s15 =	sshrl.u32 s12, $0x1  }
0xf: {  	s9 =	sadd.s32 s8, s0;
	s6 =	sadd.s32 s6, s7;
	s11 =	ssub.s32 s12, s15  }
0x10: {  	s8 =	sadd.s32 s10, s14;
	s7 =	simm.s32 $0x80;
	s10 =	sshrl.u32 s16, $0x2  }
0x11: {  	s6 =	sshrl.u32 s6, $0x3;
	s7 =	simm.s32 @!p0 $0x20;
	s9 =	sadd.s32 $0xD600, s9  }
0x12: {  	s8 =	sshll.u32 s8, $0x5;
	[dreg:$0x9] =	wrdreg s9;
	s21 =	sadd.s32 $0xFFFFFFFE, s7  }
0x13: {  	s12 =	sadd.s32 s10, s2;
	s14 =	sshrl.u32 s7, $0x2;
	[dreg:$0x4] =	wrdreg s21  }
0x14: {  	s8 =	sadd.s32 s5, s8;
	s22 =	sadd.s32 $0xFFFFFFFD, s7;
	[dreg:$0xd] =	wrdreg s14  }
0x15: {  	s10 =	sor.u32 $0x1C07, s17;
	s18 =	sadd.s32 $0x20, s8;
	[dreg:$0x6] =	wrdreg s22  }
0x16: {  	s16 =	smax.u32 s11, $0x1;
	s19 =	sadd.s32 $0x40, s8;
	[dreg:$0xa] =	wrdreg s18  }
0x17: {  	s0 =	sadd.s32 s6, s0;
	s20 =	sadd.s32 $0x60, s8;
	[dreg:$0xb] =	wrdreg s19  }
0x18: {  	s6 =	simm.s32 $0x80;
	s0 =	sadd.s32 $0x98600, s0;
	[dreg:$0xc] =	wrdreg s20  }
0x19: {  	s22 =	sadd.s32 s1, s13;
	s21 =	simm.s32 $0x13D00;
	[dreg:$0xe] =	wrdreg s0  }
0x1a: {  	s18 =	sshrl.u32 s12, $0x3;
	s19 =	simm.s32 $0x7;
	s20 =	simm.s32 $0x13C00  }
.LBB2_1:
0x1b: {  	s0 =	rddreg [dreg:$0x9]  }
0x1c: {  	[spmem:s18], [sflag:s10] =	dma.local [hbm:s0], $0x2780  }
0x1d: {  	_ =	swait.ge [sflag:s19], $0x2780  }
0x1e: {  	[sflag:s19] =	ssyncset.done $0x0  }
0x1f: {  	[sflag:s19] =	ssyncadd.s32 $0xFFFFD880  }
0x20: {  	[tilespmem:s20], [sflag:$0x3] =	stream.linear.gather [hbm4b:s8+s3], $0x100, $0x38;
	[tilespmem:$0x1C000] =	vst v63  }
0x21: {  	s12 =	rddreg [dreg:$0xa]  }
0x22: {  	[tilespmem:s21], [sflag:$0x4] =	stream.linear.gather [hbm4b:s12+s3], $0x100, $0x38;
	[tilespmem:$0x1C000] =	vst v63  }
0x23: {  	s1 =	simm.s32 $0x13E00;
	s13 =	rddreg [dreg:$0xb]  }
0x24: {  	[tilespmem:s1], [sflag:$0x5] =	stream.linear.gather [hbm4b:s13+s3], $0x100, $0x38;
	[tilespmem:$0x1C000] =	vst v63  }
0x25: {  	s15 =	simm.s32 $0x13F00;
	s14 =	rddreg [dreg:$0xc]  }
0x26: {  	[tilespmem:s15], [sflag:$0x6] =	stream.linear.gather [hbm4b:s14+s3], $0x100, $0x38;
	[tilespmem:$0x1C000] =	vst v63  }
0x27: {  	_ =	swait.ge [sflag:s24], $0x100  }
0x28: {  	[sflag:s24] =	ssyncset.done $0x0  }
0x29: {  	[sflag:s24] =	ssyncadd.s32 $0xFFFFFF00  }
0x2a: {  	[tilespmem:s25], [sflag:$0x1] =	stream.indirect.gather [hbm4b:s4+s6], $0x80, s20, s6, $0xb8;
	[tilespmem:$0x1C000] =	vst v63  }
0x2b: {  	_ =	swait.ge [sflag:s26], $0x100  }
0x2c: {  	[sflag:s26] =	ssyncset.done $0x0  }
0x2d: {  	[sflag:s26] =	ssyncadd.s32 $0xFFFFFF00  }
0x2e: {  	[tilespmem:s28], [sflag:$0x2] =	stream.indirect.gather [hbm4b:s4+s6], $0x80, s21, s6, $0xb8;
	[tilespmem:$0x1C000] =	vst v63  }
0x2f: {  	_ =	swait.ge [sflag:s29], $0x4000  }
0x30: {  	p1 =	sle.u32 s7, $0x4;
	[sflag:s29] =	ssyncset.done $0x0  }
0x31: {  	s9 =	simm.s32 @!p1 $0x0;
	s17 =	rddreg [dreg:$0x3];
	[sflag:s29] =	ssyncadd.s32 $0xFFFFC000  }
0x32: {  	[spmem:s2] =	stream.indirect.scatter.add.f32 [tilespmem:s25], [sflag:$0x7], $0x80, s17, s6, $0xb8;
	[tilespmem:$0x1C000] =	vst v63  }
0x33: {  	s11 =	simm.s32 @!p1 $0x13C00;
	s1 =	sadd.s32 @!p1 $0x80, s22;
	_ =	swait.ge [sflag:s19], $0x4000  }
0x34: {  	s0 =	sand.u32 @!p1 $0x1FFFFF80, s1;
	[sflag:s19] =	ssyncset.done $0x0;
	s23 =	rddreg [dreg:$0x4]  }
0x35: {  	s0 =	sadd.s32 @!p1 s5, s0;
	[sflag:s19] =	ssyncadd.s32 $0xFFFFC000;
	p0 =	sle.s32 s23, $0x0  }
0x36: {  	[tilespmem:s11], [sflag:$0x3] =	stream.linear.gather @!p1 [hbm4b:s0+s9], $0x100, $0x38;
	[tilespmem:$0x1C000] =	vst v63  }
0x37: {  	s0 =	simm.s32 @!p0 $0x5  }
0x38: {  	_ =	swait.ge @!p0 [sflag:s0], $0x100  }
0x39: {  	s1 =	simm.s32 @!p0 $0x14000;
	[sflag:s0] =	ssyncset.done @!p0 $0x0  }
0x3a: {  	s9 =	simm.s32 @!p0 $0x13E00;
	[sflag:s0] =	ssyncadd.s32 @!p0 $0xFFFFFF00;
	s0 =	simm.s32 @!p0 $0x80  }
0x3b: {  	[tilespmem:s1], [sflag:$0x1] =	stream.indirect.gather @!p0 [hbm4b:s4+s0], $0x80, s9, s0, $0xb8;
	[tilespmem:$0x1C000] =	vst v63  }
0x3c: {  	_ =	swait.ge [sflag:s30], $0x4000  }
0x3d: {  	p0 =	sle.u32 s7, $0x5;
	[sflag:s30] =	ssyncset.done $0x0  }
0x3e: {  	s1 =	sadd.s32 @!p0 $0xA0, s22;
	s12 =	rddreg [dreg:$0x5];
	[sflag:s30] =	ssyncadd.s32 $0xFFFFC000  }
0x3f: {  	[spmem:s2] =	stream.indirect.scatter.add.f32 [tilespmem:s28], [sflag:$0x7], $0x80, s12, s6, $0xb8;
	[tilespmem:$0x1C000] =	vst v63  }
0x40: {  	s9 =	simm.s32 @!p0 $0x0;
	s23 =	simm.s32 @!p0 $0x13D00;
	_ =	swait.ge [sflag:s19], $0x4000  }
0x41: {  	s0 =	sand.u32 @!p0 $0x1FFFFFA0, s1;
	[sflag:s19] =	ssyncset.done $0x0;
	s13 =	rddreg [dreg:$0x6]  }
0x42: {  	s0 =	sadd.s32 @!p0 s5, s0;
	[sflag:s19] =	ssyncadd.s32 $0xFFFFC000;
	p2 =	sle.s32 s13, $0x0  }
0x43: {  	[tilespmem:s23], [sflag:$0x4] =	stream.linear.gather @!p0 [hbm4b:s0+s9], $0x100, $0x38;
	[tilespmem:$0x1C000] =	vst v63  }
0x44: {  	s0 =	simm.s32 @!p2 $0x6  }
0x45: {  	_ =	swait.ge @!p2 [sflag:s0], $0x100  }
0x46: {  	s1 =	simm.s32 @!p2 $0x18000;
	[sflag:s0] =	ssyncset.done @!p2 $0x0  }
0x47: {  	s9 =	simm.s32 @!p2 $0x13F00;
	[sflag:s0] =	ssyncadd.s32 @!p2 $0xFFFFFF00;
	s0 =	simm.s32 @!p2 $0x80  }
0x48: {  	[tilespmem:s1], [sflag:$0x2] =	stream.indirect.gather @!p2 [hbm4b:s4+s0], $0x80, s9, s0, $0xb8;
	[tilespmem:$0x1C000] =	vst v63  }
0x49: {  	_ =	swait.ge [sflag:s29], $0x4000  }
0x4a: {  	[sflag:s29] =	ssyncset.done $0x0  }
0x4b: {  	p2 =	sle.u32 s7, $0x6;
	s14 =	rddreg [dreg:$0x7];
	[sflag:s29] =	ssyncadd.s32 $0xFFFFC000  }
0x4c: {  	[spmem:s2] =	stream.indirect.scatter.add.f32 [tilespmem:s25], [sflag:$0x7], $0x80, s14, s6, $0xb8;
	[tilespmem:$0x1C000] =	vst v63  }
0x4d: {  	s1 =	sadd.s32 @!p2 $0xC0, s22;
	s9 =	simm.s32 @!p2 $0x0;
	_ =	swait.ge [sflag:s19], $0x4000  }
0x4e: {  	s12 =	simm.s32 @!p2 $0x13E00;
	s0 =	sand.u32 @!p2 $0x1FFFFFC0, s1;
	[sflag:s19] =	ssyncset.done $0x0  }
0x4f: {  	s1 =	simm.s32 @!p1 $0x3;
	s0 =	sadd.s32 @!p2 s5, s0;
	[sflag:s19] =	ssyncadd.s32 $0xFFFFC000  }
0x50: {  	[tilespmem:s12], [sflag:$0x5] =	stream.linear.gather @!p2 [hbm4b:s0+s9], $0x100, $0x38;
	[tilespmem:$0x1C000] =	vst v63  }
0x51: {  	_ =	swait.ge @!p1 [sflag:s1], $0x100  }
0x52: {  	[sflag:s1] =	ssyncset.done @!p1 $0x0  }
0x53: {  	s0 =	simm.s32 @!p1 $0x80;
	[sflag:s1] =	ssyncadd.s32 @!p1 $0xFFFFFF00;
	s1 =	simm.s32 @!p1 $0x14000  }
0x54: {  	[tilespmem:s1], [sflag:$0x1] =	stream.indirect.gather @!p1 [hbm4b:s4+s0], $0x80, s11, s0, $0xb8;
	[tilespmem:$0x1C000] =	vst v63  }
0x55: {  	_ =	swait.ge [sflag:s30], $0x4000  }
0x56: {  	s17 =	rddreg [dreg:$0xd]  }
0x57: {  	p2 =	sle.u32 s7, $0x7;
	s0 =	sadd.s32 $0xFFFFFFFF, s17  }
0x58: {  	s12 =	sadd.s32 @!p2 $0xE0, s22;
	[sflag:s30] =	ssyncset.done $0x0;
	p1 =	sne.s32 s0, $0x0  }
.Ltmp0:
0x59: {  	s15 =	rddreg [dreg:$0x8];
	[sflag:s30] =	ssyncadd.s32 $0xFFFFC000;
	(pc) =	sbr.rel @!p1 .LBB2_3-.Ltmp0, $4  }
0x5a: {  	[spmem:s2] =	stream.indirect.scatter.add.f32 [tilespmem:s28], [sflag:$0x7], $0x80, s15, s6, $0xb8;
	[tilespmem:$0x1C000] =	vst v63  }
0x5b: {  	s9 =	simm.s32 @!p2 $0x13F00;
	s13 =	sand.u32 @!p2 $0x1FFFFFE0, s12;
	_ =	swait.ge [sflag:s19], $0x4000  }
0x5c: {  	s12 =	simm.s32 @!p2 $0x0;
	s1 =	simm.s32 $0x4;
	[sflag:s19] =	ssyncset.done $0x0  }
0x5d: {  	s11 =	simm.s32 @!p0 $0x4;
	s17 =	smov.u32 s22;
	[sflag:s19] =	ssyncadd.s32 $0xFFFFC000  }
.LBB2_2:
0x5e: {  	s13 =	sadd.s32 @!p2 s5, s13  }
0x5f: {  	[tilespmem:s9], [sflag:$0x6] =	stream.linear.gather @!p2 [hbm4b:s13+s12], $0x100, $0x38;
	[tilespmem:$0x1C000] =	vst v63  }
0x60: {  	_ =	swait.ge @!p0 [sflag:s11], $0x100  }
0x61: {  	[sflag:s11] =	ssyncset.done @!p0 $0x0  }
0x62: {  	s12 =	simm.s32 @!p0 $0x18000;
	[sflag:s11] =	ssyncadd.s32 @!p0 $0xFFFFFF00;
	s11 =	simm.s32 @!p0 $0x80  }
0x63: {  	[tilespmem:s12], [sflag:$0x2] =	stream.indirect.gather @!p0 [hbm4b:s4+s11], $0x80, s23, s11, $0xb8;
	[tilespmem:$0x1C000] =	vst v63  }
0x64: {  	s9 =	smov.u32 s1;
	s1 =	sadd.s32 $0x4, s1;
	_ =	swait.ge [sflag:s29], $0x4000  }
0x65: {  	s17 =	sadd.s32 $0x80, s17;
	p2 =	sge.u32 s1, s7;
	[sflag:s29] =	ssyncset.done $0x0  }
0x66: {  	s13 =	simm.s32 @!p2 $0x0;
	s14 =	rddreg [dreg:$0x3];
	[sflag:s29] =	ssyncadd.s32 $0xFFFFC000  }
0x67: {  	[spmem:s2] =	stream.indirect.scatter.add.f32 [tilespmem:s25], [sflag:$0x7], $0x80, s14, s6, $0xb8;
	[tilespmem:$0x1C000] =	vst v63  }
0x68: {  	s12 =	sadd.s32 @!p2 $0x80, s17;
	s11 =	simm.s32 @!p2 $0x13C00;
	_ =	swait.ge [sflag:s19], $0x4000  }
0x69: {  	s12 =	sand.u32 @!p2 $0x1FFFFF80, s12;
	[sflag:s19] =	ssyncset.done $0x0;
	s15 =	rddreg [dreg:$0x4]  }
0x6a: {  	s12 =	sadd.s32 @!p2 s5, s12;
	[sflag:s19] =	ssyncadd.s32 $0xFFFFC000;
	p0 =	sge.s32 s9, s15  }
0x6b: {  	[tilespmem:s11], [sflag:$0x3] =	stream.linear.gather @!p2 [hbm4b:s12+s13], $0x100, $0x38;
	[tilespmem:$0x1C000] =	vst v63  }
0x6c: {  	s12 =	simm.s32 @!p0 $0x5  }
0x6d: {  	_ =	swait.ge @!p0 [sflag:s12], $0x100  }
0x6e: {  	s13 =	simm.s32 @!p0 $0x14000;
	[sflag:s12] =	ssyncset.done @!p0 $0x0  }
0x6f: {  	s23 =	simm.s32 @!p0 $0x13E00;
	[sflag:s12] =	ssyncadd.s32 @!p0 $0xFFFFFF00;
	s12 =	simm.s32 @!p0 $0x80  }
0x70: {  	[tilespmem:s13], [sflag:$0x1] =	stream.indirect.gather @!p0 [hbm4b:s4+s12], $0x80, s23, s12, $0xb8;
	[tilespmem:$0x1C000] =	vst v63  }
0x71: {  	s13 =	sadd.s32 $0x5, s9;
	_ =	swait.ge [sflag:s30], $0x4000  }
0x72: {  	p0 =	sge.u32 s13, s7;
	[sflag:s30] =	ssyncset.done $0x0  }
0x73: {  	s14 =	rddreg [dreg:$0x5];
	s12 =	sadd.s32 @!p0 $0xA0, s17;
	[sflag:s30] =	ssyncadd.s32 $0xFFFFC000  }
0x74: {  	[spmem:s2] =	stream.indirect.scatter.add.f32 [tilespmem:s28], [sflag:$0x7], $0x80, s14, s6, $0xb8;
	[tilespmem:$0x1C000] =	vst v63  }
0x75: {  	s13 =	simm.s32 @!p0 $0x0;
	s23 =	simm.s32 @!p0 $0x13D00;
	_ =	swait.ge [sflag:s19], $0x4000  }
0x76: {  	s12 =	sand.u32 @!p0 $0x1FFFFFA0, s12;
	[sflag:s19] =	ssyncset.done $0x0;
	s14 =	rddreg [dreg:$0x6]  }
0x77: {  	s12 =	sadd.s32 @!p0 s5, s12;
	[sflag:s19] =	ssyncadd.s32 $0xFFFFC000;
	p3 =	sge.s32 s9, s14  }
0x78: {  	[tilespmem:s23], [sflag:$0x4] =	stream.linear.gather @!p0 [hbm4b:s12+s13], $0x100, $0x38;
	[tilespmem:$0x1C000] =	vst v63  }
0x79: {  	s12 =	simm.s32 @!p3 $0x6  }
0x7a: {  	_ =	swait.ge @!p3 [sflag:s12], $0x100  }
0x7b: {  	s13 =	simm.s32 @!p3 $0x18000;
	[sflag:s12] =	ssyncset.done @!p3 $0x0  }
0x7c: {  	s14 =	simm.s32 @!p3 $0x13F00;
	[sflag:s12] =	ssyncadd.s32 @!p3 $0xFFFFFF00;
	s12 =	simm.s32 @!p3 $0x80  }
0x7d: {  	[tilespmem:s13], [sflag:$0x2] =	stream.indirect.gather @!p3 [hbm4b:s4+s12], $0x80, s14, s12, $0xb8;
	[tilespmem:$0x1C000] =	vst v63  }
0x7e: {  	_ =	swait.ge [sflag:s29], $0x4000  }
0x7f: {  	s14 =	sadd.s32 $0x6, s9;
	[sflag:s29] =	ssyncset.done $0x0  }
0x80: {  	p3 =	sge.u32 s14, s7;
	s15 =	rddreg [dreg:$0x7];
	[sflag:s29] =	ssyncadd.s32 $0xFFFFC000  }
0x81: {  	[spmem:s2] =	stream.indirect.scatter.add.f32 [tilespmem:s25], [sflag:$0x7], $0x80, s15, s6, $0xb8;
	[tilespmem:$0x1C000] =	vst v63  }
0x82: {  	s13 =	sadd.s32 @!p3 $0xC0, s17;
	s14 =	simm.s32 @!p3 $0x0;
	_ =	swait.ge [sflag:s19], $0x4000  }
0x83: {  	s12 =	sand.u32 @!p3 $0x1FFFFFC0, s13;
	s13 =	simm.s32 @!p2 $0x3;
	[sflag:s19] =	ssyncset.done $0x0  }
0x84: {  	s12 =	sadd.s32 @!p3 s5, s12;
	s15 =	simm.s32 @!p3 $0x13E00;
	[sflag:s19] =	ssyncadd.s32 $0xFFFFC000  }
0x85: {  	[tilespmem:s15], [sflag:$0x5] =	stream.linear.gather @!p3 [hbm4b:s12+s14], $0x100, $0x38;
	[tilespmem:$0x1C000] =	vst v63  }
0x86: {  	_ =	swait.ge @!p2 [sflag:s13], $0x100  }
0x87: {  	[sflag:s13] =	ssyncset.done @!p2 $0x0  }
0x88: {  	s12 =	simm.s32 @!p2 $0x80;
	[sflag:s13] =	ssyncadd.s32 @!p2 $0xFFFFFF00;
	s13 =	simm.s32 @!p2 $0x14000  }
0x89: {  	[tilespmem:s13], [sflag:$0x1] =	stream.indirect.gather @!p2 [hbm4b:s4+s12], $0x80, s11, s12, $0xb8;
	[tilespmem:$0x1C000] =	vst v63  }
0x8a: {  	s0 =	sadd.s32 $0xFFFFFFFF, s0;
	_ =	swait.ge [sflag:s30], $0x4000  }
0x8b: {  	p1 =	sne.s32 s0, $0x0;
	s9 =	sadd.s32 $0x7, s9;
	[sflag:s30] =	ssyncset.done $0x0  }
.Ltmp1:
0x8c: {  	s15 =	rddreg [dreg:$0x8];
	[sflag:s30] =	ssyncadd.s32 $0xFFFFC000;
	(pc) =	sbr.rel @p1 .LBB2_2-.Ltmp1, $4  }
0x8d: {  	[spmem:s2] =	stream.indirect.scatter.add.f32 [tilespmem:s28], [sflag:$0x7], $0x80, s15, s6, $0xb8;
	[tilespmem:$0x1C000] =	vst v63  }
0x8e: {  	p2 =	sge.u32 s9, s7;
	s11 =	simm.s32 @!p0 $0x4;
	_ =	swait.ge [sflag:s19], $0x4000  }
0x8f: {  	s12 =	sadd.s32 @!p2 $0xE0, s17;
	s9 =	simm.s32 @!p2 $0x13F00;
	[sflag:s19] =	ssyncset.done $0x0  }
0x90: {  	s13 =	sand.u32 @!p2 $0x1FFFFFE0, s12;
	s12 =	simm.s32 @!p2 $0x0;
	[sflag:s19] =	ssyncadd.s32 $0xFFFFC000  }
.LBB2_3:
0x91: {  	s0 =	sadd.s32 @!p2 s5, s13  }
0x92: {  	[tilespmem:s9], [sflag:$0x6] =	stream.linear.gather @!p2 [hbm4b:s0+s12], $0x100, $0x38;
	[tilespmem:$0x1C000] =	vst v63  }
0x93: {  	_ =	swait.ge @!p0 [sflag:s11], $0x100  }
0x94: {  	s1 =	simm.s32 @!p0 $0x80;
	[sflag:s11] =	ssyncset.done @!p0 $0x0  }
0x95: {  	s31 =	sadd.s32 $0x1, s31;
	s0 =	simm.s32 @!p0 $0x18000;
	[sflag:s11] =	ssyncadd.s32 @!p0 $0xFFFFFF00  }
0x96: {  	[tilespmem:s0], [sflag:$0x2] =	stream.indirect.gather @!p0 [hbm4b:s4+s1], $0x80, s23, s1, $0xb8;
	[tilespmem:$0x1C000] =	vst v63  }
0x97: {  	p0 =	sne.s32 s31, s16;
	[bflag:$0x0] =	sbarrier.arrive $0xFFFF  }
.Ltmp2:
0x98: {  	s23 =	rddreg [dreg:$0xe];
	(pc) =	sbr.rel @p0 .LBB2_1-.Ltmp2, $4  }
0x99: {  	[hbm:s23], [sflag:s10] =	dma.local [spmem:s18], $0x2780  }
0x9a: {  	_ =	swait.ge [sflag:s19], $0x2780  }
0x9b: {  	[sflag:s19] =	ssyncset.done $0x0  }
0x9c: {  	[sflag:s19] =	ssyncadd.s32 $0xFFFFD880  }
0x9d: {  	_ =	sfence.sel $0x180000  }
0x9e: {  	[bflag:$0x0] =	sbarrier.arrive $0xFFFF  }
0x9f: {  	_ =	strace $0x9000004D  }
0xa0: {  	s0 =	stileid.u32;
	[bflag:$0x2] =	sbarrier.arrive $0xFFFF  }
0xa1: {  	p0 =	sne.s32 s0, $0x0;
	s0 =	rddreg [dreg:$0x2]  }
0xa2: {  	s0 =	sadd.s32 @!p0 $0x100000, s0  }
0xa3: {  	[sflag:s0] =	ssyncadd.tile.s32 @!p0 $0x1;
	_ =	shalt  }
.Lfunc_end2:
_tile_overlayer_lowered:
.L_overlay_start_2:
0xa4: {  	(tag) =	ssettag $0x2  }
0xa5: {  	s0 =	rddreg [dreg:$0x0];
	s2 =	stileid.u32  }
0xa6: {  	s1 =	rddreg [dreg:$0x1];
	p0 =	sne.s32 s2, $0x0  }
0xa7: {  	s3 =	rddreg [dreg:$0x2];
	[bflag:$0x3] =	sbarrier.arrive $0xFFFF;
	s2 =	simm.s32 @!p0 $0x1C07  }
0xa8: {  	[timem:s3], [sflag:s2] =	dma.local @!p0 [hbm:s0], s1  }
0xa9: {  	s0 =	simm.s32 @!p0 $0x7  }
0xaa: {  	_ =	swait.ge @!p0 [sflag:s0], s1  }
0xab: {  	s1 =	ssub.s32 @!p0 $0x0, s1;
	[sflag:s0] =	ssyncset.done @!p0 $0x0  }
0xac: {  	[sflag:s0] =	ssyncadd.s32 @!p0 s1  }
0xad: {  	[bflag:$0x3] =	sbarrier.arrive $0xFFFF  }
0xae: {  	_ =	shalt  }

// kernel: kernel.8.cloned.1.call-start
scs
__scs_entry_jumppad:
0x0: {  	(pc) =	sbr.rel $0x88, $3  }
0x1: {  	(tag) =	ssettag $0x0;
	lr =	simm.s32 $0x1  }
0x2: {  	[smem:$0x3F98] =	sst lr;
	_ =	strace $0xD0000000  }
0x3: {  	_ = 	snop  }
0x4: {  	_ = 	snop  }
0x5: {  	_ = 	snop  }
0x6: {  	_ = 	snop  }
0x7: {  	_ = 	snop  }
__scs_overlays_trampoline_lowered:
0x8: {  	[smem:$0x3FA7] =	sst s0  }
0x9: {  	[smem:$0x3FA8] =	sst s1  }
0xa: {  	[smem:$0x3FA9] =	sst s2  }
0xb: {  	[smem:$0x3FAA] =	sst s3  }
0xc: {  	[smem:$0x3FAB] =	sst s4  }
0xd: {  	[smem:$0x3FAC] =	sst s5  }
0xe: {  	[smem:$0x3FAD] =	sst s6  }
0xf: {  	[smem:$0x3FAE] =	sst s7  }
0x10: {  	[smem:$0x3FAF] =	sst s8  }
0x11: {  	[smem:$0x3FB0] =	sst s9;
	s0 =	simm.s32 @!p0 $0x0  }
0x12: {  	s1 =	sld [smem:$0x3F96];
	s0 =	simm.s32 @p0 $0x1  }
0x13: {  	[smem:$0x3FB1] =	sst s0;
	s0 =	simm.s32 @!p1 $0x0  }
0x14: {  	s2 =	sld [smem:$0x3F95];
	s0 =	simm.s32 @p1 $0x1  }
0x15: {  	[smem:$0x3FB2] =	sst s0;
	s0 =	simm.s32 @!p2 $0x0  }
0x16: {  	s3 =	sld [smem:$0x3FDB];
	s0 =	simm.s32 @p2 $0x1  }
0x17: {  	s4 =	simm.s32 $0x1BF5;
	[smem:$0x3FB4] =	sst s0  }
0x18: {  	s0 =	sld [smem:$0x3F97];
	_ =	swait.ge [sflag:s4], $0x0  }
0x19: {  	s7 =	sld [smem:$0x3F98]  }
0x1a: {  	s8 =	sadd.s32 $0xFFFFE003, lr  }
0x1b: {  	s9 =	sadd.s32 $0xFFFFFEF7, lr;
	s5 =	simm.s32 $0xFFFFFFFF;
	p2 =	slt.u32 s8, $0xFFFFF086  }
0x1c: {  	p1 =	slt.u32 s9, $0xF7A;
	s5 =	simm.s32 @!p2 $0x0  }
0x1d: {  	s5 =	simm.s32 @p1 $0x1;
	p0 =	seq.s32 s7, s2  }
0x1e: {  	s7 =	smul.u32 @!p0 $0xF7A, s2;
	p2 =	seq.s32 @!p0 s5, $0x0  }
0x1f: {  	s9 =	smul.u32 $0xF7A, s1;
	s8 =	simm.s32 @!p0 $0x1BF5;
	p2 =	por !p2, p0  }
0x20: {  	[sflag:s8] =	ssyncset.s32 @!p0 $0xFFFFF086;
	s6 =	sadd.s32 @!p0 s3, s7;
	s7 =	simm.s32 @!p0 $0x108  }
0x21: {  	s3 =	sadd.s32 s3, s9;
	s6 =	sadd.s32 @!p0 $0x88, s6;
	s7 =	simm.s32 @p2 $0x1082  }
0x22: {  	[simem:s7], [sflag:s8] =	dma.local @!p0 [hbm:s6], $0xF7A  }
0x23: {  	s9 =	sor.u32 $0xD0000000, s2;
	s6 =	simm.s32 $0x108;
	_ =	swait.ge @!p0 [sflag:s8], $0x0  }
0x24: {  	s3 =	sadd.s32 $0x88, s3;
	s6 =	simm.s32 @!p1 $0x1082;
	[sflag:s4] =	ssyncset.s32 $0xFFFFF086  }
0x25: {  	[simem:s6], [sflag:s4] =	dma.local [hbm:s3], $0xF7A  }
0x26: {  	[smem:$0x3F98] =	sst s1;
	(tag) =	ssettag s2;
	_ =	strace s9  }
0x27: {  	s1 =	sld [smem:$0x3FA8]  }
0x28: {  	s2 =	sld [smem:$0x3FA9]  }
0x29: {  	s4 =	sld [smem:$0x3FAB]  }
0x2a: {  	p0 =	seq.s32 s5, $0x0;
	s5 =	sld [smem:$0x3FAC]  }
0x2b: {  	s6 =	sld [smem:$0x3FAD]  }
0x2c: {  	s7 =	sld [smem:$0x3FAE]  }
0x2d: {  	s3 =	simm.s32 $0x108;
	s8 =	sld [smem:$0x3FAF]  }
0x2e: {  	s3 =	simm.s32 @!p0 $0x1082;
	s9 =	sld [smem:$0x3FB0]  }
0x2f: {  	lr =	sadd.s32 s0, s3;
	s0 =	sld [smem:$0x3FA7]  }
0x30: {  	s3 =	sld [smem:$0x3FAA]  }
0x31: {  	[smem:$0x3FB3] =	sst s10  }
0x32: {  	s10 =	sld [smem:$0x3FB1];
	_ =	sdelay $0x3  }
0x33: {  	p0 =	seq.s32 s10, $0x1;
	s10 =	sld [smem:$0x3FB3];
	_ =	sdelay $0x3  }
0x34: {  	[smem:$0x3FB3] =	sst s10  }
0x35: {  	s10 =	sld [smem:$0x3FB2];
	_ =	sdelay $0x3  }
0x36: {  	p1 =	seq.s32 s10, $0x1;
	s10 =	sld [smem:$0x3FB3];
	_ =	sdelay $0x3  }
0x37: {  	[smem:$0x3FB3] =	sst s10  }
0x38: {  	s10 =	sld [smem:$0x3FB4]  }
0x39: {  	_ = 	snop;
	(pc) =	sbr.ind lr, $3  }
0x3a: {  	_ = 	snop  }
0x3b: {  	_ = 	snop  }
0x3c: {  	p2 =	seq.s32 s10, $0x1;
	s10 =	sld [smem:$0x3FB3]  }
0x3d: {  	_ =	shalt  }
0x3e: {  	_ =	shalt  }
0x3f: {  	_ =	shalt  }
0x40: {  	_ =	shalt  }
0x41: {  	_ =	shalt  }
0x42: {  	_ =	shalt  }
0x43: {  	_ =	shalt  }
0x44: {  	_ =	shalt  }
0x45: {  	_ =	shalt  }
0x46: {  	_ =	shalt  }
0x47: {  	_ =	shalt  }
0x48: {  	_ =	shalt  }
0x49: {  	_ =	shalt  }
0x4a: {  	_ =	shalt  }
0x4b: {  	_ =	shalt  }
0x4c: {  	_ =	shalt  }
0x4d: {  	_ =	shalt  }
0x4e: {  	_ =	shalt  }
0x4f: {  	_ =	shalt  }
0x50: {  	_ =	shalt  }
0x51: {  	_ =	shalt  }
0x52: {  	_ =	shalt  }
0x53: {  	_ =	shalt  }
0x54: {  	_ =	shalt  }
0x55: {  	_ =	shalt  }
0x56: {  	_ =	shalt  }
0x57: {  	_ =	shalt  }
0x58: {  	_ =	shalt  }
0x59: {  	_ =	shalt  }
0x5a: {  	_ =	shalt  }
0x5b: {  	_ =	shalt  }
0x5c: {  	_ =	shalt  }
0x5d: {  	_ =	shalt  }
0x5e: {  	_ =	shalt  }
0x5f: {  	_ =	shalt  }
0x60: {  	_ =	shalt  }
0x61: {  	_ =	shalt  }
0x62: {  	_ =	shalt  }
0x63: {  	_ =	shalt  }
0x64: {  	_ =	shalt  }
0x65: {  	_ =	shalt  }
0x66: {  	_ =	shalt  }
0x67: {  	_ =	shalt  }
0x68: {  	_ =	shalt  }
0x69: {  	_ =	shalt  }
0x6a: {  	_ =	shalt  }
0x6b: {  	_ =	shalt  }
0x6c: {  	_ =	shalt  }
0x6d: {  	_ =	shalt  }
0x6e: {  	_ =	shalt  }
0x6f: {  	_ =	shalt  }
0x70: {  	_ =	shalt  }
0x71: {  	_ =	shalt  }
0x72: {  	_ =	shalt  }
0x73: {  	_ =	shalt  }
0x74: {  	_ =	shalt  }
0x75: {  	_ =	shalt  }
0x76: {  	_ =	shalt  }
0x77: {  	_ =	shalt  }
0x78: {  	_ =	shalt  }
0x79: {  	_ =	shalt  }
0x7a: {  	_ =	shalt  }
0x7b: {  	_ =	shalt  }
0x7c: {  	_ =	shalt  }
0x7d: {  	_ =	shalt  }
0x7e: {  	_ =	shalt  }
0x7f: {  	_ =	shalt  }
0x80: {  	_ =	shalt  }
0x81: {  	_ =	shalt  }
0x82: {  	_ =	shalt  }
0x83: {  	_ =	shalt  }
0x84: {  	_ =	shalt  }
0x85: {  	_ =	shalt  }
0x86: {  	_ =	shalt  }
0x87: {  	_ =	shalt  }
.Lfunc_end0:
.L_simem_size_0:
called_computation_lowered:
.L_overlay_start_0:
0x88: {  	s2 =	sld [smem:$0x3FD9]  }
0x89: {  	s3 =	sld [smem:$0x3FFE];
	_ =	sdelay $0x1  }
0x8a: {  	s1 =	srdreg.scid  }
0x8b: {  	s0 =	sand.u32 $0x1, s1  }
0x8c: {  	s16 =	sshll.u32 s0, $0xA;
	s2 =	sadd.s32 s3, s2  }
0x8d: {  	s2 =	sadd.s32 s2, s16  }
0x8e: {  	[smem:$0x3FBF] =	sst s2  }
0x8f: {  	_ = 	snop  }
0x90: {  	(tm) =	ssettm $0x1  }
0x91: {  	s17 =	sld [smem:$0x3FFB];
	_ =	sdelay $0x3  }
0x92: {  	_ =	strace s17  }
0x93: {  	s2 =	sld [smem:$0x3FFC];
	_ =	sdelay $0x3  }
0x94: {  	_ =	strace s2  }
0x95: {  	s2 =	sld [smem:$0x3FFD];
	_ =	sdelay $0x3  }
0x96: {  	_ =	strace s2  }
0x97: {  	_ =	strace $0x8FFFFFFF  }
0x98: {  	s18 =	sld [smem:$0x3FDB];
	_ =	sdelay $0x1  }
0x99: {  	s19 =	simm.s32 $_scs_section_size  }
0x9a: {  	s4 =	simm.s32 $_size__tile_overlayer_lowered;
	s5 =	simm.s32 $_tile_overlayer_lowered  }
0x9b: {  	s22 =	simm.s32 $0x1BFF;
	s21 =	sshll.u32 s5, $0x1;
	s2 =	sadd.s32 s19, s18  }
0x9c: {  	s6 =	simm.s32 $0x0;
	s20 =	sshll.u32 s4, $0x1;
	s4 =	sadd.s32 s21, s2  }
0x9d: {  	[timem:s6], [sflag:s22] =	dma.local [hbm:s4], s20  }
0x9e: {  	_ =	swait.ge [sflag:s22], s20  }
0x9f: {  	s3 =	ssub.s32 $0x0, s20;
	[sflag:s22] =	ssyncset.done $0x0  }
0xa0: {  	[sflag:s22] =	ssyncadd.s32 s3;
	_ =	sdelay $0x1  }
0xa1: {  	s23 =	simm.s32 $0x1B8B  }
0xa2: {  	_ =	swait.ge [sflag:s23], $0x1  }
0xa3: {  	[sflag:s23] =	ssyncset.done $0x0  }
0xa4: {  	s25 =	simm.s32 $0x1B8E;
	s24 =	sld [smem:$0x3FFE];
	[sflag:s23] =	ssyncadd.s32 $0xFFFFFFFF  }
0xa5: {  	s26 =	simm.s32 $execute0_lowered;
	[smem:$0x3FD2] =	sst s25  }
0xa6: {  	s4 =	sshll.u32 s26, $0x1;
	_ =	strace $0x80000046;
	[dreg:$0x1] =	wrdreg $0xFFFFFFFF  }
0xa7: {  	s28 =	simm.s32 $_size_execute0_lowered;
	s2 =	sadd.s32 s2, s4;
	[dreg:$0x0] =	wrdreg $0x0  }
0xa8: {  	s4 =	sshll.u32 s28, $0x1;
	[dreg:$0x2] =	wrdreg s2  }
0xa9: {  	[dreg:$0x3] =	wrdreg s4  }
0xaa: {  	[dreg:$0x4] =	wrdreg $0xC0  }
0xab: {  	_ =	task [dreg:s6], $0x5FFFF  }
0xac: {  	[dreg:$0x1] =	wrdreg $0xFFFFFFFF  }
0xad: {  	[dreg:$0x0] =	wrdreg $0x60  }
0xae: {  	[dreg:$0x2] =	wrdreg s24  }
0xaf: {  	[dreg:$0x3] =	wrdreg $0x0  }
0xb0: {  	[dreg:$0x4] =	wrdreg $0x9  }
0xb1: {  	_ =	task.clear_ibuf [dreg:s6], $0x5FFFF;
	_ =	strace $0x90000046  }
0xb2: {  	s29 =	simm.s32 $0x9;
	_ =	strace $0x80000048  }
0xb3: {  	_ =	swait.ge [sflag:s29], $0x1  }
0xb4: {  	[sflag:s29] =	ssyncadd.s32 $0xFFFFFFFF  }
0xb5: {  	_ =	strace $0x90000048  }
0xb6: {  	_ =	sfence  }
0xb7: {  	s30 =	sld [smem:$0x0];
	_ =	sdelay $0x2  }
0xb8: {  	s31 =	sshll.u32 s1, $0xD;
	s1 =	sshrl.u32 s1, $0x2  }
0xb9: {  	s3 =	sand.u32 $0x4000, s31;
	s1 =	sadd.s32 s1, s30  }
0xba: {  	s0 =	sor.u32 s3, s0;
	s1 =	sshll.u32 s1, $0x11  }
0xbb: {  	s0 =	sor.u32 s1, s0  }
0xbc: {  	s0 =	sadd.s32 $0x8F2B, s0  }
0xbd: {  	[sflag:s0] =	ssyncadd.remote.s32 $0x1  }
0xbe: {  	_ =	sfence.sel $0xFFFF  }
0xbf: {  	[dreg:$0x0] =	wrdreg $0xFFFFFFFF;
	(pc) =	sbr.abs _section_cstart, $3  }
0xc0: {  	[dreg:$0x1] =	wrdreg $0xFFFFFFFF  }
0xc1: {  	_ =	task.clear_ibuf [dreg:s6], $0x2FFFF;
	_ =	strace $0x9FFFFFFF  }
0xc2: {  	(tm) =	ssettm $0x7FFFFFFF  }
0xc3: {  	_ =	shalt  }
tec
execute0_lowered:
.L_overlay_start_1:
0x0: {  	(tag) =	ssettag $0x1  }
0x1: {  	s5 =	rddreg [dreg:$0x0]  }
0x2: {  	s0 =	srdreg.scid;
	s2 =	rddreg [dreg:$0x1]  }
0x3: {  	s3 =	simm.s32 $0x0;
	s4 =	sand.u32 $0x1, s0;
	s0 =	stileid.u32  }
0x4: {  	s14 =	simm.s32 $0x80;
	s15 =	simm.s32 $0x0;
	s7 =	smul.u32 $0x13C00, s0  }
0x5: {  	[smem:$0x7FF] =	sst s3;
	s1 =	sshll.u32 s4, $0x4;
	s8 =	smul.u32 $0x13C000, s4  }
0x6: {  	s26 =	ssub.s32 $0x2, s4;
	s28 =	smul.u32 $0x4F000, s0;
	s4 =	sadd.s32 $0x34E00, s5  }
0x7: {  	s31 =	sshll.u32 s0, $0x6;
	s1 =	sor.u32 s0, s1;
	s29 =	sshrl.u32 s26, $0x1  }
0x8: {  	s6 =	smul.u32 $0x500, s1;
	s1 =	rddreg [dreg:$0x2];
	_ =	strace $0x80000047  }
0x9: {  	s9 =	sshrl.u32 s7, $0x3;
	s7 =	sadd.s32 s7, s8;
	s12 =	ssub.s32 s26, s29  }
0xa: {  	s30 =	sshrl.u32 s28, $0x2;
	s25 =	sadd.s32 s9, s5;
	s7 =	sshrl.u32 s7, $0x3  }
0xb: {  	s13 =	sadd.s32 s30, s2;
	s9 =	smax.u32 s12, $0x1;
	s12 =	simm.s32 $0x13C00  }
0xc: {  	s10 =	sadd.s32 s6, s5;
	s11 =	sadd.s32 s7, s5;
	s5 =	sadd.s32 $0xD600, s25  }
0xd: {  	s6 =	sor.u32 $0x1C01, s31;
	s7 =	sadd.s32 $0x3600, s10;
	s8 =	sadd.s32 $0x35600, s11  }
0xe: {  	s10 =	sshrl.u32 s13, $0x3;
	s11 =	simm.s32 $0x1;
	s13 =	simm.s32 $0x16400  }
.LBB2_1:
0xf: {  	[spmem:s10], [sflag:s6] =	dma.local [hbm:s5], $0x2780  }
0x10: {  	_ =	swait.ge [sflag:s11], $0x2780  }
0x11: {  	[sflag:s11] =	ssyncset.done $0x0  }
0x12: {  	[sflag:s11] =	ssyncadd.s32 $0xFFFFD880  }
0x13: {  	[tilespmem:s12], [sflag:$0x1] =	stream.linear.gather [hbm4b:s7+s3], $0x2800, $0x38;
	[tilespmem:$0x1A400] =	vst v63  }
0x14: {  	_ =	swait.ge [sflag:s11], $0x2800  }
0x15: {  	[sflag:s11] =	ssyncset.done $0x0  }
0x16: {  	[sflag:s11] =	ssyncadd.s32 $0xFFFFD800  }
0x17: {  	[tilespmem:s13], [sflag:$0x1] =	stream.linear.gather [hbm4b:s4+s3], $0x4000, $0x38;
	[tilespmem:$0x1A400] =	vst v63  }
0x18: {  	_ =	swait.ge [sflag:s11], $0x4000  }
0x19: {  	[sflag:s11] =	ssyncset.done $0x0  }
0x1a: {  	[sflag:s11] =	ssyncadd.s32 $0xFFFFC000  }
0x1b: {  	s16 =	simm.s32 $0x13C00;
	[bflag:$0x0] =	sbarrier.arrive $0xFFFF  }
0x1c: {  	[spmem:s2] =	stream.indirect.scatter.add.f32 [tilespmem:s13], [sflag:$0x1], $0x80, s16, s14, $0xb8;
	[tilespmem:$0x1A400] =	vst v63  }
0x1d: {  	s16 =	simm.s32 $0x200;
	_ =	swait.ge [sflag:s11], $0x4000  }
.LBB2_2:
0x1e: {  	s17 =	sshra.s32 s16, $0x2;
	[sflag:s11] =	ssyncset.done $0x0;
	p0 =	sne.s32 s16, $0x9E00  }
.Ltmp0:
0x1f: {  	s17 =	sadd.s32 $0x13C00, s17;
	[sflag:s11] =	ssyncadd.s32 $0xFFFFC000;
	(pc) =	sbr.rel @p0 .LBB2_2-.Ltmp0, $3  }
0x20: {  	[spmem:s2] =	stream.indirect.scatter.add.f32 [tilespmem:s13], [sflag:$0x1], $0x80, s17, s14, $0xb8;
	[tilespmem:$0x1A400] =	vst v63  }
0x21: {  	s16 =	sadd.s32 $0x200, s16;
	_ =	sdelay $0x1  }
0x22: {  	_ =	swait.ge [sflag:s11], $0x4000  }
0x23: {  	[sflag:s11] =	ssyncset.done $0x0;
	s15 =	sadd.s32 $0x1, s15  }
0x24: {  	[sflag:s11] =	ssyncadd.s32 $0xFFFFC000;
	p0 =	sne.s32 s15, s9  }
.Ltmp1:
0x25: {  	[bflag:$0x0] =	sbarrier.arrive $0xFFFF;
	(pc) =	sbr.rel @p0 .LBB2_1-.Ltmp1, $4  }
0x26: {  	[hbm:s8], [sflag:s6] =	dma.local [spmem:s10], $0x2780  }
0x27: {  	_ =	swait.ge [sflag:s11], $0x2780  }
0x28: {  	[sflag:s11] =	ssyncset.done $0x0  }
0x29: {  	[sflag:s11] =	ssyncadd.s32 $0xFFFFD880  }
0x2a: {  	_ =	sfence.sel $0x180000  }
0x2b: {  	[bflag:$0x0] =	sbarrier.arrive $0xFFFF  }
0x2c: {  	p0 =	sne.s32 s0, $0x0;
	_ =	strace $0x90000047  }
0x2d: {  	s0 =	sadd.s32 @!p0 $0x100000, s1;
	[bflag:$0x2] =	sbarrier.arrive $0xFFFF  }
0x2e: {  	[sflag:s0] =	ssyncadd.tile.s32 @!p0 $0x1;
	_ =	shalt  }
.Lfunc_end2:
_tile_overlayer_lowered:
.L_overlay_start_2:
0x2f: {  	(tag) =	ssettag $0x2  }
0x30: {  	s0 =	rddreg [dreg:$0x0];
	s2 =	stileid.u32  }
0x31: {  	s1 =	rddreg [dreg:$0x1];
	p0 =	sne.s32 s2, $0x0  }
0x32: {  	s3 =	rddreg [dreg:$0x2];
	[bflag:$0x3] =	sbarrier.arrive $0xFFFF;
	s2 =	simm.s32 @!p0 $0x1C01  }
0x33: {  	[timem:s3], [sflag:s2] =	dma.local @!p0 [hbm:s0], s1  }
0x34: {  	s0 =	simm.s32 @!p0 $0x1  }
0x35: {  	_ =	swait.ge @!p0 [sflag:s0], s1  }
0x36: {  	s1 =	ssub.s32 @!p0 $0x0, s1;
	[sflag:s0] =	ssyncset.done @!p0 $0x0  }
0x37: {  	[sflag:s0] =	ssyncadd.s32 @!p0 s1  }
0x38: {  	[bflag:$0x3] =	sbarrier.arrive $0xFFFF  }
0x39: {  	_ =	shalt  }

</sc_bundles>
